<compile_context>
chip_gen: v7x
topology: tpu7x:2x2x1
jax: 0.10.2.dev20260603
libtpu: 0.0.44.dev20260713+nightly
codegen_flags: <defaults>
</compile_context>

<pallas_src>
import functools

import jax
import jax.numpy as jnp
from jax import lax
from jax.experimental import pallas as pl
from jax.experimental.pallas import tpu as pltpu
from jax.experimental.pallas import tpu_sc as plsc

BATCH = 16384
IN_DIM = 128
EMBED = 64
VOCAB = 1000000

CW = 512
NFULL = VOCAB // CW
TAILW = VOCAB - NFULL * CW
RING = 8
SROWS = BATCH


def _make_sc_sweep():
    info = plsc.get_sparse_core_info()
    NC, NS = info.num_cores, info.num_subcores
    NW = NC * NS
    mesh = plsc.VectorSubcoreMesh(core_axis_name="c", subcore_axis_name="s")
    iota16 = lambda: lax.iota(jnp.int32, 16)

    @functools.partial(
        pl.kernel,
        mesh=mesh,
        out_type=jax.ShapeDtypeStruct((SROWS, 128), jnp.float32),
        compiler_params=pltpu.CompilerParams(needs_layout_passes=False),
        scratch_types=[
            pltpu.VMEM((2048,), jnp.int32),
            pltpu.VMEM((BATCH + 16,), jnp.int32),
            pltpu.VMEM((BATCH + 16,), jnp.int32),
            pltpu.VMEM((EMBED, CW), jnp.float32),
            pltpu.VMEM((EMBED, CW), jnp.float32),
            pltpu.VMEM((48,), jnp.int32),
            pltpu.VMEM((48,), jnp.int32),
            pltpu.VMEM((RING, 16, 128), jnp.float32),
            pltpu.VMEM((RING, 16), jnp.int32),
            pltpu.VMEM((EMBED, TAILW), jnp.float32),
            pltpu.SemaphoreType.DMA,
            pltpu.SemaphoreType.DMA,
        ],
    )
    def sweep_kernel(tabT_hbm, tailT_hbm, idx_hbm, out_hbm, idx_v, ci_v,
                     cb_v, ch0_v, ch1_v, hr_v, hb_v, rg_v, bt_v, tail_v,
                     csem, ssem):
        wid = lax.axis_index("s") * NC + lax.axis_index("c")

        def scan_outer(ob, off):
            pltpu.sync_copy(idx_hbm.at[pl.ds(ob * 2048, 2048)], idx_v)

            def scan_body(i, off):
                iv = idx_v[pl.ds(i * 16, 16)]
                m = ((iv >> 9) & (NW - 1)) == wid
                key = jnp.where(m, iota16(), iota16() + 16)
                _, iv_c = plsc.sort_key_val(key, iv)
                ci_v[pl.ds(off, 16)] = iv_c
                bv = ob * 2048 + i * 16 + iota16()
                _, bv_c = plsc.sort_key_val(key, bv)
                cb_v[pl.ds(off, 16)] = bv_c
                return off + plsc.all_reduce_population_count(m)[0]

            return lax.fori_loop(0, 128, scan_body, off)

        ncand = lax.fori_loop(0, BATCH // 2048, scan_outer, 0)

        def emit(chunk_ref, hoff, ring, nfl):
            @pl.when(nfl >= RING)
            def _():
                pltpu.make_async_copy(
                    rg_v.at[0], out_hbm.at[bt_v.at[0]], ssem).wait()

            hv = hr_v[pl.ds(0, 16)]
            hbv = hb_v[pl.ds(0, 16)]
            valid = iota16() < hoff
            hv = jnp.where(valid, hv, jnp.broadcast_to(hv[0], (16,)))
            bvec = jnp.where(valid, hbv, jnp.broadcast_to(hbv[0], (16,)))
            bt_v[ring, :] = bvec

            def dgather(d, carry):
                vals = plsc.load_gather(
                    chunk_ref, [jnp.broadcast_to(d, (16,)), hv])
                plsc.store_scatter(
                    rg_v, [jnp.broadcast_to(ring, (16,)), iota16(),
                           jnp.broadcast_to(d, (16,))], vals)
                return carry

            lax.fori_loop(0, EMBED, dgather, 0)

            pltpu.async_copy(rg_v.at[ring], out_hbm.at[bt_v.at[ring]], ssem)

            hr_v[pl.ds(0, 16)] = hr_v[pl.ds(16, 16)]
            hb_v[pl.ds(0, 16)] = hb_v[pl.ds(16, 16)]
            return (jnp.maximum(hoff - 16, 0), (ring + 1) & (RING - 1),
                    jnp.minimum(nfl + 1, RING))

        def process(chunk_ref, c, ring, nfl):
            def cscan(v, carry):
                hoff, ring, nfl = carry
                cv = ci_v[pl.ds(v * 16, 16)]
                bv = cb_v[pl.ds(v * 16, 16)]
                inb = (v * 16 + iota16()) < ncand
                m = ((cv >> 9) == c) & inb
                key = jnp.where(m, iota16(), iota16() + 16)
                _, rv_c = plsc.sort_key_val(key, cv & (CW - 1))
                hr_v[pl.ds(hoff, 16)] = rv_c
                _, bv_c = plsc.sort_key_val(key, bv)
                hb_v[pl.ds(hoff, 16)] = bv_c
                hoff = hoff + plsc.all_reduce_population_count(m)[0]

                def flush(carry):
                    return emit(chunk_ref, *carry)

                hoff, ring, nfl = lax.cond(
                    hoff >= 16, flush, lambda carry: carry,
                    (hoff, ring, nfl))
                return (hoff, ring, nfl)

            nv = (ncand + 15) >> 4
            hoff, ring, nfl = lax.fori_loop(0, nv, cscan, (0, ring, nfl))

            def flush2(carry):
                return emit(chunk_ref, *carry)

            hoff, ring, nfl = lax.cond(
                hoff > 0, flush2, lambda carry: carry, (hoff, ring, nfl))
            return ring, nfl

        nt = (NFULL - wid + NW - 1) // NW

        def issue(t, buf_ref):
            c = wid + t * NW
            pltpu.async_copy(
                tabT_hbm.at[:, pl.ds(c * CW, CW)], buf_ref, csem)

        def wait_chunk():
            pltpu.make_async_copy(
                tabT_hbm.at[:, pl.ds(0, CW)], ch0_v, csem).wait()

        @pl.when(nt > 0)
        def _():
            issue(0, ch0_v)

        @pl.when(nt > 1)
        def _():
            issue(1, ch1_v)

        def pair_body(t2, carry):
            ring, nfl = carry
            for k, cur in enumerate((ch0_v, ch1_v)):
                t = t2 * 2 + k

                @pl.when(t < nt)
                def _():
                    wait_chunk()

                def do_proc(carry):
                    ring, nfl = carry
                    return process(cur, wid + t * NW, ring, nfl)

                ring, nfl = lax.cond(
                    t < nt, do_proc, lambda carry: carry, (ring, nfl))

                @pl.when(t + 2 < nt)
                def _():
                    issue(t + 2, cur)
            return (ring, nfl)

        ring, nfl = lax.fori_loop(0, (nt + 1) // 2, pair_body, (0, 0))

        @pl.when(wid == (NFULL % NW))
        def _():
            pltpu.sync_copy(tailT_hbm, tail_v)

        tail_ring, tail_nfl = lax.cond(
            wid == (NFULL % NW),
            lambda carry: process(tail_v, NFULL, *carry),
            lambda carry: carry, (ring, nfl))

        def drain_body(i, carry):
            pltpu.make_async_copy(
                rg_v.at[0], out_hbm.at[bt_v.at[0]], ssem).wait()
            return carry

        lax.fori_loop(0, tail_nfl, drain_body, 0)

    return sweep_kernel


def _tc_paper_body(pf_ref, wp_ref, opT_ref):
    opT_ref[...] = lax.dot_general(
        wp_ref[...], pf_ref[...], (((0,), (1,)), ((), ())),
        preferred_element_type=jnp.float32)


def _tc_author_body(ga_ref, wa_ref, oaT_ref):
    ne = ga_ref[...][:, :EMBED]
    oaT_ref[...] = lax.dot_general(
        wa_ref[...], ne, (((0,), (1,)), ((), ())),
        preferred_element_type=jnp.float32)


@jax.jit
def kernel(paper_feats, paper_nodes, author_nodes, W_paper_proj,
           author_embed_table, W_author_proj):
    tabT = jnp.transpose(author_embed_table)
    tailT = jnp.transpose(author_embed_table[NFULL * CW:])
    idx32 = author_nodes.astype(jnp.int32)
    gathered = _make_sc_sweep()(tabT, tailT, idx32)

    BLK = 2048
    nb = BATCH // BLK
    opT = pl.pallas_call(
        _tc_paper_body,
        grid=(nb,),
        in_specs=[
            pl.BlockSpec((BLK, IN_DIM), lambda i: (i, 0)),
            pl.BlockSpec((IN_DIM, EMBED), lambda i: (0, 0)),
        ],
        out_specs=pl.BlockSpec((EMBED, BLK), lambda i: (0, i)),
        out_shape=jax.ShapeDtypeStruct((EMBED, BATCH), jnp.float32),
    )(paper_feats, W_paper_proj)
    oaT = pl.pallas_call(
        _tc_author_body,
        grid=(nb,),
        in_specs=[
            pl.BlockSpec((BLK, 128), lambda i: (i, 0)),
            pl.BlockSpec((EMBED, EMBED), lambda i: (0, 0)),
        ],
        out_specs=pl.BlockSpec((EMBED, BLK), lambda i: (0, i)),
        out_shape=jax.ShapeDtypeStruct((EMBED, BATCH), jnp.float32),
    )(gathered, W_author_proj)
    return (jnp.transpose(opT), jnp.transpose(oaT))

# --- scband reference (transcript-rebuilt; emitter-appended) ---
"""Pipeline reference for scband-rel-graph-embed-4861902979423 (READ-ONLY COPY).

The authoritative reference and input builder live on the scoring server;
editing this copy changes nothing except your own understanding.
"""

import jax, jax.numpy as jnp
import numpy as np

BATCH = 16384
IN_DIM = 128
EMBED = 64
VOCAB = 1000000

def setup_inputs(seed: int = 0) -> dict:
    key = jax.random.key(seed)
    k1, k2, k3, k4, k5, k6 = jax.random.split(key, 6)
    paper_feats = jax.random.normal(k1, (BATCH, IN_DIM), dtype=jnp.float32)
    paper_nodes = jax.random.randint(k2, (BATCH,), 0, VOCAB, dtype=jnp.int64 if jax.config.jax_enable_x64 else jnp.int32)
    author_nodes = jax.random.randint(k3, (BATCH,), 0, VOCAB, dtype=jnp.int64 if jax.config.jax_enable_x64 else jnp.int32)
    # learned params (xavier-uniform-like scaling)
    gain = float(np.sqrt(2.0))
    lim_p = gain * np.sqrt(6.0 / (IN_DIM + EMBED))
    W_paper_proj = jax.random.uniform(k4, (IN_DIM, EMBED), dtype=jnp.float32, minval=-lim_p, maxval=lim_p)
    author_embed_table = jax.random.normal(k5, (VOCAB, EMBED), dtype=jnp.float32)
    lim_a = gain * np.sqrt(6.0 / (EMBED + EMBED))
    W_author_proj = jax.random.uniform(k6, (EMBED, EMBED), dtype=jnp.float32, minval=-lim_a, maxval=lim_a)
    return {
        'paper_feats': paper_feats,
        'paper_nodes': paper_nodes,
        'author_nodes': author_nodes,
        'W_paper_proj': W_paper_proj,
        'author_embed_table': author_embed_table,
        'W_author_proj': W_author_proj,
    }

def reference(paper_feats, paper_nodes, author_nodes, W_paper_proj, author_embed_table, W_author_proj):
    # RelGraphEmbed.forward with ntypes {'paper': has features, 'author': learnable embedding}
    # activation=None, dropout=0.0 (eval), use_node_embeddings=False, num_ffn_layers_in_input=0
    # 'paper': input feature projection
    emb_paper = jnp.matmul(paper_feats.astype(jnp.float32), W_paper_proj)
    # 'author': sparse embedding lookup followed by dense projection
    node_emb = jnp.take(author_embed_table, author_nodes, axis=0)
    emb_author = jnp.matmul(node_emb, W_author_proj)
    return (emb_paper, emb_author)

if __name__ == "__main__":
    import jax
    _d = setup_inputs()
    print(jax.jit(kernel)(*tuple(_d.values())))

</pallas_src>

<mosaic_0001>
#map = affine_map<(d0, d1) -> (0, 0)>
#map1 = affine_map<(d0, d1) -> (0)>
module attributes {stable_mosaic.version = 14 : i64} {
  func.func @sweep_kernel(%arg0: i32, %arg1: i32, %arg2: memref<64x1000000xf32, #tpu.memory_space<hbm>>, %arg3: memref<64x64xf32, #tpu.memory_space<hbm>>, %arg4: memref<16384xi32, #tpu.memory_space<hbm>>, %arg5: memref<16384x128xf32, #tpu.memory_space<hbm>>, %arg6: memref<2048xi32, #tpu.memory_space<vmem>>, %arg7: memref<16400xi32, #tpu.memory_space<vmem>>, %arg8: memref<16400xi32, #tpu.memory_space<vmem>>, %arg9: memref<64x512xf32, #tpu.memory_space<vmem>>, %arg10: memref<64x512xf32, #tpu.memory_space<vmem>>, %arg11: memref<48xi32, #tpu.memory_space<vmem>>, %arg12: memref<48xi32, #tpu.memory_space<vmem>>, %arg13: memref<8x16x128xf32, #tpu.memory_space<vmem>>, %arg14: memref<8x16xi32, #tpu.memory_space<vmem>>, %arg15: memref<64x64xf32, #tpu.memory_space<vmem>>, %arg16: memref<!tpu.dma_semaphore, #tpu.memory_space<semaphore_mem>>, %arg17: memref<!tpu.dma_semaphore, #tpu.memory_space<semaphore_mem>>) attributes {dimension_semantics = [#tpu.dimension_semantics<core_parallel>, #tpu.dimension_semantics<subcore_parallel>], iteration_bounds = array<i64: 2, 16>, scalar_prefetch = 0 : i64, scratch_operands = 12 : i64, tpu.core_type = #tpu.core_type<sc_vector_subcore>, window_params = [{transform_indices = #map}, {transform_indices = #map}, {transform_indices = #map1}, {transform_indices = #map}]} {
    %mul3A = arith.constant 2 : i32
    %mul3A_0 = arith.muli %arg1, %mul3A : i32
    %add3A = arith.addi %mul3A_0, %arg0 : i32
    %scan3A = arith.constant 0 : i32
    %scan3A_1 = arith.constant 0 : i32
    %scan3A_2 = arith.constant 8 : i32
    %scan3A_3 = arith.addi %scan3A_1, %scan3A_2 : i32
    %scan3A_4 = arith.constant 1 : i32
    %scan3A_5 = scf.for %scan3A_94 = %scan3A_1 to %scan3A_3 step %scan3A_4 iter_args(%scan3A_95 = %scan3A) -> (i32)  : i32 {
      %mul3A_96 = arith.constant 2048 : i32
      %mul3A_97 = arith.muli %scan3A_94, %mul3A_96 : i32
      "tpu.region"() ({
        %run_scoped3A = tpu.sem_alloc : memref<!tpu.dma_semaphore, #tpu.memory_space<semaphore_mem>>
        %dma_start3A = tpu.memref_slice %arg4[%mul3A_97] : memref<16384xi32, #tpu.memory_space<hbm>> -> memref<2048xi32, #tpu.memory_space<hbm>>
        %dma_start3A_104 = tpu.memref_slice %arg4[%mul3A_97] : memref<16384xi32, #tpu.memory_space<hbm>> -> memref<2048xi32, #tpu.memory_space<hbm>>
        tpu.enqueue_dma source(%dma_start3A_104 : memref<2048xi32, #tpu.memory_space<hbm>>) target(%arg6 : memref<2048xi32, #tpu.memory_space<vmem>>) target_semaphore(%run_scoped3A : memref<!tpu.dma_semaphore, #tpu.memory_space<semaphore_mem>>)
        %dma_wait3A = tpu.memref_slice %arg4[%mul3A_97] : memref<16384xi32, #tpu.memory_space<hbm>> -> memref<2048xi32, #tpu.memory_space<hbm>>
        %dma_wait3A_105 = tpu.memref_slice %arg4[%mul3A_97] : memref<16384xi32, #tpu.memory_space<hbm>> -> memref<2048xi32, #tpu.memory_space<hbm>>
        tpu.wait_dma2 semaphore(%run_scoped3A : memref<!tpu.dma_semaphore, #tpu.memory_space<semaphore_mem>>) src(%dma_wait3A_105 : memref<2048xi32, #tpu.memory_space<hbm>>) dst(%arg6 : memref<2048xi32, #tpu.memory_space<vmem>>)
        tpu.yield
      }) : () -> ()
      %scan3A_98 = arith.constant 0 : i32
      %scan3A_99 = arith.constant 128 : i32
      %scan3A_100 = arith.addi %scan3A_98, %scan3A_99 : i32
      %scan3A_101 = arith.constant 1 : i32
      %scan3A_102 = scf.for %scan3A_104 = %scan3A_98 to %scan3A_100 step %scan3A_101 iter_args(%scan3A_105 = %scan3A_95) -> (i32)  : i32 {
        %mul3A_106 = arith.constant 16 : i32
        %mul3A_107 = arith.muli %scan3A_104, %mul3A_106 : i32
        %get3A = arith.index_cast %mul3A_107 : i32 to index
        %get3A_108 = tpu.vector_load %arg6[%get3A] {strides = array<i32>} : memref<2048xi32, #tpu.memory_space<vmem>>, vector<16xi32>,
        %shift_right_arithmetic3A = arith.constant 9 : i32
        %shift_right_arithmetic3A_109 = vector.broadcast %shift_right_arithmetic3A : i32 to vector<16xi32>
        %shift_right_arithmetic3A_110 = arith.shrsi %get3A_108, %shift_right_arithmetic3A_109 : vector<16xi32>
        %and3A_111 = arith.constant 31 : i32
        %and3A_112 = vector.broadcast %and3A_111 : i32 to vector<16xi32>
        %and3A_113 = arith.andi %shift_right_arithmetic3A_110, %and3A_112 : vector<16xi32>
        %eq3A_114 = vector.broadcast %add3A : i32 to vector<16xi32>
        %eq3A_115 = arith.cmpi eq, %and3A_113, %eq3A_114 : vector<16xi32>
        %iota3A = tpu.iota {dimensions = array<i32: 0>} : vector<16xi32>
        %iota3A_116 = tpu.iota {dimensions = array<i32: 0>} : vector<16xi32>
        %add3A_117 = arith.constant 16 : i32
        %add3A_118 = vector.broadcast %add3A_117 : i32 to vector<16xi32>
        %add3A_119 = arith.addi %iota3A_116, %add3A_118 : vector<16xi32>
        %select_n3A_120 = arith.select %eq3A_115, %iota3A, %add3A_119 : vector<16xi1>, vector<16xi32>
        %masked_sort3A = arith.constant dense<true> : vector<16xi1>
        %masked_sort3A_121 = arith.constant -2147483648 : i32
        %masked_sort3A_122 = vector.broadcast %masked_sort3A_121 : i32 to vector<16xi32>
        %masked_sort3A_123 = arith.xori %select_n3A_120, %masked_sort3A_122 : vector<16xi32>
        %masked_sort3A_124, %masked_sort3A_125, %masked_sort3A_126 = tpu.sort %masked_sort3A_123, %get3A_108 masked %masked_sort3A : (vector<16xi32>, vector<16xi32>, vector<16xi1>) -> (vector<16xi1>, vector<16xi32>, vector<16xi32>)
        %masked_sort3A_127 = arith.xori %masked_sort3A_125, %masked_sort3A_122 : vector<16xi32>
        %swap3A = arith.index_cast %scan3A_105 : i32 to index
        %swap3A_128 = tpu.vector_load %arg7[%swap3A] {strides = array<i32>} : memref<16400xi32, #tpu.memory_space<vmem>>, vector<16xi32>,
        tpu.vector_store %arg7[%swap3A], %masked_sort3A_126 {strides = array<i32>} : memref<16400xi32, #tpu.memory_space<vmem>>, vector<16xi32>,
        %mul3A_129 = arith.constant 2048 : i32
        %mul3A_130 = arith.muli %scan3A_94, %mul3A_129 : i32
        %mul3A_131 = arith.constant 16 : i32
        %mul3A_132 = arith.muli %scan3A_104, %mul3A_131 : i32
        %add3A_133 = arith.addi %mul3A_130, %mul3A_132 : i32
        %iota3A_134 = tpu.iota {dimensions = array<i32: 0>} : vector<16xi32>
        %add3A_135 = vector.broadcast %add3A_133 : i32 to vector<16xi32>
        %add3A_136 = arith.addi %add3A_135, %iota3A_134 : vector<16xi32>
        %masked_sort3A_137 = arith.constant dense<true> : vector<16xi1>
        %masked_sort3A_138 = arith.constant -2147483648 : i32
        %masked_sort3A_139 = vector.broadcast %masked_sort3A_138 : i32 to vector<16xi32>
        %masked_sort3A_140 = arith.xori %select_n3A_120, %masked_sort3A_139 : vector<16xi32>
        %masked_sort3A_141, %masked_sort3A_142, %masked_sort3A_143 = tpu.sort %masked_sort3A_140, %add3A_136 masked %masked_sort3A_137 : (vector<16xi32>, vector<16xi32>, vector<16xi1>) -> (vector<16xi1>, vector<16xi32>, vector<16xi32>)
        %masked_sort3A_144 = arith.xori %masked_sort3A_142, %masked_sort3A_139 : vector<16xi32>
        %swap3A_145 = arith.index_cast %scan3A_105 : i32 to index
        %swap3A_146 = tpu.vector_load %arg8[%swap3A_145] {strides = array<i32>} : memref<16400xi32, #tpu.memory_space<vmem>>, vector<16xi32>,
        tpu.vector_store %arg8[%swap3A_145], %masked_sort3A_143 {strides = array<i32>} : memref<16400xi32, #tpu.memory_space<vmem>>, vector<16xi32>,
        %all_reduce_population_count3A = tpu.all_reduce %eq3A_115 {dim = 0 : i64, kind = #tpu.reduction_kind<sum>} : vector<16xi1> -> vector<16xi32>
        %slice3A = vector.extract_strided_slice %all_reduce_population_count3A {offsets = [0], sizes = [1], strides = [1]} : vector<16xi32> to vector<1xi32>
        %squeeze3A = vector.extract %slice3A[0] : i32 from vector<1xi32>
        %add3A_147 = arith.addi %scan3A_105, %squeeze3A : i32
        scf.yield %add3A_147 : i32
      }
      %scan3A_103 = arith.constant 128 : i32
      scf.yield %scan3A_102 : i32
    }
    %scan3A_6 = arith.constant 8 : i32
    %sub3A = arith.constant 1953 : i32
    %sub3A_7 = arith.subi %sub3A, %add3A : i32
    %add3A_8 = arith.constant 32 : i32
    %add3A_9 = arith.addi %sub3A_7, %add3A_8 : i32
    %sub3A_10 = arith.constant 1 : i32
    %sub3A_11 = arith.subi %add3A_9, %sub3A_10 : i32
    %jit3A = arith.constant 32 : i32
    %div3A = arith.divsi %sub3A_11, %jit3A : i32
    %sign3A = arith.constant 0 : i32
    %sign3A_12 = arith.cmpi sgt, %sub3A_11, %sign3A : i32
    %sign3A_13 = arith.extui %sign3A_12 : i1 to i32
    %sign3A_14 = arith.constant 0 : i32
    %sign3A_15 = arith.cmpi slt, %sub3A_11, %sign3A_14 : i32
    %sign3A_16 = arith.extui %sign3A_15 : i1 to i32
    %sign3A_17 = arith.subi %sign3A_13, %sign3A_16 : i32
    %sign3A_18 = arith.constant 0 : i32
    %sign3A_19 = arith.cmpi sgt, %jit3A, %sign3A_18 : i32
    %sign3A_20 = arith.extui %sign3A_19 : i1 to i32
    %sign3A_21 = arith.constant 0 : i32
    %sign3A_22 = arith.cmpi slt, %jit3A, %sign3A_21 : i32
    %sign3A_23 = arith.extui %sign3A_22 : i1 to i32
    %sign3A_24 = arith.subi %sign3A_20, %sign3A_23 : i32
    %ne3A = arith.cmpi ne, %sign3A_17, %sign3A_24 : i32
    %rem3A = arith.remsi %sub3A_11, %jit3A : i32
    %ne3A_25 = arith.constant 0 : i32
    %ne3A_26 = arith.cmpi ne, %rem3A, %ne3A_25 : i32
    %and3A = arith.andi %ne3A, %ne3A_26 : i1
    %sub3A_27 = arith.constant 1 : i32
    %sub3A_28 = arith.subi %div3A, %sub3A_27 : i32
    %select_n3A = arith.select %and3A, %sub3A_28, %div3A : i32
    %gt3A = arith.constant 0 : i32
    %gt3A_29 = arith.cmpi sgt, %select_n3A, %gt3A : i32
    %convert_element_type3A = arith.extui %gt3A_29 : i1 to i32
    %cond3A = arith.constant 0 : i32
    %cond3A_30 = arith.cmpi ne, %convert_element_type3A, %cond3A : i32
    scf.if %cond3A_30 {
      %add3A_94 = arith.constant 0 : i32
      %add3A_95 = arith.addi %add3A, %add3A_94 : i32
      %mul3A_96 = arith.constant 512 : i32
      %mul3A_97 = arith.muli %add3A_95, %mul3A_96 : i32
      %dma_start3A = arith.constant 0 : i32
      %dma_start3A_98 = tpu.memref_slice %arg2[%dma_start3A, %mul3A_97] : memref<64x1000000xf32, #tpu.memory_space<hbm>> -> memref<64x512xf32, #tpu.memory_space<hbm>>
      %dma_start3A_99 = arith.constant 0 : i32
      %dma_start3A_100 = tpu.memref_slice %arg2[%dma_start3A_99, %mul3A_97] : memref<64x1000000xf32, #tpu.memory_space<hbm>> -> memref<64x512xf32, #tpu.memory_space<hbm>>
      tpu.enqueue_dma source(%dma_start3A_100 : memref<64x512xf32, #tpu.memory_space<hbm>>) target(%arg9 : memref<64x512xf32, #tpu.memory_space<vmem>>) target_semaphore(%arg16 : memref<!tpu.dma_semaphore, #tpu.memory_space<semaphore_mem>>)
    } else {
    }
    %gt3A_31 = arith.constant 1 : i32
    %gt3A_32 = arith.cmpi sgt, %select_n3A, %gt3A_31 : i32
    %convert_element_type3A_33 = arith.extui %gt3A_32 : i1 to i32
    %cond3A_34 = arith.constant 0 : i32
    %cond3A_35 = arith.cmpi ne, %convert_element_type3A_33, %cond3A_34 : i32
    scf.if %cond3A_35 {
      %add3A_94 = arith.constant 32 : i32
      %add3A_95 = arith.addi %add3A, %add3A_94 : i32
      %mul3A_96 = arith.constant 512 : i32
      %mul3A_97 = arith.muli %add3A_95, %mul3A_96 : i32
      %dma_start3A = arith.constant 0 : i32
      %dma_start3A_98 = tpu.memref_slice %arg2[%dma_start3A, %mul3A_97] : memref<64x1000000xf32, #tpu.memory_space<hbm>> -> memref<64x512xf32, #tpu.memory_space<hbm>>
      %dma_start3A_99 = arith.constant 0 : i32
      %dma_start3A_100 = tpu.memref_slice %arg2[%dma_start3A_99, %mul3A_97] : memref<64x1000000xf32, #tpu.memory_space<hbm>> -> memref<64x512xf32, #tpu.memory_space<hbm>>
      tpu.enqueue_dma source(%dma_start3A_100 : memref<64x512xf32, #tpu.memory_space<hbm>>) target(%arg10 : memref<64x512xf32, #tpu.memory_space<vmem>>) target_semaphore(%arg16 : memref<!tpu.dma_semaphore, #tpu.memory_space<semaphore_mem>>)
    } else {
    }
    %add3A_36 = arith.constant 1 : i32
    %add3A_37 = arith.addi %select_n3A, %add3A_36 : i32
    %jit3A_38 = arith.constant 2 : i32
    %div3A_39 = arith.divsi %add3A_37, %jit3A_38 : i32
    %sign3A_40 = arith.constant 0 : i32
    %sign3A_41 = arith.cmpi sgt, %add3A_37, %sign3A_40 : i32
    %sign3A_42 = arith.extui %sign3A_41 : i1 to i32
    %sign3A_43 = arith.constant 0 : i32
    %sign3A_44 = arith.cmpi slt, %add3A_37, %sign3A_43 : i32
    %sign3A_45 = arith.extui %sign3A_44 : i1 to i32
    %sign3A_46 = arith.subi %sign3A_42, %sign3A_45 : i32
    %sign3A_47 = arith.constant 0 : i32
    %sign3A_48 = arith.cmpi sgt, %jit3A_38, %sign3A_47 : i32
    %sign3A_49 = arith.extui %sign3A_48 : i1 to i32
    %sign3A_50 = arith.constant 0 : i32
    %sign3A_51 = arith.cmpi slt, %jit3A_38, %sign3A_50 : i32
    %sign3A_52 = arith.extui %sign3A_51 : i1 to i32
    %sign3A_53 = arith.subi %sign3A_49, %sign3A_52 : i32
    %ne3A_54 = arith.cmpi ne, %sign3A_46, %sign3A_53 : i32
    %rem3A_55 = arith.remsi %add3A_37, %jit3A_38 : i32
    %ne3A_56 = arith.constant 0 : i32
    %ne3A_57 = arith.cmpi ne, %rem3A_55, %ne3A_56 : i32
    %and3A_58 = arith.andi %ne3A_54, %ne3A_57 : i1
    %sub3A_59 = arith.constant 1 : i32
    %sub3A_60 = arith.subi %div3A_39, %sub3A_59 : i32
    %select_n3A_61 = arith.select %and3A_58, %sub3A_60, %div3A_39 : i32
    %while3A = arith.constant 0 : i32
    %while3A_62 = arith.constant 0 : i32
    %while3A_63 = arith.constant 0 : i32
    %while3A_64 = arith.subi %select_n3A_61, %while3A : i32
    %while3A_65 = arith.addi %while3A, %while3A_64 : i32
    %while3A_66 = arith.constant 1 : i32
    %while3A_67 = arith.divsi %while3A_64, %while3A_66 : i32
    %while3A_68 = arith.muli %while3A_67, %while3A_66 : i32
    %while3A_69 = arith.addi %while3A, %while3A_68 : i32
    %while3A_70 = arith.constant 1 : i32
    %while3A_71:2 = scf.for %while3A_94 = %while3A to %while3A_69 step %while3A_70 iter_args(%while3A_95 = %while3A_62, %while3A_96 = %while3A_63) -> (i32, i32)  : i32 {
      %mul3A_97 = arith.constant 2 : i32
      %mul3A_98 = arith.muli %while3A_94, %mul3A_97 : i32
      %add3A_99 = arith.constant 0 : i32
      %add3A_100 = arith.addi %mul3A_98, %add3A_99 : i32
      %lt3A = arith.cmpi slt, %add3A_100, %select_n3A : i32
      %convert_element_type3A_101 = arith.extui %lt3A : i1 to i32
      %cond3A_102 = arith.constant 0 : i32
      %cond3A_103 = arith.cmpi ne, %convert_element_type3A_101, %cond3A_102 : i32
      scf.if %cond3A_103 {
        %dma_wait3A = arith.constant 0 : i32
        %dma_wait3A_134 = arith.constant 0 : i32
        %dma_wait3A_135 = tpu.memref_slice %arg2[%dma_wait3A, %dma_wait3A_134] : memref<64x1000000xf32, #tpu.memory_space<hbm>> -> memref<64x512xf32, #tpu.memory_space<hbm>>
        %dma_wait3A_136 = arith.constant 0 : i32
        %dma_wait3A_137 = arith.constant 0 : i32
        %dma_wait3A_138 = tpu.memref_slice %arg2[%dma_wait3A_136, %dma_wait3A_137] : memref<64x1000000xf32, #tpu.memory_space<hbm>> -> memref<64x512xf32, #tpu.memory_space<hbm>>
        tpu.wait_dma2 semaphore(%arg16 : memref<!tpu.dma_semaphore, #tpu.memory_space<semaphore_mem>>) src(%dma_wait3A_138 : memref<64x512xf32, #tpu.memory_space<hbm>>) dst(%arg9 : memref<64x512xf32, #tpu.memory_space<vmem>>)
      } else {
      }
      %lt3A_104 = arith.cmpi slt, %add3A_100, %select_n3A : i32
      %convert_element_type3A_105 = arith.extui %lt3A_104 : i1 to i32
      %cond3A_106 = arith.constant 0 : i32
      %cond3A_107 = arith.cmpi ne, %convert_element_type3A_105, %cond3A_106 : i32
      %cond3A_108:2 = scf.if %cond3A_107 -> (i32, i32) {
        %mul3A_134 = arith.constant 32 : i32
        %mul3A_135 = arith.muli %add3A_100, %mul3A_134 : i32
        %add3A_136 = arith.addi %add3A, %mul3A_135 : i32
        %add3A_137 = arith.constant 15 : i32
        %add3A_138 = arith.addi %scan3A_5, %add3A_137 : i32
        %shift_right_arithmetic3A = arith.constant 4 : i32
        %shift_right_arithmetic3A_139 = arith.shrsi %add3A_138, %shift_right_arithmetic3A : i32
        %while3A_140 = arith.constant 0 : i32
        %while3A_141 = arith.constant 0 : i32
        %while3A_142 = arith.subi %shift_right_arithmetic3A_139, %while3A_140 : i32
        %while3A_143 = arith.addi %while3A_140, %while3A_142 : i32
        %while3A_144 = arith.constant 1 : i32
        %while3A_145 = arith.divsi %while3A_142, %while3A_144 : i32
        %while3A_146 = arith.muli %while3A_145, %while3A_144 : i32
        %while3A_147 = arith.addi %while3A_140, %while3A_146 : i32
        %while3A_148 = arith.constant 1 : i32
        %while3A_149:3 = scf.for %while3A_158 = %while3A_140 to %while3A_147 step %while3A_148 iter_args(%while3A_159 = %while3A_141, %while3A_160 = %while3A_95, %while3A_161 = %while3A_96) -> (i32, i32, i32)  : i32 {
          %mul3A_162 = arith.constant 16 : i32
          %mul3A_163 = arith.muli %while3A_158, %mul3A_162 : i32
          %get3A = arith.index_cast %mul3A_163 : i32 to index
          %get3A_164 = tpu.vector_load %arg7[%get3A] {strides = array<i32>} : memref<16400xi32, #tpu.memory_space<vmem>>, vector<16xi32>,
          %mul3A_165 = arith.constant 16 : i32
          %mul3A_166 = arith.muli %while3A_158, %mul3A_165 : i32
          %get3A_167 = arith.index_cast %mul3A_166 : i32 to index
          %get3A_168 = tpu.vector_load %arg8[%get3A_167] {strides = array<i32>} : memref<16400xi32, #tpu.memory_space<vmem>>, vector<16xi32>,
          %mul3A_169 = arith.constant 16 : i32
          %mul3A_170 = arith.muli %while3A_158, %mul3A_169 : i32
          %iota3A = tpu.iota {dimensions = array<i32: 0>} : vector<16xi32>
          %add3A_171 = vector.broadcast %mul3A_170 : i32 to vector<16xi32>
          %add3A_172 = arith.addi %add3A_171, %iota3A : vector<16xi32>
          %lt3A_173 = vector.broadcast %scan3A_5 : i32 to vector<16xi32>
          %lt3A_174 = arith.cmpi slt, %add3A_172, %lt3A_173 : vector<16xi32>
          %shift_right_arithmetic3A_175 = arith.constant 9 : i32
          %shift_right_arithmetic3A_176 = vector.broadcast %shift_right_arithmetic3A_175 : i32 to vector<16xi32>
          %shift_right_arithmetic3A_177 = arith.shrsi %get3A_164, %shift_right_arithmetic3A_176 : vector<16xi32>
          %eq3A_178 = vector.broadcast %add3A_136 : i32 to vector<16xi32>
          %eq3A_179 = arith.cmpi eq, %shift_right_arithmetic3A_177, %eq3A_178 : vector<16xi32>
          %and3A_180 = arith.andi %eq3A_179, %lt3A_174 : vector<16xi1>
          %iota3A_181 = tpu.iota {dimensions = array<i32: 0>} : vector<16xi32>
          %iota3A_182 = tpu.iota {dimensions = array<i32: 0>} : vector<16xi32>
          %add3A_183 = arith.constant 16 : i32
          %add3A_184 = vector.broadcast %add3A_183 : i32 to vector<16xi32>
          %add3A_185 = arith.addi %iota3A_182, %add3A_184 : vector<16xi32>
          %select_n3A_186 = arith.select %and3A_180, %iota3A_181, %add3A_185 : vector<16xi1>, vector<16xi32>
          %and3A_187 = arith.constant 511 : i32
          %and3A_188 = vector.broadcast %and3A_187 : i32 to vector<16xi32>
          %and3A_189 = arith.andi %get3A_164, %and3A_188 : vector<16xi32>
          %masked_sort3A = arith.constant dense<true> : vector<16xi1>
          %masked_sort3A_190 = arith.constant -2147483648 : i32
          %masked_sort3A_191 = vector.broadcast %masked_sort3A_190 : i32 to vector<16xi32>
          %masked_sort3A_192 = arith.xori %select_n3A_186, %masked_sort3A_191 : vector<16xi32>
          %masked_sort3A_193, %masked_sort3A_194, %masked_sort3A_195 = tpu.sort %masked_sort3A_192, %and3A_189 masked %masked_sort3A : (vector<16xi32>, vector<16xi32>, vector<16xi1>) -> (vector<16xi1>, vector<16xi32>, vector<16xi32>)
          %masked_sort3A_196 = arith.xori %masked_sort3A_194, %masked_sort3A_191 : vector<16xi32>
          %swap3A = arith.index_cast %while3A_159 : i32 to index
          %swap3A_197 = tpu.vector_load %arg11[%swap3A] {strides = array<i32>} : memref<48xi32, #tpu.memory_space<vmem>>, vector<16xi32>,
          tpu.vector_store %arg11[%swap3A], %masked_sort3A_195 {strides = array<i32>} : memref<48xi32, #tpu.memory_space<vmem>>, vector<16xi32>,
          %masked_sort3A_198 = arith.constant dense<true> : vector<16xi1>
          %masked_sort3A_199 = arith.constant -2147483648 : i32
          %masked_sort3A_200 = vector.broadcast %masked_sort3A_199 : i32 to vector<16xi32>
          %masked_sort3A_201 = arith.xori %select_n3A_186, %masked_sort3A_200 : vector<16xi32>
          %masked_sort3A_202, %masked_sort3A_203, %masked_sort3A_204 = tpu.sort %masked_sort3A_201, %get3A_168 masked %masked_sort3A_198 : (vector<16xi32>, vector<16xi32>, vector<16xi1>) -> (vector<16xi1>, vector<16xi32>, vector<16xi32>)
          %masked_sort3A_205 = arith.xori %masked_sort3A_203, %masked_sort3A_200 : vector<16xi32>
          %swap3A_206 = arith.index_cast %while3A_159 : i32 to index
          %swap3A_207 = tpu.vector_load %arg12[%swap3A_206] {strides = array<i32>} : memref<48xi32, #tpu.memory_space<vmem>>, vector<16xi32>,
          tpu.vector_store %arg12[%swap3A_206], %masked_sort3A_204 {strides = array<i32>} : memref<48xi32, #tpu.memory_space<vmem>>, vector<16xi32>,
          %all_reduce_population_count3A = tpu.all_reduce %and3A_180 {dim = 0 : i64, kind = #tpu.reduction_kind<sum>} : vector<16xi1> -> vector<16xi32>
          %slice3A = vector.extract_strided_slice %all_reduce_population_count3A {offsets = [0], sizes = [1], strides = [1]} : vector<16xi32> to vector<1xi32>
          %squeeze3A = vector.extract %slice3A[0] : i32 from vector<1xi32>
          %add3A_208 = arith.addi %while3A_159, %squeeze3A : i32
          %ge3A = arith.constant 16 : i32
          %ge3A_209 = arith.cmpi sge, %add3A_208, %ge3A : i32
          %convert_element_type3A_210 = arith.extui %ge3A_209 : i1 to i32
          %cond3A_211 = arith.constant 0 : i32
          %cond3A_212 = arith.cmpi ne, %convert_element_type3A_210, %cond3A_211 : i32
          %cond3A_213:3 = scf.if %cond3A_212 -> (i32, i32, i32) {
            %ge3A_214 = arith.constant 8 : i32
            %ge3A_215 = arith.cmpi sge, %while3A_161, %ge3A_214 : i32
            %convert_element_type3A_216 = arith.extui %ge3A_215 : i1 to i32
            %cond3A_217 = arith.constant 0 : i32
            %cond3A_218 = arith.cmpi ne, %convert_element_type3A_216, %cond3A_217 : i32
            scf.if %cond3A_218 {
              %dma_wait3A = arith.constant 0 : i32
              %dma_wait3A_269 = arith.constant 0 : i32
              %dma_wait3A_270 = arith.constant 0 : i32
              %dma_wait3A_271 = arith.constant 0 : i32
              %dma_wait3A_272 = tpu.memref_slice %arg13[%dma_wait3A, %dma_wait3A_270, %dma_wait3A_271] : memref<8x16x128xf32, #tpu.memory_space<vmem>> -> memref<1x16x128xf32, #tpu.memory_space<vmem>>
              %dma_wait3A_273 = tpu.memref_squeeze %dma_wait3A_272 : memref<1x16x128xf32, #tpu.memory_space<vmem>> -> memref<16x128xf32, #tpu.memory_space<vmem>>
              %dma_wait3A_274 = arith.constant 0 : i32
              %dma_wait3A_275 = tpu.memref_slice %arg14[%dma_wait3A_269, %dma_wait3A_274] : memref<8x16xi32, #tpu.memory_space<vmem>> -> memref<1x16xi32, #tpu.memory_space<vmem>>
              %dma_wait3A_276 = tpu.memref_squeeze %dma_wait3A_275 : memref<1x16xi32, #tpu.memory_space<vmem>> -> memref<16xi32, #tpu.memory_space<vmem>>
              %dma_wait3A_277 = arith.constant 0 : i32
              %dma_wait3A_278 = arith.constant 0 : i32
              %dma_wait3A_279 = tpu.memref_slice %arg5[%dma_wait3A_277, %dma_wait3A_278] : memref<16384x128xf32, #tpu.memory_space<hbm>> -> memref<16384x128xf32, #tpu.memory_space<hbm>>
              tpu.wait_indirect_dma semaphore(%arg17 : memref<!tpu.dma_semaphore, #tpu.memory_space<semaphore_mem>>) src(%dma_wait3A_273 : memref<16x128xf32, #tpu.memory_space<vmem>>) dst(%dma_wait3A_279 : memref<16384x128xf32, #tpu.memory_space<hbm>>)
            } else {
            }
            %get3A_219 = arith.constant 0 : index
            %get3A_220 = tpu.vector_load %arg11[%get3A_219] {strides = array<i32>} : memref<48xi32, #tpu.memory_space<vmem>>, vector<16xi32>,
            %get3A_221 = arith.constant 0 : index
            %get3A_222 = tpu.vector_load %arg12[%get3A_221] {strides = array<i32>} : memref<48xi32, #tpu.memory_space<vmem>>, vector<16xi32>,
            %iota3A_223 = tpu.iota {dimensions = array<i32: 0>} : vector<16xi32>
            %lt3A_224 = vector.broadcast %add3A_208 : i32 to vector<16xi32>
            %lt3A_225 = arith.cmpi slt, %iota3A_223, %lt3A_224 : vector<16xi32>
            %slice3A_226 = vector.extract_strided_slice %get3A_220 {offsets = [0], sizes = [1], strides = [1]} : vector<16xi32> to vector<1xi32>
            %squeeze3A_227 = vector.extract %slice3A_226[0] : i32 from vector<1xi32>
            %broadcast_in_dim3A = vector.broadcast %squeeze3A_227 : i32 to vector<16xi32>
            %select_n3A_228 = arith.select %lt3A_225, %get3A_220, %broadcast_in_dim3A : vector<16xi1>, vector<16xi32>
            %slice3A_229 = vector.extract_strided_slice %get3A_222 {offsets = [0], sizes = [1], strides = [1]} : vector<16xi32> to vector<1xi32>
            %squeeze3A_230 = vector.extract %slice3A_229[0] : i32 from vector<1xi32>
            %broadcast_in_dim3A_231 = vector.broadcast %squeeze3A_230 : i32 to vector<16xi32>
            %select_n3A_232 = arith.select %lt3A_225, %get3A_222, %broadcast_in_dim3A_231 : vector<16xi1>, vector<16xi32>
            %swap3A_233 = arith.index_cast %while3A_160 : i32 to index
            %swap3A_234 = arith.constant 0 : index
            %swap3A_235 = tpu.vector_load %arg14[%swap3A_233, %swap3A_234] {strides = array<i32>} : memref<8x16xi32, #tpu.memory_space<vmem>>, vector<16xi32>,
            tpu.vector_store %arg14[%swap3A_233, %swap3A_234], %select_n3A_232 {strides = array<i32>} : memref<8x16xi32, #tpu.memory_space<vmem>>, vector<16xi32>,
            %scan3A_236 = arith.constant 0 : i32
            %scan3A_237 = arith.constant 0 : i32
            %scan3A_238 = arith.constant 64 : i32
            %scan3A_239 = arith.addi %scan3A_237, %scan3A_238 : i32
            %scan3A_240 = arith.constant 1 : i32
            scf.for %scan3A_269 = %scan3A_237 to %scan3A_239 step %scan3A_240  : i32 {
              %broadcast_in_dim3A_270 = vector.broadcast %scan3A_269 : i32 to vector<16xi32>
              %gather3A = tpu.vector_load_idx %arg9[%broadcast_in_dim3A_270, %select_n3A_228] : memref<64x512xf32, #tpu.memory_space<vmem>>[vector<16xi32>, vector<16xi32>], vector<16xf32>,
              %broadcast_in_dim3A_271 = vector.broadcast %while3A_160 : i32 to vector<16xi32>
              %iota3A_272 = tpu.iota {dimensions = array<i32: 0>} : vector<16xi32>
              %broadcast_in_dim3A_273 = vector.broadcast %scan3A_269 : i32 to vector<16xi32>
              tpu.vector_store_idx %arg13[%broadcast_in_dim3A_271, %iota3A_272, %broadcast_in_dim3A_273], %gather3A : memref<8x16x128xf32, #tpu.memory_space<vmem>>[vector<16xi32>, vector<16xi32>, vector<16xi32>], vector<16xf32>,
            }
            %scan3A_241 = arith.constant 64 : i32
            %dma_start3A = arith.constant 0 : i32
            %dma_start3A_242 = arith.constant 0 : i32
            %dma_start3A_243 = tpu.memref_slice %arg13[%while3A_160, %dma_start3A, %dma_start3A_242] : memref<8x16x128xf32, #tpu.memory_space<vmem>> -> memref<1x16x128xf32, #tpu.memory_space<vmem>>
            %dma_start3A_244 = tpu.memref_squeeze %dma_start3A_243 : memref<1x16x128xf32, #tpu.memory_space<vmem>> -> memref<16x128xf32, #tpu.memory_space<vmem>>
            %dma_start3A_245 = arith.constant 0 : i32
            %dma_start3A_246 = tpu.memref_slice %arg14[%while3A_160, %dma_start3A_245] : memref<8x16xi32, #tpu.memory_space<vmem>> -> memref<1x16xi32, #tpu.memory_space<vmem>>
            %dma_start3A_247 = tpu.memref_squeeze %dma_start3A_246 : memref<1x16xi32, #tpu.memory_space<vmem>> -> memref<16xi32, #tpu.memory_space<vmem>>
            %dma_start3A_248 = arith.constant 0 : i32
            %dma_start3A_249 = arith.constant 0 : i32
            %dma_start3A_250 = tpu.memref_slice %arg5[%dma_start3A_248, %dma_start3A_249] : memref<16384x128xf32, #tpu.memory_space<hbm>> -> memref<16384x128xf32, #tpu.memory_space<hbm>>
            tpu.enqueue_indirect_dma source(%dma_start3A_244 : memref<16x128xf32, #tpu.memory_space<vmem>>) target(%dma_start3A_250 : memref<16384x128xf32, #tpu.memory_space<hbm>>) offsets(%dma_start3A_247 : memref<16xi32, #tpu.memory_space<vmem>>) semaphore(%arg17 : memref<!tpu.dma_semaphore, #tpu.memory_space<semaphore_mem>>)
            %get3A_251 = arith.constant 16 : index
            %get3A_252 = tpu.vector_load %arg11[%get3A_251] {strides = array<i32>} : memref<48xi32, #tpu.memory_space<vmem>>, vector<16xi32>,
            %swap3A_253 = arith.constant 0 : index
            %swap3A_254 = tpu.vector_load %arg11[%swap3A_253] {strides = array<i32>} : memref<48xi32, #tpu.memory_space<vmem>>, vector<16xi32>,
            tpu.vector_store %arg11[%swap3A_253], %get3A_252 {strides = array<i32>} : memref<48xi32, #tpu.memory_space<vmem>>, vector<16xi32>,
            %get3A_255 = arith.constant 16 : index
            %get3A_256 = tpu.vector_load %arg12[%get3A_255] {strides = array<i32>} : memref<48xi32, #tpu.memory_space<vmem>>, vector<16xi32>,
            %swap3A_257 = arith.constant 0 : index
            %swap3A_258 = tpu.vector_load %arg12[%swap3A_257] {strides = array<i32>} : memref<48xi32, #tpu.memory_space<vmem>>, vector<16xi32>,
            tpu.vector_store %arg12[%swap3A_257], %get3A_256 {strides = array<i32>} : memref<48xi32, #tpu.memory_space<vmem>>, vector<16xi32>,
            %sub3A_259 = arith.constant 16 : i32
            %sub3A_260 = arith.subi %add3A_208, %sub3A_259 : i32
            %max3A = arith.constant 0 : i32
            %max3A_261 = arith.maxsi %sub3A_260, %max3A : i32
            %add3A_262 = arith.constant 1 : i32
            %add3A_263 = arith.addi %while3A_160, %add3A_262 : i32
            %and3A_264 = arith.constant 7 : i32
            %and3A_265 = arith.andi %add3A_263, %and3A_264 : i32
            %add3A_266 = arith.constant 1 : i32
            %add3A_267 = arith.addi %while3A_161, %add3A_266 : i32
            %min3A = arith.constant 8 : i32
            %min3A_268 = arith.minsi %add3A_267, %min3A : i32
            scf.yield %max3A_261, %and3A_265, %min3A_268 : i32, i32, i32
          } else {
            scf.yield %add3A_208, %while3A_160, %while3A_161 : i32, i32, i32
          }
          scf.yield %cond3A_213#0, %cond3A_213#1, %cond3A_213#2 : i32, i32, i32
        }
        %while3A_150 = arith.constant 1 : i32
        %while3A_151:3 = scf.for %while3A_158 = %while3A_147 to %while3A_143 step %while3A_150 iter_args(%while3A_159 = %while3A_149#0, %while3A_160 = %while3A_149#1, %while3A_161 = %while3A_149#2) -> (i32, i32, i32)  : i32 {
          %mul3A_162 = arith.constant 16 : i32
          %mul3A_163 = arith.muli %while3A_158, %mul3A_162 : i32
          %get3A = arith.index_cast %mul3A_163 : i32 to index
          %get3A_164 = tpu.vector_load %arg7[%get3A] {strides = array<i32>} : memref<16400xi32, #tpu.memory_space<vmem>>, vector<16xi32>,
          %mul3A_165 = arith.constant 16 : i32
          %mul3A_166 = arith.muli %while3A_158, %mul3A_165 : i32
          %get3A_167 = arith.index_cast %mul3A_166 : i32 to index
          %get3A_168 = tpu.vector_load %arg8[%get3A_167] {strides = array<i32>} : memref<16400xi32, #tpu.memory_space<vmem>>, vector<16xi32>,
          %mul3A_169 = arith.constant 16 : i32
          %mul3A_170 = arith.muli %while3A_158, %mul3A_169 : i32
          %iota3A = tpu.iota {dimensions = array<i32: 0>} : vector<16xi32>
          %add3A_171 = vector.broadcast %mul3A_170 : i32 to vector<16xi32>
          %add3A_172 = arith.addi %add3A_171, %iota3A : vector<16xi32>
          %lt3A_173 = vector.broadcast %scan3A_5 : i32 to vector<16xi32>
          %lt3A_174 = arith.cmpi slt, %add3A_172, %lt3A_173 : vector<16xi32>
          %shift_right_arithmetic3A_175 = arith.constant 9 : i32
          %shift_right_arithmetic3A_176 = vector.broadcast %shift_right_arithmetic3A_175 : i32 to vector<16xi32>
          %shift_right_arithmetic3A_177 = arith.shrsi %get3A_164, %shift_right_arithmetic3A_176 : vector<16xi32>
          %eq3A_178 = vector.broadcast %add3A_136 : i32 to vector<16xi32>
          %eq3A_179 = arith.cmpi eq, %shift_right_arithmetic3A_177, %eq3A_178 : vector<16xi32>
          %and3A_180 = arith.andi %eq3A_179, %lt3A_174 : vector<16xi1>
          %iota3A_181 = tpu.iota {dimensions = array<i32: 0>} : vector<16xi32>
          %iota3A_182 = tpu.iota {dimensions = array<i32: 0>} : vector<16xi32>
          %add3A_183 = arith.constant 16 : i32
          %add3A_184 = vector.broadcast %add3A_183 : i32 to vector<16xi32>
          %add3A_185 = arith.addi %iota3A_182, %add3A_184 : vector<16xi32>
          %select_n3A_186 = arith.select %and3A_180, %iota3A_181, %add3A_185 : vector<16xi1>, vector<16xi32>
          %and3A_187 = arith.constant 511 : i32
          %and3A_188 = vector.broadcast %and3A_187 : i32 to vector<16xi32>
          %and3A_189 = arith.andi %get3A_164, %and3A_188 : vector<16xi32>
          %masked_sort3A = arith.constant dense<true> : vector<16xi1>
          %masked_sort3A_190 = arith.constant -2147483648 : i32
          %masked_sort3A_191 = vector.broadcast %masked_sort3A_190 : i32 to vector<16xi32>
          %masked_sort3A_192 = arith.xori %select_n3A_186, %masked_sort3A_191 : vector<16xi32>
          %masked_sort3A_193, %masked_sort3A_194, %masked_sort3A_195 = tpu.sort %masked_sort3A_192, %and3A_189 masked %masked_sort3A : (vector<16xi32>, vector<16xi32>, vector<16xi1>) -> (vector<16xi1>, vector<16xi32>, vector<16xi32>)
          %masked_sort3A_196 = arith.xori %masked_sort3A_194, %masked_sort3A_191 : vector<16xi32>
          %swap3A = arith.index_cast %while3A_159 : i32 to index
          %swap3A_197 = tpu.vector_load %arg11[%swap3A] {strides = array<i32>} : memref<48xi32, #tpu.memory_space<vmem>>, vector<16xi32>,
          tpu.vector_store %arg11[%swap3A], %masked_sort3A_195 {strides = array<i32>} : memref<48xi32, #tpu.memory_space<vmem>>, vector<16xi32>,
          %masked_sort3A_198 = arith.constant dense<true> : vector<16xi1>
          %masked_sort3A_199 = arith.constant -2147483648 : i32
          %masked_sort3A_200 = vector.broadcast %masked_sort3A_199 : i32 to vector<16xi32>
          %masked_sort3A_201 = arith.xori %select_n3A_186, %masked_sort3A_200 : vector<16xi32>
          %masked_sort3A_202, %masked_sort3A_203, %masked_sort3A_204 = tpu.sort %masked_sort3A_201, %get3A_168 masked %masked_sort3A_198 : (vector<16xi32>, vector<16xi32>, vector<16xi1>) -> (vector<16xi1>, vector<16xi32>, vector<16xi32>)
          %masked_sort3A_205 = arith.xori %masked_sort3A_203, %masked_sort3A_200 : vector<16xi32>
          %swap3A_206 = arith.index_cast %while3A_159 : i32 to index
          %swap3A_207 = tpu.vector_load %arg12[%swap3A_206] {strides = array<i32>} : memref<48xi32, #tpu.memory_space<vmem>>, vector<16xi32>,
          tpu.vector_store %arg12[%swap3A_206], %masked_sort3A_204 {strides = array<i32>} : memref<48xi32, #tpu.memory_space<vmem>>, vector<16xi32>,
          %all_reduce_population_count3A = tpu.all_reduce %and3A_180 {dim = 0 : i64, kind = #tpu.reduction_kind<sum>} : vector<16xi1> -> vector<16xi32>
          %slice3A = vector.extract_strided_slice %all_reduce_population_count3A {offsets = [0], sizes = [1], strides = [1]} : vector<16xi32> to vector<1xi32>
          %squeeze3A = vector.extract %slice3A[0] : i32 from vector<1xi32>
          %add3A_208 = arith.addi %while3A_159, %squeeze3A : i32
          %ge3A = arith.constant 16 : i32
          %ge3A_209 = arith.cmpi sge, %add3A_208, %ge3A : i32
          %convert_element_type3A_210 = arith.extui %ge3A_209 : i1 to i32
          %cond3A_211 = arith.constant 0 : i32
          %cond3A_212 = arith.cmpi ne, %convert_element_type3A_210, %cond3A_211 : i32
          %cond3A_213:3 = scf.if %cond3A_212 -> (i32, i32, i32) {
            %ge3A_214 = arith.constant 8 : i32
            %ge3A_215 = arith.cmpi sge, %while3A_161, %ge3A_214 : i32
            %convert_element_type3A_216 = arith.extui %ge3A_215 : i1 to i32
            %cond3A_217 = arith.constant 0 : i32
            %cond3A_218 = arith.cmpi ne, %convert_element_type3A_216, %cond3A_217 : i32
            scf.if %cond3A_218 {
              %dma_wait3A = arith.constant 0 : i32
              %dma_wait3A_269 = arith.constant 0 : i32
              %dma_wait3A_270 = arith.constant 0 : i32
              %dma_wait3A_271 = arith.constant 0 : i32
              %dma_wait3A_272 = tpu.memref_slice %arg13[%dma_wait3A, %dma_wait3A_270, %dma_wait3A_271] : memref<8x16x128xf32, #tpu.memory_space<vmem>> -> memref<1x16x128xf32, #tpu.memory_space<vmem>>
              %dma_wait3A_273 = tpu.memref_squeeze %dma_wait3A_272 : memref<1x16x128xf32, #tpu.memory_space<vmem>> -> memref<16x128xf32, #tpu.memory_space<vmem>>
              %dma_wait3A_274 = arith.constant 0 : i32
              %dma_wait3A_275 = tpu.memref_slice %arg14[%dma_wait3A_269, %dma_wait3A_274] : memref<8x16xi32, #tpu.memory_space<vmem>> -> memref<1x16xi32, #tpu.memory_space<vmem>>
              %dma_wait3A_276 = tpu.memref_squeeze %dma_wait3A_275 : memref<1x16xi32, #tpu.memory_space<vmem>> -> memref<16xi32, #tpu.memory_space<vmem>>
              %dma_wait3A_277 = arith.constant 0 : i32
              %dma_wait3A_278 = arith.constant 0 : i32
              %dma_wait3A_279 = tpu.memref_slice %arg5[%dma_wait3A_277, %dma_wait3A_278] : memref<16384x128xf32, #tpu.memory_space<hbm>> -> memref<16384x128xf32, #tpu.memory_space<hbm>>
              tpu.wait_indirect_dma semaphore(%arg17 : memref<!tpu.dma_semaphore, #tpu.memory_space<semaphore_mem>>) src(%dma_wait3A_273 : memref<16x128xf32, #tpu.memory_space<vmem>>) dst(%dma_wait3A_279 : memref<16384x128xf32, #tpu.memory_space<hbm>>)
            } else {
            }
            %get3A_219 = arith.constant 0 : index
            %get3A_220 = tpu.vector_load %arg11[%get3A_219] {strides = array<i32>} : memref<48xi32, #tpu.memory_space<vmem>>, vector<16xi32>,
            %get3A_221 = arith.constant 0 : index
            %get3A_222 = tpu.vector_load %arg12[%get3A_221] {strides = array<i32>} : memref<48xi32, #tpu.memory_space<vmem>>, vector<16xi32>,
            %iota3A_223 = tpu.iota {dimensions = array<i32: 0>} : vector<16xi32>
            %lt3A_224 = vector.broadcast %add3A_208 : i32 to vector<16xi32>
            %lt3A_225 = arith.cmpi slt, %iota3A_223, %lt3A_224 : vector<16xi32>
            %slice3A_226 = vector.extract_strided_slice %get3A_220 {offsets = [0], sizes = [1], strides = [1]} : vector<16xi32> to vector<1xi32>
            %squeeze3A_227 = vector.extract %slice3A_226[0] : i32 from vector<1xi32>
            %broadcast_in_dim3A = vector.broadcast %squeeze3A_227 : i32 to vector<16xi32>
            %select_n3A_228 = arith.select %lt3A_225, %get3A_220, %broadcast_in_dim3A : vector<16xi1>, vector<16xi32>
            %slice3A_229 = vector.extract_strided_slice %get3A_222 {offsets = [0], sizes = [1], strides = [1]} : vector<16xi32> to vector<1xi32>
            %squeeze3A_230 = vector.extract %slice3A_229[0] : i32 from vector<1xi32>
            %broadcast_in_dim3A_231 = vector.broadcast %squeeze3A_230 : i32 to vector<16xi32>
            %select_n3A_232 = arith.select %lt3A_225, %get3A_222, %broadcast_in_dim3A_231 : vector<16xi1>, vector<16xi32>
            %swap3A_233 = arith.index_cast %while3A_160 : i32 to index
            %swap3A_234 = arith.constant 0 : index
            %swap3A_235 = tpu.vector_load %arg14[%swap3A_233, %swap3A_234] {strides = array<i32>} : memref<8x16xi32, #tpu.memory_space<vmem>>, vector<16xi32>,
            tpu.vector_store %arg14[%swap3A_233, %swap3A_234], %select_n3A_232 {strides = array<i32>} : memref<8x16xi32, #tpu.memory_space<vmem>>, vector<16xi32>,
            %scan3A_236 = arith.constant 0 : i32
            %scan3A_237 = arith.constant 0 : i32
            %scan3A_238 = arith.constant 64 : i32
            %scan3A_239 = arith.addi %scan3A_237, %scan3A_238 : i32
            %scan3A_240 = arith.constant 1 : i32
            scf.for %scan3A_269 = %scan3A_237 to %scan3A_239 step %scan3A_240  : i32 {
              %broadcast_in_dim3A_270 = vector.broadcast %scan3A_269 : i32 to vector<16xi32>
              %gather3A = tpu.vector_load_idx %arg9[%broadcast_in_dim3A_270, %select_n3A_228] : memref<64x512xf32, #tpu.memory_space<vmem>>[vector<16xi32>, vector<16xi32>], vector<16xf32>,
              %broadcast_in_dim3A_271 = vector.broadcast %while3A_160 : i32 to vector<16xi32>
              %iota3A_272 = tpu.iota {dimensions = array<i32: 0>} : vector<16xi32>
              %broadcast_in_dim3A_273 = vector.broadcast %scan3A_269 : i32 to vector<16xi32>
              tpu.vector_store_idx %arg13[%broadcast_in_dim3A_271, %iota3A_272, %broadcast_in_dim3A_273], %gather3A : memref<8x16x128xf32, #tpu.memory_space<vmem>>[vector<16xi32>, vector<16xi32>, vector<16xi32>], vector<16xf32>,
            }
            %scan3A_241 = arith.constant 64 : i32
            %dma_start3A = arith.constant 0 : i32
            %dma_start3A_242 = arith.constant 0 : i32
            %dma_start3A_243 = tpu.memref_slice %arg13[%while3A_160, %dma_start3A, %dma_start3A_242] : memref<8x16x128xf32, #tpu.memory_space<vmem>> -> memref<1x16x128xf32, #tpu.memory_space<vmem>>
            %dma_start3A_244 = tpu.memref_squeeze %dma_start3A_243 : memref<1x16x128xf32, #tpu.memory_space<vmem>> -> memref<16x128xf32, #tpu.memory_space<vmem>>
            %dma_start3A_245 = arith.constant 0 : i32
            %dma_start3A_246 = tpu.memref_slice %arg14[%while3A_160, %dma_start3A_245] : memref<8x16xi32, #tpu.memory_space<vmem>> -> memref<1x16xi32, #tpu.memory_space<vmem>>
            %dma_start3A_247 = tpu.memref_squeeze %dma_start3A_246 : memref<1x16xi32, #tpu.memory_space<vmem>> -> memref<16xi32, #tpu.memory_space<vmem>>
            %dma_start3A_248 = arith.constant 0 : i32
            %dma_start3A_249 = arith.constant 0 : i32
            %dma_start3A_250 = tpu.memref_slice %arg5[%dma_start3A_248, %dma_start3A_249] : memref<16384x128xf32, #tpu.memory_space<hbm>> -> memref<16384x128xf32, #tpu.memory_space<hbm>>
            tpu.enqueue_indirect_dma source(%dma_start3A_244 : memref<16x128xf32, #tpu.memory_space<vmem>>) target(%dma_start3A_250 : memref<16384x128xf32, #tpu.memory_space<hbm>>) offsets(%dma_start3A_247 : memref<16xi32, #tpu.memory_space<vmem>>) semaphore(%arg17 : memref<!tpu.dma_semaphore, #tpu.memory_space<semaphore_mem>>)
            %get3A_251 = arith.constant 16 : index
            %get3A_252 = tpu.vector_load %arg11[%get3A_251] {strides = array<i32>} : memref<48xi32, #tpu.memory_space<vmem>>, vector<16xi32>,
            %swap3A_253 = arith.constant 0 : index
            %swap3A_254 = tpu.vector_load %arg11[%swap3A_253] {strides = array<i32>} : memref<48xi32, #tpu.memory_space<vmem>>, vector<16xi32>,
            tpu.vector_store %arg11[%swap3A_253], %get3A_252 {strides = array<i32>} : memref<48xi32, #tpu.memory_space<vmem>>, vector<16xi32>,
            %get3A_255 = arith.constant 16 : index
            %get3A_256 = tpu.vector_load %arg12[%get3A_255] {strides = array<i32>} : memref<48xi32, #tpu.memory_space<vmem>>, vector<16xi32>,
            %swap3A_257 = arith.constant 0 : index
            %swap3A_258 = tpu.vector_load %arg12[%swap3A_257] {strides = array<i32>} : memref<48xi32, #tpu.memory_space<vmem>>, vector<16xi32>,
            tpu.vector_store %arg12[%swap3A_257], %get3A_256 {strides = array<i32>} : memref<48xi32, #tpu.memory_space<vmem>>, vector<16xi32>,
            %sub3A_259 = arith.constant 16 : i32
            %sub3A_260 = arith.subi %add3A_208, %sub3A_259 : i32
            %max3A = arith.constant 0 : i32
            %max3A_261 = arith.maxsi %sub3A_260, %max3A : i32
            %add3A_262 = arith.constant 1 : i32
            %add3A_263 = arith.addi %while3A_160, %add3A_262 : i32
            %and3A_264 = arith.constant 7 : i32
            %and3A_265 = arith.andi %add3A_263, %and3A_264 : i32
            %add3A_266 = arith.constant 1 : i32
            %add3A_267 = arith.addi %while3A_161, %add3A_266 : i32
            %min3A = arith.constant 8 : i32
            %min3A_268 = arith.minsi %add3A_267, %min3A : i32
            scf.yield %max3A_261, %and3A_265, %min3A_268 : i32, i32, i32
          } else {
            scf.yield %add3A_208, %while3A_160, %while3A_161 : i32, i32, i32
          }
          scf.yield %cond3A_213#0, %cond3A_213#1, %cond3A_213#2 : i32, i32, i32
        }
        %gt3A_152 = arith.constant 0 : i32
        %gt3A_153 = arith.cmpi sgt, %while3A_151#0, %gt3A_152 : i32
        %convert_element_type3A_154 = arith.extui %gt3A_153 : i1 to i32
        %cond3A_155 = arith.constant 0 : i32
        %cond3A_156 = arith.cmpi ne, %convert_element_type3A_154, %cond3A_155 : i32
        %cond3A_157:3 = scf.if %cond3A_156 -> (i32, i32, i32) {
          %ge3A = arith.constant 8 : i32
          %ge3A_158 = arith.cmpi sge, %while3A_151#2, %ge3A : i32
          %convert_element_type3A_159 = arith.extui %ge3A_158 : i1 to i32
          %cond3A_160 = arith.constant 0 : i32
          %cond3A_161 = arith.cmpi ne, %convert_element_type3A_159, %cond3A_160 : i32
          scf.if %cond3A_161 {
            %dma_wait3A = arith.constant 0 : i32
            %dma_wait3A_207 = arith.constant 0 : i32
            %dma_wait3A_208 = arith.constant 0 : i32
            %dma_wait3A_209 = arith.constant 0 : i32
            %dma_wait3A_210 = tpu.memref_slice %arg13[%dma_wait3A, %dma_wait3A_208, %dma_wait3A_209] : memref<8x16x128xf32, #tpu.memory_space<vmem>> -> memref<1x16x128xf32, #tpu.memory_space<vmem>>
            %dma_wait3A_211 = tpu.memref_squeeze %dma_wait3A_210 : memref<1x16x128xf32, #tpu.memory_space<vmem>> -> memref<16x128xf32, #tpu.memory_space<vmem>>
            %dma_wait3A_212 = arith.constant 0 : i32
            %dma_wait3A_213 = tpu.memref_slice %arg14[%dma_wait3A_207, %dma_wait3A_212] : memref<8x16xi32, #tpu.memory_space<vmem>> -> memref<1x16xi32, #tpu.memory_space<vmem>>
            %dma_wait3A_214 = tpu.memref_squeeze %dma_wait3A_213 : memref<1x16xi32, #tpu.memory_space<vmem>> -> memref<16xi32, #tpu.memory_space<vmem>>
            %dma_wait3A_215 = arith.constant 0 : i32
            %dma_wait3A_216 = arith.constant 0 : i32
            %dma_wait3A_217 = tpu.memref_slice %arg5[%dma_wait3A_215, %dma_wait3A_216] : memref<16384x128xf32, #tpu.memory_space<hbm>> -> memref<16384x128xf32, #tpu.memory_space<hbm>>
            tpu.wait_indirect_dma semaphore(%arg17 : memref<!tpu.dma_semaphore, #tpu.memory_space<semaphore_mem>>) src(%dma_wait3A_211 : memref<16x128xf32, #tpu.memory_space<vmem>>) dst(%dma_wait3A_217 : memref<16384x128xf32, #tpu.memory_space<hbm>>)
          } else {
          }
          %get3A = arith.constant 0 : index
          %get3A_162 = tpu.vector_load %arg11[%get3A] {strides = array<i32>} : memref<48xi32, #tpu.memory_space<vmem>>, vector<16xi32>,
          %get3A_163 = arith.constant 0 : index
          %get3A_164 = tpu.vector_load %arg12[%get3A_163] {strides = array<i32>} : memref<48xi32, #tpu.memory_space<vmem>>, vector<16xi32>,
          %iota3A = tpu.iota {dimensions = array<i32: 0>} : vector<16xi32>
          %lt3A_165 = vector.broadcast %while3A_151#0 : i32 to vector<16xi32>
          %lt3A_166 = arith.cmpi slt, %iota3A, %lt3A_165 : vector<16xi32>
          %slice3A = vector.extract_strided_slice %get3A_162 {offsets = [0], sizes = [1], strides = [1]} : vector<16xi32> to vector<1xi32>
          %squeeze3A = vector.extract %slice3A[0] : i32 from vector<1xi32>
          %broadcast_in_dim3A = vector.broadcast %squeeze3A : i32 to vector<16xi32>
          %select_n3A_167 = arith.select %lt3A_166, %get3A_162, %broadcast_in_dim3A : vector<16xi1>, vector<16xi32>
          %slice3A_168 = vector.extract_strided_slice %get3A_164 {offsets = [0], sizes = [1], strides = [1]} : vector<16xi32> to vector<1xi32>
          %squeeze3A_169 = vector.extract %slice3A_168[0] : i32 from vector<1xi32>
          %broadcast_in_dim3A_170 = vector.broadcast %squeeze3A_169 : i32 to vector<16xi32>
          %select_n3A_171 = arith.select %lt3A_166, %get3A_164, %broadcast_in_dim3A_170 : vector<16xi1>, vector<16xi32>
          %swap3A = arith.index_cast %while3A_151#1 : i32 to index
          %swap3A_172 = arith.constant 0 : index
          %swap3A_173 = tpu.vector_load %arg14[%swap3A, %swap3A_172] {strides = array<i32>} : memref<8x16xi32, #tpu.memory_space<vmem>>, vector<16xi32>,
          tpu.vector_store %arg14[%swap3A, %swap3A_172], %select_n3A_171 {strides = array<i32>} : memref<8x16xi32, #tpu.memory_space<vmem>>, vector<16xi32>,
          %scan3A_174 = arith.constant 0 : i32
          %scan3A_175 = arith.constant 0 : i32
          %scan3A_176 = arith.constant 64 : i32
          %scan3A_177 = arith.addi %scan3A_175, %scan3A_176 : i32
          %scan3A_178 = arith.constant 1 : i32
          scf.for %scan3A_207 = %scan3A_175 to %scan3A_177 step %scan3A_178  : i32 {
            %broadcast_in_dim3A_208 = vector.broadcast %scan3A_207 : i32 to vector<16xi32>
            %gather3A = tpu.vector_load_idx %arg9[%broadcast_in_dim3A_208, %select_n3A_167] : memref<64x512xf32, #tpu.memory_space<vmem>>[vector<16xi32>, vector<16xi32>], vector<16xf32>,
            %broadcast_in_dim3A_209 = vector.broadcast %while3A_151#1 : i32 to vector<16xi32>
            %iota3A_210 = tpu.iota {dimensions = array<i32: 0>} : vector<16xi32>
            %broadcast_in_dim3A_211 = vector.broadcast %scan3A_207 : i32 to vector<16xi32>
            tpu.vector_store_idx %arg13[%broadcast_in_dim3A_209, %iota3A_210, %broadcast_in_dim3A_211], %gather3A : memref<8x16x128xf32, #tpu.memory_space<vmem>>[vector<16xi32>, vector<16xi32>, vector<16xi32>], vector<16xf32>,
          }
          %scan3A_179 = arith.constant 64 : i32
          %dma_start3A = arith.constant 0 : i32
          %dma_start3A_180 = arith.constant 0 : i32
          %dma_start3A_181 = tpu.memref_slice %arg13[%while3A_151#1, %dma_start3A, %dma_start3A_180] : memref<8x16x128xf32, #tpu.memory_space<vmem>> -> memref<1x16x128xf32, #tpu.memory_space<vmem>>
          %dma_start3A_182 = tpu.memref_squeeze %dma_start3A_181 : memref<1x16x128xf32, #tpu.memory_space<vmem>> -> memref<16x128xf32, #tpu.memory_space<vmem>>
          %dma_start3A_183 = arith.constant 0 : i32
          %dma_start3A_184 = tpu.memref_slice %arg14[%while3A_151#1, %dma_start3A_183] : memref<8x16xi32, #tpu.memory_space<vmem>> -> memref<1x16xi32, #tpu.memory_space<vmem>>
          %dma_start3A_185 = tpu.memref_squeeze %dma_start3A_184 : memref<1x16xi32, #tpu.memory_space<vmem>> -> memref<16xi32, #tpu.memory_space<vmem>>
          %dma_start3A_186 = arith.constant 0 : i32
          %dma_start3A_187 = arith.constant 0 : i32
          %dma_start3A_188 = tpu.memref_slice %arg5[%dma_start3A_186, %dma_start3A_187] : memref<16384x128xf32, #tpu.memory_space<hbm>> -> memref<16384x128xf32, #tpu.memory_space<hbm>>
          tpu.enqueue_indirect_dma source(%dma_start3A_182 : memref<16x128xf32, #tpu.memory_space<vmem>>) target(%dma_start3A_188 : memref<16384x128xf32, #tpu.memory_space<hbm>>) offsets(%dma_start3A_185 : memref<16xi32, #tpu.memory_space<vmem>>) semaphore(%arg17 : memref<!tpu.dma_semaphore, #tpu.memory_space<semaphore_mem>>)
          %get3A_189 = arith.constant 16 : index
          %get3A_190 = tpu.vector_load %arg11[%get3A_189] {strides = array<i32>} : memref<48xi32, #tpu.memory_space<vmem>>, vector<16xi32>,
          %swap3A_191 = arith.constant 0 : index
          %swap3A_192 = tpu.vector_load %arg11[%swap3A_191] {strides = array<i32>} : memref<48xi32, #tpu.memory_space<vmem>>, vector<16xi32>,
          tpu.vector_store %arg11[%swap3A_191], %get3A_190 {strides = array<i32>} : memref<48xi32, #tpu.memory_space<vmem>>, vector<16xi32>,
          %get3A_193 = arith.constant 16 : index
          %get3A_194 = tpu.vector_load %arg12[%get3A_193] {strides = array<i32>} : memref<48xi32, #tpu.memory_space<vmem>>, vector<16xi32>,
          %swap3A_195 = arith.constant 0 : index
          %swap3A_196 = tpu.vector_load %arg12[%swap3A_195] {strides = array<i32>} : memref<48xi32, #tpu.memory_space<vmem>>, vector<16xi32>,
          tpu.vector_store %arg12[%swap3A_195], %get3A_194 {strides = array<i32>} : memref<48xi32, #tpu.memory_space<vmem>>, vector<16xi32>,
          %sub3A_197 = arith.constant 16 : i32
          %sub3A_198 = arith.subi %while3A_151#0, %sub3A_197 : i32
          %max3A = arith.constant 0 : i32
          %max3A_199 = arith.maxsi %sub3A_198, %max3A : i32
          %add3A_200 = arith.constant 1 : i32
          %add3A_201 = arith.addi %while3A_151#1, %add3A_200 : i32
          %and3A_202 = arith.constant 7 : i32
          %and3A_203 = arith.andi %add3A_201, %and3A_202 : i32
          %add3A_204 = arith.constant 1 : i32
          %add3A_205 = arith.addi %while3A_151#2, %add3A_204 : i32
          %min3A = arith.constant 8 : i32
          %min3A_206 = arith.minsi %add3A_205, %min3A : i32
          scf.yield %max3A_199, %and3A_203, %min3A_206 : i32, i32, i32
        } else {
          scf.yield %while3A_151#0, %while3A_151#1, %while3A_151#2 : i32, i32, i32
        }
        scf.yield %cond3A_157#1, %cond3A_157#2 : i32, i32
      } else {
        scf.yield %while3A_95, %while3A_96 : i32, i32
      }
      %add3A_109 = arith.constant 2 : i32
      %add3A_110 = arith.addi %add3A_100, %add3A_109 : i32
      %lt3A_111 = arith.cmpi slt, %add3A_110, %select_n3A : i32
      %convert_element_type3A_112 = arith.extui %lt3A_111 : i1 to i32
      %cond3A_113 = arith.constant 0 : i32
      %cond3A_114 = arith.cmpi ne, %convert_element_type3A_112, %cond3A_113 : i32
      scf.if %cond3A_114 {
        %add3A_134 = arith.constant 2 : i32
        %add3A_135 = arith.addi %add3A_100, %add3A_134 : i32
        %mul3A_136 = arith.constant 32 : i32
        %mul3A_137 = arith.muli %add3A_135, %mul3A_136 : i32
        %add3A_138 = arith.addi %add3A, %mul3A_137 : i32
        %mul3A_139 = arith.constant 512 : i32
        %mul3A_140 = arith.muli %add3A_138, %mul3A_139 : i32
        %dma_start3A = arith.constant 0 : i32
        %dma_start3A_141 = tpu.memref_slice %arg2[%dma_start3A, %mul3A_140] : memref<64x1000000xf32, #tpu.memory_space<hbm>> -> memref<64x512xf32, #tpu.memory_space<hbm>>
        %dma_start3A_142 = arith.constant 0 : i32
        %dma_start3A_143 = tpu.memref_slice %arg2[%dma_start3A_142, %mul3A_140] : memref<64x1000000xf32, #tpu.memory_space<hbm>> -> memref<64x512xf32, #tpu.memory_space<hbm>>
        tpu.enqueue_dma source(%dma_start3A_143 : memref<64x512xf32, #tpu.memory_space<hbm>>) target(%arg9 : memref<64x512xf32, #tpu.memory_space<vmem>>) target_semaphore(%arg16 : memref<!tpu.dma_semaphore, #tpu.memory_space<semaphore_mem>>)
      } else {
      }
      %mul3A_115 = arith.constant 2 : i32
      %mul3A_116 = arith.muli %while3A_94, %mul3A_115 : i32
      %add3A_117 = arith.constant 1 : i32
      %add3A_118 = arith.addi %mul3A_116, %add3A_117 : i32
      %lt3A_119 = arith.cmpi slt, %add3A_118, %select_n3A : i32
      %convert_element_type3A_120 = arith.extui %lt3A_119 : i1 to i32
      %cond3A_121 = arith.constant 0 : i32
      %cond3A_122 = arith.cmpi ne, %convert_element_type3A_120, %cond3A_121 : i32
      scf.if %cond3A_122 {
        %dma_wait3A = arith.constant 0 : i32
        %dma_wait3A_134 = arith.constant 0 : i32
        %dma_wait3A_135 = tpu.memref_slice %arg2[%dma_wait3A, %dma_wait3A_134] : memref<64x1000000xf32, #tpu.memory_space<hbm>> -> memref<64x512xf32, #tpu.memory_space<hbm>>
        %dma_wait3A_136 = arith.constant 0 : i32
        %dma_wait3A_137 = arith.constant 0 : i32
        %dma_wait3A_138 = tpu.memref_slice %arg2[%dma_wait3A_136, %dma_wait3A_137] : memref<64x1000000xf32, #tpu.memory_space<hbm>> -> memref<64x512xf32, #tpu.memory_space<hbm>>
        tpu.wait_dma2 semaphore(%arg16 : memref<!tpu.dma_semaphore, #tpu.memory_space<semaphore_mem>>) src(%dma_wait3A_138 : memref<64x512xf32, #tpu.memory_space<hbm>>) dst(%arg9 : memref<64x512xf32, #tpu.memory_space<vmem>>)
      } else {
      }
      %lt3A_123 = arith.cmpi slt, %add3A_118, %select_n3A : i32
      %convert_element_type3A_124 = arith.extui %lt3A_123 : i1 to i32
      %cond3A_125 = arith.constant 0 : i32
      %cond3A_126 = arith.cmpi ne, %convert_element_type3A_124, %cond3A_125 : i32
      %cond3A_127:2 = scf.if %cond3A_126 -> (i32, i32) {
        %mul3A_134 = arith.constant 32 : i32
        %mul3A_135 = arith.muli %add3A_118, %mul3A_134 : i32
        %add3A_136 = arith.addi %add3A, %mul3A_135 : i32
        %add3A_137 = arith.constant 15 : i32
        %add3A_138 = arith.addi %scan3A_5, %add3A_137 : i32
        %shift_right_arithmetic3A = arith.constant 4 : i32
        %shift_right_arithmetic3A_139 = arith.shrsi %add3A_138, %shift_right_arithmetic3A : i32
        %while3A_140 = arith.constant 0 : i32
        %while3A_141 = arith.constant 0 : i32
        %while3A_142 = arith.subi %shift_right_arithmetic3A_139, %while3A_140 : i32
        %while3A_143 = arith.addi %while3A_140, %while3A_142 : i32
        %while3A_144 = arith.constant 1 : i32
        %while3A_145 = arith.divsi %while3A_142, %while3A_144 : i32
        %while3A_146 = arith.muli %while3A_145, %while3A_144 : i32
        %while3A_147 = arith.addi %while3A_140, %while3A_146 : i32
        %while3A_148 = arith.constant 1 : i32
        %while3A_149:3 = scf.for %while3A_158 = %while3A_140 to %while3A_147 step %while3A_148 iter_args(%while3A_159 = %while3A_141, %while3A_160 = %cond3A_108#0, %while3A_161 = %cond3A_108#1) -> (i32, i32, i32)  : i32 {
          %mul3A_162 = arith.constant 16 : i32
          %mul3A_163 = arith.muli %while3A_158, %mul3A_162 : i32
          %get3A = arith.index_cast %mul3A_163 : i32 to index
          %get3A_164 = tpu.vector_load %arg7[%get3A] {strides = array<i32>} : memref<16400xi32, #tpu.memory_space<vmem>>, vector<16xi32>,
          %mul3A_165 = arith.constant 16 : i32
          %mul3A_166 = arith.muli %while3A_158, %mul3A_165 : i32
          %get3A_167 = arith.index_cast %mul3A_166 : i32 to index
          %get3A_168 = tpu.vector_load %arg8[%get3A_167] {strides = array<i32>} : memref<16400xi32, #tpu.memory_space<vmem>>, vector<16xi32>,
          %mul3A_169 = arith.constant 16 : i32
          %mul3A_170 = arith.muli %while3A_158, %mul3A_169 : i32
          %iota3A = tpu.iota {dimensions = array<i32: 0>} : vector<16xi32>
          %add3A_171 = vector.broadcast %mul3A_170 : i32 to vector<16xi32>
          %add3A_172 = arith.addi %add3A_171, %iota3A : vector<16xi32>
          %lt3A_173 = vector.broadcast %scan3A_5 : i32 to vector<16xi32>
          %lt3A_174 = arith.cmpi slt, %add3A_172, %lt3A_173 : vector<16xi32>
          %shift_right_arithmetic3A_175 = arith.constant 9 : i32
          %shift_right_arithmetic3A_176 = vector.broadcast %shift_right_arithmetic3A_175 : i32 to vector<16xi32>
          %shift_right_arithmetic3A_177 = arith.shrsi %get3A_164, %shift_right_arithmetic3A_176 : vector<16xi32>
          %eq3A_178 = vector.broadcast %add3A_136 : i32 to vector<16xi32>
          %eq3A_179 = arith.cmpi eq, %shift_right_arithmetic3A_177, %eq3A_178 : vector<16xi32>
          %and3A_180 = arith.andi %eq3A_179, %lt3A_174 : vector<16xi1>
          %iota3A_181 = tpu.iota {dimensions = array<i32: 0>} : vector<16xi32>
          %iota3A_182 = tpu.iota {dimensions = array<i32: 0>} : vector<16xi32>
          %add3A_183 = arith.constant 16 : i32
          %add3A_184 = vector.broadcast %add3A_183 : i32 to vector<16xi32>
          %add3A_185 = arith.addi %iota3A_182, %add3A_184 : vector<16xi32>
          %select_n3A_186 = arith.select %and3A_180, %iota3A_181, %add3A_185 : vector<16xi1>, vector<16xi32>
          %and3A_187 = arith.constant 511 : i32
          %and3A_188 = vector.broadcast %and3A_187 : i32 to vector<16xi32>
          %and3A_189 = arith.andi %get3A_164, %and3A_188 : vector<16xi32>
          %masked_sort3A = arith.constant dense<true> : vector<16xi1>
          %masked_sort3A_190 = arith.constant -2147483648 : i32
          %masked_sort3A_191 = vector.broadcast %masked_sort3A_190 : i32 to vector<16xi32>
          %masked_sort3A_192 = arith.xori %select_n3A_186, %masked_sort3A_191 : vector<16xi32>
          %masked_sort3A_193, %masked_sort3A_194, %masked_sort3A_195 = tpu.sort %masked_sort3A_192, %and3A_189 masked %masked_sort3A : (vector<16xi32>, vector<16xi32>, vector<16xi1>) -> (vector<16xi1>, vector<16xi32>, vector<16xi32>)
          %masked_sort3A_196 = arith.xori %masked_sort3A_194, %masked_sort3A_191 : vector<16xi32>
          %swap3A = arith.index_cast %while3A_159 : i32 to index
          %swap3A_197 = tpu.vector_load %arg11[%swap3A] {strides = array<i32>} : memref<48xi32, #tpu.memory_space<vmem>>, vector<16xi32>,
          tpu.vector_store %arg11[%swap3A], %masked_sort3A_195 {strides = array<i32>} : memref<48xi32, #tpu.memory_space<vmem>>, vector<16xi32>,
          %masked_sort3A_198 = arith.constant dense<true> : vector<16xi1>
          %masked_sort3A_199 = arith.constant -2147483648 : i32
          %masked_sort3A_200 = vector.broadcast %masked_sort3A_199 : i32 to vector<16xi32>
          %masked_sort3A_201 = arith.xori %select_n3A_186, %masked_sort3A_200 : vector<16xi32>
          %masked_sort3A_202, %masked_sort3A_203, %masked_sort3A_204 = tpu.sort %masked_sort3A_201, %get3A_168 masked %masked_sort3A_198 : (vector<16xi32>, vector<16xi32>, vector<16xi1>) -> (vector<16xi1>, vector<16xi32>, vector<16xi32>)
          %masked_sort3A_205 = arith.xori %masked_sort3A_203, %masked_sort3A_200 : vector<16xi32>
          %swap3A_206 = arith.index_cast %while3A_159 : i32 to index
          %swap3A_207 = tpu.vector_load %arg12[%swap3A_206] {strides = array<i32>} : memref<48xi32, #tpu.memory_space<vmem>>, vector<16xi32>,
          tpu.vector_store %arg12[%swap3A_206], %masked_sort3A_204 {strides = array<i32>} : memref<48xi32, #tpu.memory_space<vmem>>, vector<16xi32>,
          %all_reduce_population_count3A = tpu.all_reduce %and3A_180 {dim = 0 : i64, kind = #tpu.reduction_kind<sum>} : vector<16xi1> -> vector<16xi32>
          %slice3A = vector.extract_strided_slice %all_reduce_population_count3A {offsets = [0], sizes = [1], strides = [1]} : vector<16xi32> to vector<1xi32>
          %squeeze3A = vector.extract %slice3A[0] : i32 from vector<1xi32>
          %add3A_208 = arith.addi %while3A_159, %squeeze3A : i32
          %ge3A = arith.constant 16 : i32
          %ge3A_209 = arith.cmpi sge, %add3A_208, %ge3A : i32
          %convert_element_type3A_210 = arith.extui %ge3A_209 : i1 to i32
          %cond3A_211 = arith.constant 0 : i32
          %cond3A_212 = arith.cmpi ne, %convert_element_type3A_210, %cond3A_211 : i32
          %cond3A_213:3 = scf.if %cond3A_212 -> (i32, i32, i32) {
            %ge3A_214 = arith.constant 8 : i32
            %ge3A_215 = arith.cmpi sge, %while3A_161, %ge3A_214 : i32
            %convert_element_type3A_216 = arith.extui %ge3A_215 : i1 to i32
            %cond3A_217 = arith.constant 0 : i32
            %cond3A_218 = arith.cmpi ne, %convert_element_type3A_216, %cond3A_217 : i32
            scf.if %cond3A_218 {
              %dma_wait3A = arith.constant 0 : i32
              %dma_wait3A_269 = arith.constant 0 : i32
              %dma_wait3A_270 = arith.constant 0 : i32
              %dma_wait3A_271 = arith.constant 0 : i32
              %dma_wait3A_272 = tpu.memref_slice %arg13[%dma_wait3A, %dma_wait3A_270, %dma_wait3A_271] : memref<8x16x128xf32, #tpu.memory_space<vmem>> -> memref<1x16x128xf32, #tpu.memory_space<vmem>>
              %dma_wait3A_273 = tpu.memref_squeeze %dma_wait3A_272 : memref<1x16x128xf32, #tpu.memory_space<vmem>> -> memref<16x128xf32, #tpu.memory_space<vmem>>
              %dma_wait3A_274 = arith.constant 0 : i32
              %dma_wait3A_275 = tpu.memref_slice %arg14[%dma_wait3A_269, %dma_wait3A_274] : memref<8x16xi32, #tpu.memory_space<vmem>> -> memref<1x16xi32, #tpu.memory_space<vmem>>
              %dma_wait3A_276 = tpu.memref_squeeze %dma_wait3A_275 : memref<1x16xi32, #tpu.memory_space<vmem>> -> memref<16xi32, #tpu.memory_space<vmem>>
              %dma_wait3A_277 = arith.constant 0 : i32
              %dma_wait3A_278 = arith.constant 0 : i32
              %dma_wait3A_279 = tpu.memref_slice %arg5[%dma_wait3A_277, %dma_wait3A_278] : memref<16384x128xf32, #tpu.memory_space<hbm>> -> memref<16384x128xf32, #tpu.memory_space<hbm>>
              tpu.wait_indirect_dma semaphore(%arg17 : memref<!tpu.dma_semaphore, #tpu.memory_space<semaphore_mem>>) src(%dma_wait3A_273 : memref<16x128xf32, #tpu.memory_space<vmem>>) dst(%dma_wait3A_279 : memref<16384x128xf32, #tpu.memory_space<hbm>>)
            } else {
            }
            %get3A_219 = arith.constant 0 : index
            %get3A_220 = tpu.vector_load %arg11[%get3A_219] {strides = array<i32>} : memref<48xi32, #tpu.memory_space<vmem>>, vector<16xi32>,
            %get3A_221 = arith.constant 0 : index
            %get3A_222 = tpu.vector_load %arg12[%get3A_221] {strides = array<i32>} : memref<48xi32, #tpu.memory_space<vmem>>, vector<16xi32>,
            %iota3A_223 = tpu.iota {dimensions = array<i32: 0>} : vector<16xi32>
            %lt3A_224 = vector.broadcast %add3A_208 : i32 to vector<16xi32>
            %lt3A_225 = arith.cmpi slt, %iota3A_223, %lt3A_224 : vector<16xi32>
            %slice3A_226 = vector.extract_strided_slice %get3A_220 {offsets = [0], sizes = [1], strides = [1]} : vector<16xi32> to vector<1xi32>
            %squeeze3A_227 = vector.extract %slice3A_226[0] : i32 from vector<1xi32>
            %broadcast_in_dim3A = vector.broadcast %squeeze3A_227 : i32 to vector<16xi32>
            %select_n3A_228 = arith.select %lt3A_225, %get3A_220, %broadcast_in_dim3A : vector<16xi1>, vector<16xi32>
            %slice3A_229 = vector.extract_strided_slice %get3A_222 {offsets = [0], sizes = [1], strides = [1]} : vector<16xi32> to vector<1xi32>
            %squeeze3A_230 = vector.extract %slice3A_229[0] : i32 from vector<1xi32>
            %broadcast_in_dim3A_231 = vector.broadcast %squeeze3A_230 : i32 to vector<16xi32>
            %select_n3A_232 = arith.select %lt3A_225, %get3A_222, %broadcast_in_dim3A_231 : vector<16xi1>, vector<16xi32>
            %swap3A_233 = arith.index_cast %while3A_160 : i32 to index
            %swap3A_234 = arith.constant 0 : index
            %swap3A_235 = tpu.vector_load %arg14[%swap3A_233, %swap3A_234] {strides = array<i32>} : memref<8x16xi32, #tpu.memory_space<vmem>>, vector<16xi32>,
            tpu.vector_store %arg14[%swap3A_233, %swap3A_234], %select_n3A_232 {strides = array<i32>} : memref<8x16xi32, #tpu.memory_space<vmem>>, vector<16xi32>,
            %scan3A_236 = arith.constant 0 : i32
            %scan3A_237 = arith.constant 0 : i32
            %scan3A_238 = arith.constant 64 : i32
            %scan3A_239 = arith.addi %scan3A_237, %scan3A_238 : i32
            %scan3A_240 = arith.constant 1 : i32
            scf.for %scan3A_269 = %scan3A_237 to %scan3A_239 step %scan3A_240  : i32 {
              %broadcast_in_dim3A_270 = vector.broadcast %scan3A_269 : i32 to vector<16xi32>
              %gather3A = tpu.vector_load_idx %arg10[%broadcast_in_dim3A_270, %select_n3A_228] : memref<64x512xf32, #tpu.memory_space<vmem>>[vector<16xi32>, vector<16xi32>], vector<16xf32>,
              %broadcast_in_dim3A_271 = vector.broadcast %while3A_160 : i32 to vector<16xi32>
              %iota3A_272 = tpu.iota {dimensions = array<i32: 0>} : vector<16xi32>
              %broadcast_in_dim3A_273 = vector.broadcast %scan3A_269 : i32 to vector<16xi32>
              tpu.vector_store_idx %arg13[%broadcast_in_dim3A_271, %iota3A_272, %broadcast_in_dim3A_273], %gather3A : memref<8x16x128xf32, #tpu.memory_space<vmem>>[vector<16xi32>, vector<16xi32>, vector<16xi32>], vector<16xf32>,
            }
            %scan3A_241 = arith.constant 64 : i32
            %dma_start3A = arith.constant 0 : i32
            %dma_start3A_242 = arith.constant 0 : i32
            %dma_start3A_243 = tpu.memref_slice %arg13[%while3A_160, %dma_start3A, %dma_start3A_242] : memref<8x16x128xf32, #tpu.memory_space<vmem>> -> memref<1x16x128xf32, #tpu.memory_space<vmem>>
            %dma_start3A_244 = tpu.memref_squeeze %dma_start3A_243 : memref<1x16x128xf32, #tpu.memory_space<vmem>> -> memref<16x128xf32, #tpu.memory_space<vmem>>
            %dma_start3A_245 = arith.constant 0 : i32
            %dma_start3A_246 = tpu.memref_slice %arg14[%while3A_160, %dma_start3A_245] : memref<8x16xi32, #tpu.memory_space<vmem>> -> memref<1x16xi32, #tpu.memory_space<vmem>>
            %dma_start3A_247 = tpu.memref_squeeze %dma_start3A_246 : memref<1x16xi32, #tpu.memory_space<vmem>> -> memref<16xi32, #tpu.memory_space<vmem>>
            %dma_start3A_248 = arith.constant 0 : i32
            %dma_start3A_249 = arith.constant 0 : i32
            %dma_start3A_250 = tpu.memref_slice %arg5[%dma_start3A_248, %dma_start3A_249] : memref<16384x128xf32, #tpu.memory_space<hbm>> -> memref<16384x128xf32, #tpu.memory_space<hbm>>
            tpu.enqueue_indirect_dma source(%dma_start3A_244 : memref<16x128xf32, #tpu.memory_space<vmem>>) target(%dma_start3A_250 : memref<16384x128xf32, #tpu.memory_space<hbm>>) offsets(%dma_start3A_247 : memref<16xi32, #tpu.memory_space<vmem>>) semaphore(%arg17 : memref<!tpu.dma_semaphore, #tpu.memory_space<semaphore_mem>>)
            %get3A_251 = arith.constant 16 : index
            %get3A_252 = tpu.vector_load %arg11[%get3A_251] {strides = array<i32>} : memref<48xi32, #tpu.memory_space<vmem>>, vector<16xi32>,
            %swap3A_253 = arith.constant 0 : index
            %swap3A_254 = tpu.vector_load %arg11[%swap3A_253] {strides = array<i32>} : memref<48xi32, #tpu.memory_space<vmem>>, vector<16xi32>,
            tpu.vector_store %arg11[%swap3A_253], %get3A_252 {strides = array<i32>} : memref<48xi32, #tpu.memory_space<vmem>>, vector<16xi32>,
            %get3A_255 = arith.constant 16 : index
            %get3A_256 = tpu.vector_load %arg12[%get3A_255] {strides = array<i32>} : memref<48xi32, #tpu.memory_space<vmem>>, vector<16xi32>,
            %swap3A_257 = arith.constant 0 : index
            %swap3A_258 = tpu.vector_load %arg12[%swap3A_257] {strides = array<i32>} : memref<48xi32, #tpu.memory_space<vmem>>, vector<16xi32>,
            tpu.vector_store %arg12[%swap3A_257], %get3A_256 {strides = array<i32>} : memref<48xi32, #tpu.memory_space<vmem>>, vector<16xi32>,
            %sub3A_259 = arith.constant 16 : i32
            %sub3A_260 = arith.subi %add3A_208, %sub3A_259 : i32
            %max3A = arith.constant 0 : i32
            %max3A_261 = arith.maxsi %sub3A_260, %max3A : i32
            %add3A_262 = arith.constant 1 : i32
            %add3A_263 = arith.addi %while3A_160, %add3A_262 : i32
            %and3A_264 = arith.constant 7 : i32
            %and3A_265 = arith.andi %add3A_263, %and3A_264 : i32
            %add3A_266 = arith.constant 1 : i32
            %add3A_267 = arith.addi %while3A_161, %add3A_266 : i32
            %min3A = arith.constant 8 : i32
            %min3A_268 = arith.minsi %add3A_267, %min3A : i32
            scf.yield %max3A_261, %and3A_265, %min3A_268 : i32, i32, i32
          } else {
            scf.yield %add3A_208, %while3A_160, %while3A_161 : i32, i32, i32
          }
          scf.yield %cond3A_213#0, %cond3A_213#1, %cond3A_213#2 : i32, i32, i32
        }
        %while3A_150 = arith.constant 1 : i32
        %while3A_151:3 = scf.for %while3A_158 = %while3A_147 to %while3A_143 step %while3A_150 iter_args(%while3A_159 = %while3A_149#0, %while3A_160 = %while3A_149#1, %while3A_161 = %while3A_149#2) -> (i32, i32, i32)  : i32 {
          %mul3A_162 = arith.constant 16 : i32
          %mul3A_163 = arith.muli %while3A_158, %mul3A_162 : i32
          %get3A = arith.index_cast %mul3A_163 : i32 to index
          %get3A_164 = tpu.vector_load %arg7[%get3A] {strides = array<i32>} : memref<16400xi32, #tpu.memory_space<vmem>>, vector<16xi32>,
          %mul3A_165 = arith.constant 16 : i32
          %mul3A_166 = arith.muli %while3A_158, %mul3A_165 : i32
          %get3A_167 = arith.index_cast %mul3A_166 : i32 to index
          %get3A_168 = tpu.vector_load %arg8[%get3A_167] {strides = array<i32>} : memref<16400xi32, #tpu.memory_space<vmem>>, vector<16xi32>,
          %mul3A_169 = arith.constant 16 : i32
          %mul3A_170 = arith.muli %while3A_158, %mul3A_169 : i32
          %iota3A = tpu.iota {dimensions = array<i32: 0>} : vector<16xi32>
          %add3A_171 = vector.broadcast %mul3A_170 : i32 to vector<16xi32>
          %add3A_172 = arith.addi %add3A_171, %iota3A : vector<16xi32>
          %lt3A_173 = vector.broadcast %scan3A_5 : i32 to vector<16xi32>
          %lt3A_174 = arith.cmpi slt, %add3A_172, %lt3A_173 : vector<16xi32>
          %shift_right_arithmetic3A_175 = arith.constant 9 : i32
          %shift_right_arithmetic3A_176 = vector.broadcast %shift_right_arithmetic3A_175 : i32 to vector<16xi32>
          %shift_right_arithmetic3A_177 = arith.shrsi %get3A_164, %shift_right_arithmetic3A_176 : vector<16xi32>
          %eq3A_178 = vector.broadcast %add3A_136 : i32 to vector<16xi32>
          %eq3A_179 = arith.cmpi eq, %shift_right_arithmetic3A_177, %eq3A_178 : vector<16xi32>
          %and3A_180 = arith.andi %eq3A_179, %lt3A_174 : vector<16xi1>
          %iota3A_181 = tpu.iota {dimensions = array<i32: 0>} : vector<16xi32>
          %iota3A_182 = tpu.iota {dimensions = array<i32: 0>} : vector<16xi32>
          %add3A_183 = arith.constant 16 : i32
          %add3A_184 = vector.broadcast %add3A_183 : i32 to vector<16xi32>
          %add3A_185 = arith.addi %iota3A_182, %add3A_184 : vector<16xi32>
          %select_n3A_186 = arith.select %and3A_180, %iota3A_181, %add3A_185 : vector<16xi1>, vector<16xi32>
          %and3A_187 = arith.constant 511 : i32
          %and3A_188 = vector.broadcast %and3A_187 : i32 to vector<16xi32>
          %and3A_189 = arith.andi %get3A_164, %and3A_188 : vector<16xi32>
          %masked_sort3A = arith.constant dense<true> : vector<16xi1>
          %masked_sort3A_190 = arith.constant -2147483648 : i32
          %masked_sort3A_191 = vector.broadcast %masked_sort3A_190 : i32 to vector<16xi32>
          %masked_sort3A_192 = arith.xori %select_n3A_186, %masked_sort3A_191 : vector<16xi32>
          %masked_sort3A_193, %masked_sort3A_194, %masked_sort3A_195 = tpu.sort %masked_sort3A_192, %and3A_189 masked %masked_sort3A : (vector<16xi32>, vector<16xi32>, vector<16xi1>) -> (vector<16xi1>, vector<16xi32>, vector<16xi32>)
          %masked_sort3A_196 = arith.xori %masked_sort3A_194, %masked_sort3A_191 : vector<16xi32>
          %swap3A = arith.index_cast %while3A_159 : i32 to index
          %swap3A_197 = tpu.vector_load %arg11[%swap3A] {strides = array<i32>} : memref<48xi32, #tpu.memory_space<vmem>>, vector<16xi32>,
          tpu.vector_store %arg11[%swap3A], %masked_sort3A_195 {strides = array<i32>} : memref<48xi32, #tpu.memory_space<vmem>>, vector<16xi32>,
          %masked_sort3A_198 = arith.constant dense<true> : vector<16xi1>
          %masked_sort3A_199 = arith.constant -2147483648 : i32
          %masked_sort3A_200 = vector.broadcast %masked_sort3A_199 : i32 to vector<16xi32>
          %masked_sort3A_201 = arith.xori %select_n3A_186, %masked_sort3A_200 : vector<16xi32>
          %masked_sort3A_202, %masked_sort3A_203, %masked_sort3A_204 = tpu.sort %masked_sort3A_201, %get3A_168 masked %masked_sort3A_198 : (vector<16xi32>, vector<16xi32>, vector<16xi1>) -> (vector<16xi1>, vector<16xi32>, vector<16xi32>)
          %masked_sort3A_205 = arith.xori %masked_sort3A_203, %masked_sort3A_200 : vector<16xi32>
          %swap3A_206 = arith.index_cast %while3A_159 : i32 to index
          %swap3A_207 = tpu.vector_load %arg12[%swap3A_206] {strides = array<i32>} : memref<48xi32, #tpu.memory_space<vmem>>, vector<16xi32>,
          tpu.vector_store %arg12[%swap3A_206], %masked_sort3A_204 {strides = array<i32>} : memref<48xi32, #tpu.memory_space<vmem>>, vector<16xi32>,
          %all_reduce_population_count3A = tpu.all_reduce %and3A_180 {dim = 0 : i64, kind = #tpu.reduction_kind<sum>} : vector<16xi1> -> vector<16xi32>
          %slice3A = vector.extract_strided_slice %all_reduce_population_count3A {offsets = [0], sizes = [1], strides = [1]} : vector<16xi32> to vector<1xi32>
          %squeeze3A = vector.extract %slice3A[0] : i32 from vector<1xi32>
          %add3A_208 = arith.addi %while3A_159, %squeeze3A : i32
          %ge3A = arith.constant 16 : i32
          %ge3A_209 = arith.cmpi sge, %add3A_208, %ge3A : i32
          %convert_element_type3A_210 = arith.extui %ge3A_209 : i1 to i32
          %cond3A_211 = arith.constant 0 : i32
          %cond3A_212 = arith.cmpi ne, %convert_element_type3A_210, %cond3A_211 : i32
          %cond3A_213:3 = scf.if %cond3A_212 -> (i32, i32, i32) {
            %ge3A_214 = arith.constant 8 : i32
            %ge3A_215 = arith.cmpi sge, %while3A_161, %ge3A_214 : i32
            %convert_element_type3A_216 = arith.extui %ge3A_215 : i1 to i32
            %cond3A_217 = arith.constant 0 : i32
            %cond3A_218 = arith.cmpi ne, %convert_element_type3A_216, %cond3A_217 : i32
            scf.if %cond3A_218 {
              %dma_wait3A = arith.constant 0 : i32
              %dma_wait3A_269 = arith.constant 0 : i32
              %dma_wait3A_270 = arith.constant 0 : i32
              %dma_wait3A_271 = arith.constant 0 : i32
              %dma_wait3A_272 = tpu.memref_slice %arg13[%dma_wait3A, %dma_wait3A_270, %dma_wait3A_271] : memref<8x16x128xf32, #tpu.memory_space<vmem>> -> memref<1x16x128xf32, #tpu.memory_space<vmem>>
              %dma_wait3A_273 = tpu.memref_squeeze %dma_wait3A_272 : memref<1x16x128xf32, #tpu.memory_space<vmem>> -> memref<16x128xf32, #tpu.memory_space<vmem>>
              %dma_wait3A_274 = arith.constant 0 : i32
              %dma_wait3A_275 = tpu.memref_slice %arg14[%dma_wait3A_269, %dma_wait3A_274] : memref<8x16xi32, #tpu.memory_space<vmem>> -> memref<1x16xi32, #tpu.memory_space<vmem>>
              %dma_wait3A_276 = tpu.memref_squeeze %dma_wait3A_275 : memref<1x16xi32, #tpu.memory_space<vmem>> -> memref<16xi32, #tpu.memory_space<vmem>>
              %dma_wait3A_277 = arith.constant 0 : i32
              %dma_wait3A_278 = arith.constant 0 : i32
              %dma_wait3A_279 = tpu.memref_slice %arg5[%dma_wait3A_277, %dma_wait3A_278] : memref<16384x128xf32, #tpu.memory_space<hbm>> -> memref<16384x128xf32, #tpu.memory_space<hbm>>
              tpu.wait_indirect_dma semaphore(%arg17 : memref<!tpu.dma_semaphore, #tpu.memory_space<semaphore_mem>>) src(%dma_wait3A_273 : memref<16x128xf32, #tpu.memory_space<vmem>>) dst(%dma_wait3A_279 : memref<16384x128xf32, #tpu.memory_space<hbm>>)
            } else {
            }
            %get3A_219 = arith.constant 0 : index
            %get3A_220 = tpu.vector_load %arg11[%get3A_219] {strides = array<i32>} : memref<48xi32, #tpu.memory_space<vmem>>, vector<16xi32>,
            %get3A_221 = arith.constant 0 : index
            %get3A_222 = tpu.vector_load %arg12[%get3A_221] {strides = array<i32>} : memref<48xi32, #tpu.memory_space<vmem>>, vector<16xi32>,
            %iota3A_223 = tpu.iota {dimensions = array<i32: 0>} : vector<16xi32>
            %lt3A_224 = vector.broadcast %add3A_208 : i32 to vector<16xi32>
            %lt3A_225 = arith.cmpi slt, %iota3A_223, %lt3A_224 : vector<16xi32>
            %slice3A_226 = vector.extract_strided_slice %get3A_220 {offsets = [0], sizes = [1], strides = [1]} : vector<16xi32> to vector<1xi32>
            %squeeze3A_227 = vector.extract %slice3A_226[0] : i32 from vector<1xi32>
            %broadcast_in_dim3A = vector.broadcast %squeeze3A_227 : i32 to vector<16xi32>
            %select_n3A_228 = arith.select %lt3A_225, %get3A_220, %broadcast_in_dim3A : vector<16xi1>, vector<16xi32>
            %slice3A_229 = vector.extract_strided_slice %get3A_222 {offsets = [0], sizes = [1], strides = [1]} : vector<16xi32> to vector<1xi32>
            %squeeze3A_230 = vector.extract %slice3A_229[0] : i32 from vector<1xi32>
            %broadcast_in_dim3A_231 = vector.broadcast %squeeze3A_230 : i32 to vector<16xi32>
            %select_n3A_232 = arith.select %lt3A_225, %get3A_222, %broadcast_in_dim3A_231 : vector<16xi1>, vector<16xi32>
            %swap3A_233 = arith.index_cast %while3A_160 : i32 to index
            %swap3A_234 = arith.constant 0 : index
            %swap3A_235 = tpu.vector_load %arg14[%swap3A_233, %swap3A_234] {strides = array<i32>} : memref<8x16xi32, #tpu.memory_space<vmem>>, vector<16xi32>,
            tpu.vector_store %arg14[%swap3A_233, %swap3A_234], %select_n3A_232 {strides = array<i32>} : memref<8x16xi32, #tpu.memory_space<vmem>>, vector<16xi32>,
            %scan3A_236 = arith.constant 0 : i32
            %scan3A_237 = arith.constant 0 : i32
            %scan3A_238 = arith.constant 64 : i32
            %scan3A_239 = arith.addi %scan3A_237, %scan3A_238 : i32
            %scan3A_240 = arith.constant 1 : i32
            scf.for %scan3A_269 = %scan3A_237 to %scan3A_239 step %scan3A_240  : i32 {
              %broadcast_in_dim3A_270 = vector.broadcast %scan3A_269 : i32 to vector<16xi32>
              %gather3A = tpu.vector_load_idx %arg10[%broadcast_in_dim3A_270, %select_n3A_228] : memref<64x512xf32, #tpu.memory_space<vmem>>[vector<16xi32>, vector<16xi32>], vector<16xf32>,
              %broadcast_in_dim3A_271 = vector.broadcast %while3A_160 : i32 to vector<16xi32>
              %iota3A_272 = tpu.iota {dimensions = array<i32: 0>} : vector<16xi32>
              %broadcast_in_dim3A_273 = vector.broadcast %scan3A_269 : i32 to vector<16xi32>
              tpu.vector_store_idx %arg13[%broadcast_in_dim3A_271, %iota3A_272, %broadcast_in_dim3A_273], %gather3A : memref<8x16x128xf32, #tpu.memory_space<vmem>>[vector<16xi32>, vector<16xi32>, vector<16xi32>], vector<16xf32>,
            }
            %scan3A_241 = arith.constant 64 : i32
            %dma_start3A = arith.constant 0 : i32
            %dma_start3A_242 = arith.constant 0 : i32
            %dma_start3A_243 = tpu.memref_slice %arg13[%while3A_160, %dma_start3A, %dma_start3A_242] : memref<8x16x128xf32, #tpu.memory_space<vmem>> -> memref<1x16x128xf32, #tpu.memory_space<vmem>>
            %dma_start3A_244 = tpu.memref_squeeze %dma_start3A_243 : memref<1x16x128xf32, #tpu.memory_space<vmem>> -> memref<16x128xf32, #tpu.memory_space<vmem>>
            %dma_start3A_245 = arith.constant 0 : i32
            %dma_start3A_246 = tpu.memref_slice %arg14[%while3A_160, %dma_start3A_245] : memref<8x16xi32, #tpu.memory_space<vmem>> -> memref<1x16xi32, #tpu.memory_space<vmem>>
            %dma_start3A_247 = tpu.memref_squeeze %dma_start3A_246 : memref<1x16xi32, #tpu.memory_space<vmem>> -> memref<16xi32, #tpu.memory_space<vmem>>
            %dma_start3A_248 = arith.constant 0 : i32
            %dma_start3A_249 = arith.constant 0 : i32
            %dma_start3A_250 = tpu.memref_slice %arg5[%dma_start3A_248, %dma_start3A_249] : memref<16384x128xf32, #tpu.memory_space<hbm>> -> memref<16384x128xf32, #tpu.memory_space<hbm>>
            tpu.enqueue_indirect_dma source(%dma_start3A_244 : memref<16x128xf32, #tpu.memory_space<vmem>>) target(%dma_start3A_250 : memref<16384x128xf32, #tpu.memory_space<hbm>>) offsets(%dma_start3A_247 : memref<16xi32, #tpu.memory_space<vmem>>) semaphore(%arg17 : memref<!tpu.dma_semaphore, #tpu.memory_space<semaphore_mem>>)
            %get3A_251 = arith.constant 16 : index
            %get3A_252 = tpu.vector_load %arg11[%get3A_251] {strides = array<i32>} : memref<48xi32, #tpu.memory_space<vmem>>, vector<16xi32>,
            %swap3A_253 = arith.constant 0 : index
            %swap3A_254 = tpu.vector_load %arg11[%swap3A_253] {strides = array<i32>} : memref<48xi32, #tpu.memory_space<vmem>>, vector<16xi32>,
            tpu.vector_store %arg11[%swap3A_253], %get3A_252 {strides = array<i32>} : memref<48xi32, #tpu.memory_space<vmem>>, vector<16xi32>,
            %get3A_255 = arith.constant 16 : index
            %get3A_256 = tpu.vector_load %arg12[%get3A_255] {strides = array<i32>} : memref<48xi32, #tpu.memory_space<vmem>>, vector<16xi32>,
            %swap3A_257 = arith.constant 0 : index
            %swap3A_258 = tpu.vector_load %arg12[%swap3A_257] {strides = array<i32>} : memref<48xi32, #tpu.memory_space<vmem>>, vector<16xi32>,
            tpu.vector_store %arg12[%swap3A_257], %get3A_256 {strides = array<i32>} : memref<48xi32, #tpu.memory_space<vmem>>, vector<16xi32>,
            %sub3A_259 = arith.constant 16 : i32
            %sub3A_260 = arith.subi %add3A_208, %sub3A_259 : i32
            %max3A = arith.constant 0 : i32
            %max3A_261 = arith.maxsi %sub3A_260, %max3A : i32
            %add3A_262 = arith.constant 1 : i32
            %add3A_263 = arith.addi %while3A_160, %add3A_262 : i32
            %and3A_264 = arith.constant 7 : i32
            %and3A_265 = arith.andi %add3A_263, %and3A_264 : i32
            %add3A_266 = arith.constant 1 : i32
            %add3A_267 = arith.addi %while3A_161, %add3A_266 : i32
            %min3A = arith.constant 8 : i32
            %min3A_268 = arith.minsi %add3A_267, %min3A : i32
            scf.yield %max3A_261, %and3A_265, %min3A_268 : i32, i32, i32
          } else {
            scf.yield %add3A_208, %while3A_160, %while3A_161 : i32, i32, i32
          }
          scf.yield %cond3A_213#0, %cond3A_213#1, %cond3A_213#2 : i32, i32, i32
        }
        %gt3A_152 = arith.constant 0 : i32
        %gt3A_153 = arith.cmpi sgt, %while3A_151#0, %gt3A_152 : i32
        %convert_element_type3A_154 = arith.extui %gt3A_153 : i1 to i32
        %cond3A_155 = arith.constant 0 : i32
        %cond3A_156 = arith.cmpi ne, %convert_element_type3A_154, %cond3A_155 : i32
        %cond3A_157:3 = scf.if %cond3A_156 -> (i32, i32, i32) {
          %ge3A = arith.constant 8 : i32
          %ge3A_158 = arith.cmpi sge, %while3A_151#2, %ge3A : i32
          %convert_element_type3A_159 = arith.extui %ge3A_158 : i1 to i32
          %cond3A_160 = arith.constant 0 : i32
          %cond3A_161 = arith.cmpi ne, %convert_element_type3A_159, %cond3A_160 : i32
          scf.if %cond3A_161 {
            %dma_wait3A = arith.constant 0 : i32
            %dma_wait3A_207 = arith.constant 0 : i32
            %dma_wait3A_208 = arith.constant 0 : i32
            %dma_wait3A_209 = arith.constant 0 : i32
            %dma_wait3A_210 = tpu.memref_slice %arg13[%dma_wait3A, %dma_wait3A_208, %dma_wait3A_209] : memref<8x16x128xf32, #tpu.memory_space<vmem>> -> memref<1x16x128xf32, #tpu.memory_space<vmem>>
            %dma_wait3A_211 = tpu.memref_squeeze %dma_wait3A_210 : memref<1x16x128xf32, #tpu.memory_space<vmem>> -> memref<16x128xf32, #tpu.memory_space<vmem>>
            %dma_wait3A_212 = arith.constant 0 : i32
            %dma_wait3A_213 = tpu.memref_slice %arg14[%dma_wait3A_207, %dma_wait3A_212] : memref<8x16xi32, #tpu.memory_space<vmem>> -> memref<1x16xi32, #tpu.memory_space<vmem>>
            %dma_wait3A_214 = tpu.memref_squeeze %dma_wait3A_213 : memref<1x16xi32, #tpu.memory_space<vmem>> -> memref<16xi32, #tpu.memory_space<vmem>>
            %dma_wait3A_215 = arith.constant 0 : i32
            %dma_wait3A_216 = arith.constant 0 : i32
            %dma_wait3A_217 = tpu.memref_slice %arg5[%dma_wait3A_215, %dma_wait3A_216] : memref<16384x128xf32, #tpu.memory_space<hbm>> -> memref<16384x128xf32, #tpu.memory_space<hbm>>
            tpu.wait_indirect_dma semaphore(%arg17 : memref<!tpu.dma_semaphore, #tpu.memory_space<semaphore_mem>>) src(%dma_wait3A_211 : memref<16x128xf32, #tpu.memory_space<vmem>>) dst(%dma_wait3A_217 : memref<16384x128xf32, #tpu.memory_space<hbm>>)
          } else {
          }
          %get3A = arith.constant 0 : index
          %get3A_162 = tpu.vector_load %arg11[%get3A] {strides = array<i32>} : memref<48xi32, #tpu.memory_space<vmem>>, vector<16xi32>,
          %get3A_163 = arith.constant 0 : index
          %get3A_164 = tpu.vector_load %arg12[%get3A_163] {strides = array<i32>} : memref<48xi32, #tpu.memory_space<vmem>>, vector<16xi32>,
          %iota3A = tpu.iota {dimensions = array<i32: 0>} : vector<16xi32>
          %lt3A_165 = vector.broadcast %while3A_151#0 : i32 to vector<16xi32>
          %lt3A_166 = arith.cmpi slt, %iota3A, %lt3A_165 : vector<16xi32>
          %slice3A = vector.extract_strided_slice %get3A_162 {offsets = [0], sizes = [1], strides = [1]} : vector<16xi32> to vector<1xi32>
          %squeeze3A = vector.extract %slice3A[0] : i32 from vector<1xi32>
          %broadcast_in_dim3A = vector.broadcast %squeeze3A : i32 to vector<16xi32>
          %select_n3A_167 = arith.select %lt3A_166, %get3A_162, %broadcast_in_dim3A : vector<16xi1>, vector<16xi32>
          %slice3A_168 = vector.extract_strided_slice %get3A_164 {offsets = [0], sizes = [1], strides = [1]} : vector<16xi32> to vector<1xi32>
          %squeeze3A_169 = vector.extract %slice3A_168[0] : i32 from vector<1xi32>
          %broadcast_in_dim3A_170 = vector.broadcast %squeeze3A_169 : i32 to vector<16xi32>
          %select_n3A_171 = arith.select %lt3A_166, %get3A_164, %broadcast_in_dim3A_170 : vector<16xi1>, vector<16xi32>
          %swap3A = arith.index_cast %while3A_151#1 : i32 to index
          %swap3A_172 = arith.constant 0 : index
          %swap3A_173 = tpu.vector_load %arg14[%swap3A, %swap3A_172] {strides = array<i32>} : memref<8x16xi32, #tpu.memory_space<vmem>>, vector<16xi32>,
          tpu.vector_store %arg14[%swap3A, %swap3A_172], %select_n3A_171 {strides = array<i32>} : memref<8x16xi32, #tpu.memory_space<vmem>>, vector<16xi32>,
          %scan3A_174 = arith.constant 0 : i32
          %scan3A_175 = arith.constant 0 : i32
          %scan3A_176 = arith.constant 64 : i32
          %scan3A_177 = arith.addi %scan3A_175, %scan3A_176 : i32
          %scan3A_178 = arith.constant 1 : i32
          scf.for %scan3A_207 = %scan3A_175 to %scan3A_177 step %scan3A_178  : i32 {
            %broadcast_in_dim3A_208 = vector.broadcast %scan3A_207 : i32 to vector<16xi32>
            %gather3A = tpu.vector_load_idx %arg10[%broadcast_in_dim3A_208, %select_n3A_167] : memref<64x512xf32, #tpu.memory_space<vmem>>[vector<16xi32>, vector<16xi32>], vector<16xf32>,
            %broadcast_in_dim3A_209 = vector.broadcast %while3A_151#1 : i32 to vector<16xi32>
            %iota3A_210 = tpu.iota {dimensions = array<i32: 0>} : vector<16xi32>
            %broadcast_in_dim3A_211 = vector.broadcast %scan3A_207 : i32 to vector<16xi32>
            tpu.vector_store_idx %arg13[%broadcast_in_dim3A_209, %iota3A_210, %broadcast_in_dim3A_211], %gather3A : memref<8x16x128xf32, #tpu.memory_space<vmem>>[vector<16xi32>, vector<16xi32>, vector<16xi32>], vector<16xf32>,
          }
          %scan3A_179 = arith.constant 64 : i32
          %dma_start3A = arith.constant 0 : i32
          %dma_start3A_180 = arith.constant 0 : i32
          %dma_start3A_181 = tpu.memref_slice %arg13[%while3A_151#1, %dma_start3A, %dma_start3A_180] : memref<8x16x128xf32, #tpu.memory_space<vmem>> -> memref<1x16x128xf32, #tpu.memory_space<vmem>>
          %dma_start3A_182 = tpu.memref_squeeze %dma_start3A_181 : memref<1x16x128xf32, #tpu.memory_space<vmem>> -> memref<16x128xf32, #tpu.memory_space<vmem>>
          %dma_start3A_183 = arith.constant 0 : i32
          %dma_start3A_184 = tpu.memref_slice %arg14[%while3A_151#1, %dma_start3A_183] : memref<8x16xi32, #tpu.memory_space<vmem>> -> memref<1x16xi32, #tpu.memory_space<vmem>>
          %dma_start3A_185 = tpu.memref_squeeze %dma_start3A_184 : memref<1x16xi32, #tpu.memory_space<vmem>> -> memref<16xi32, #tpu.memory_space<vmem>>
          %dma_start3A_186 = arith.constant 0 : i32
          %dma_start3A_187 = arith.constant 0 : i32
          %dma_start3A_188 = tpu.memref_slice %arg5[%dma_start3A_186, %dma_start3A_187] : memref<16384x128xf32, #tpu.memory_space<hbm>> -> memref<16384x128xf32, #tpu.memory_space<hbm>>
          tpu.enqueue_indirect_dma source(%dma_start3A_182 : memref<16x128xf32, #tpu.memory_space<vmem>>) target(%dma_start3A_188 : memref<16384x128xf32, #tpu.memory_space<hbm>>) offsets(%dma_start3A_185 : memref<16xi32, #tpu.memory_space<vmem>>) semaphore(%arg17 : memref<!tpu.dma_semaphore, #tpu.memory_space<semaphore_mem>>)
          %get3A_189 = arith.constant 16 : index
          %get3A_190 = tpu.vector_load %arg11[%get3A_189] {strides = array<i32>} : memref<48xi32, #tpu.memory_space<vmem>>, vector<16xi32>,
          %swap3A_191 = arith.constant 0 : index
          %swap3A_192 = tpu.vector_load %arg11[%swap3A_191] {strides = array<i32>} : memref<48xi32, #tpu.memory_space<vmem>>, vector<16xi32>,
          tpu.vector_store %arg11[%swap3A_191], %get3A_190 {strides = array<i32>} : memref<48xi32, #tpu.memory_space<vmem>>, vector<16xi32>,
          %get3A_193 = arith.constant 16 : index
          %get3A_194 = tpu.vector_load %arg12[%get3A_193] {strides = array<i32>} : memref<48xi32, #tpu.memory_space<vmem>>, vector<16xi32>,
          %swap3A_195 = arith.constant 0 : index
          %swap3A_196 = tpu.vector_load %arg12[%swap3A_195] {strides = array<i32>} : memref<48xi32, #tpu.memory_space<vmem>>, vector<16xi32>,
          tpu.vector_store %arg12[%swap3A_195], %get3A_194 {strides = array<i32>} : memref<48xi32, #tpu.memory_space<vmem>>, vector<16xi32>,
          %sub3A_197 = arith.constant 16 : i32
          %sub3A_198 = arith.subi %while3A_151#0, %sub3A_197 : i32
          %max3A = arith.constant 0 : i32
          %max3A_199 = arith.maxsi %sub3A_198, %max3A : i32
          %add3A_200 = arith.constant 1 : i32
          %add3A_201 = arith.addi %while3A_151#1, %add3A_200 : i32
          %and3A_202 = arith.constant 7 : i32
          %and3A_203 = arith.andi %add3A_201, %and3A_202 : i32
          %add3A_204 = arith.constant 1 : i32
          %add3A_205 = arith.addi %while3A_151#2, %add3A_204 : i32
          %min3A = arith.constant 8 : i32
          %min3A_206 = arith.minsi %add3A_205, %min3A : i32
          scf.yield %max3A_199, %and3A_203, %min3A_206 : i32, i32, i32
        } else {
          scf.yield %while3A_151#0, %while3A_151#1, %while3A_151#2 : i32, i32, i32
        }
        scf.yield %cond3A_157#1, %cond3A_157#2 : i32, i32
      } else {
        scf.yield %cond3A_108#0, %cond3A_108#1 : i32, i32
      }
      %add3A_128 = arith.constant 2 : i32
      %add3A_129 = arith.addi %add3A_118, %add3A_128 : i32
      %lt3A_130 = arith.cmpi slt, %add3A_129, %select_n3A : i32
      %convert_element_type3A_131 = arith.extui %lt3A_130 : i1 to i32
      %cond3A_132 = arith.constant 0 : i32
      %cond3A_133 = arith.cmpi ne, %convert_element_type3A_131, %cond3A_132 : i32
      scf.if %cond3A_133 {
        %add3A_134 = arith.constant 2 : i32
        %add3A_135 = arith.addi %add3A_118, %add3A_134 : i32
        %mul3A_136 = arith.constant 32 : i32
        %mul3A_137 = arith.muli %add3A_135, %mul3A_136 : i32
        %add3A_138 = arith.addi %add3A, %mul3A_137 : i32
        %mul3A_139 = arith.constant 512 : i32
        %mul3A_140 = arith.muli %add3A_138, %mul3A_139 : i32
        %dma_start3A = arith.constant 0 : i32
        %dma_start3A_141 = tpu.memref_slice %arg2[%dma_start3A, %mul3A_140] : memref<64x1000000xf32, #tpu.memory_space<hbm>> -> memref<64x512xf32, #tpu.memory_space<hbm>>
        %dma_start3A_142 = arith.constant 0 : i32
        %dma_start3A_143 = tpu.memref_slice %arg2[%dma_start3A_142, %mul3A_140] : memref<64x1000000xf32, #tpu.memory_space<hbm>> -> memref<64x512xf32, #tpu.memory_space<hbm>>
        tpu.enqueue_dma source(%dma_start3A_143 : memref<64x512xf32, #tpu.memory_space<hbm>>) target(%arg10 : memref<64x512xf32, #tpu.memory_space<vmem>>) target_semaphore(%arg16 : memref<!tpu.dma_semaphore, #tpu.memory_space<semaphore_mem>>)
      } else {
      }
      scf.yield %cond3A_127#0, %cond3A_127#1 : i32, i32
    }
    %while3A_72 = arith.constant 1 : i32
    %while3A_73:2 = scf.for %while3A_94 = %while3A_69 to %while3A_65 step %while3A_72 iter_args(%while3A_95 = %while3A_71#0, %while3A_96 = %while3A_71#1) -> (i32, i32)  : i32 {
      %mul3A_97 = arith.constant 2 : i32
      %mul3A_98 = arith.muli %while3A_94, %mul3A_97 : i32
      %add3A_99 = arith.constant 0 : i32
      %add3A_100 = arith.addi %mul3A_98, %add3A_99 : i32
      %lt3A = arith.cmpi slt, %add3A_100, %select_n3A : i32
      %convert_element_type3A_101 = arith.extui %lt3A : i1 to i32
      %cond3A_102 = arith.constant 0 : i32
      %cond3A_103 = arith.cmpi ne, %convert_element_type3A_101, %cond3A_102 : i32
      scf.if %cond3A_103 {
        %dma_wait3A = arith.constant 0 : i32
        %dma_wait3A_134 = arith.constant 0 : i32
        %dma_wait3A_135 = tpu.memref_slice %arg2[%dma_wait3A, %dma_wait3A_134] : memref<64x1000000xf32, #tpu.memory_space<hbm>> -> memref<64x512xf32, #tpu.memory_space<hbm>>
        %dma_wait3A_136 = arith.constant 0 : i32
        %dma_wait3A_137 = arith.constant 0 : i32
        %dma_wait3A_138 = tpu.memref_slice %arg2[%dma_wait3A_136, %dma_wait3A_137] : memref<64x1000000xf32, #tpu.memory_space<hbm>> -> memref<64x512xf32, #tpu.memory_space<hbm>>
        tpu.wait_dma2 semaphore(%arg16 : memref<!tpu.dma_semaphore, #tpu.memory_space<semaphore_mem>>) src(%dma_wait3A_138 : memref<64x512xf32, #tpu.memory_space<hbm>>) dst(%arg9 : memref<64x512xf32, #tpu.memory_space<vmem>>)
      } else {
      }
      %lt3A_104 = arith.cmpi slt, %add3A_100, %select_n3A : i32
      %convert_element_type3A_105 = arith.extui %lt3A_104 : i1 to i32
      %cond3A_106 = arith.constant 0 : i32
      %cond3A_107 = arith.cmpi ne, %convert_element_type3A_105, %cond3A_106 : i32
      %cond3A_108:2 = scf.if %cond3A_107 -> (i32, i32) {
        %mul3A_134 = arith.constant 32 : i32
        %mul3A_135 = arith.muli %add3A_100, %mul3A_134 : i32
        %add3A_136 = arith.addi %add3A, %mul3A_135 : i32
        %add3A_137 = arith.constant 15 : i32
        %add3A_138 = arith.addi %scan3A_5, %add3A_137 : i32
        %shift_right_arithmetic3A = arith.constant 4 : i32
        %shift_right_arithmetic3A_139 = arith.shrsi %add3A_138, %shift_right_arithmetic3A : i32
        %while3A_140 = arith.constant 0 : i32
        %while3A_141 = arith.constant 0 : i32
        %while3A_142 = arith.subi %shift_right_arithmetic3A_139, %while3A_140 : i32
        %while3A_143 = arith.addi %while3A_140, %while3A_142 : i32
        %while3A_144 = arith.constant 1 : i32
        %while3A_145 = arith.divsi %while3A_142, %while3A_144 : i32
        %while3A_146 = arith.muli %while3A_145, %while3A_144 : i32
        %while3A_147 = arith.addi %while3A_140, %while3A_146 : i32
        %while3A_148 = arith.constant 1 : i32
        %while3A_149:3 = scf.for %while3A_158 = %while3A_140 to %while3A_147 step %while3A_148 iter_args(%while3A_159 = %while3A_141, %while3A_160 = %while3A_95, %while3A_161 = %while3A_96) -> (i32, i32, i32)  : i32 {
          %mul3A_162 = arith.constant 16 : i32
          %mul3A_163 = arith.muli %while3A_158, %mul3A_162 : i32
          %get3A = arith.index_cast %mul3A_163 : i32 to index
          %get3A_164 = tpu.vector_load %arg7[%get3A] {strides = array<i32>} : memref<16400xi32, #tpu.memory_space<vmem>>, vector<16xi32>,
          %mul3A_165 = arith.constant 16 : i32
          %mul3A_166 = arith.muli %while3A_158, %mul3A_165 : i32
          %get3A_167 = arith.index_cast %mul3A_166 : i32 to index
          %get3A_168 = tpu.vector_load %arg8[%get3A_167] {strides = array<i32>} : memref<16400xi32, #tpu.memory_space<vmem>>, vector<16xi32>,
          %mul3A_169 = arith.constant 16 : i32
          %mul3A_170 = arith.muli %while3A_158, %mul3A_169 : i32
          %iota3A = tpu.iota {dimensions = array<i32: 0>} : vector<16xi32>
          %add3A_171 = vector.broadcast %mul3A_170 : i32 to vector<16xi32>
          %add3A_172 = arith.addi %add3A_171, %iota3A : vector<16xi32>
          %lt3A_173 = vector.broadcast %scan3A_5 : i32 to vector<16xi32>
          %lt3A_174 = arith.cmpi slt, %add3A_172, %lt3A_173 : vector<16xi32>
          %shift_right_arithmetic3A_175 = arith.constant 9 : i32
          %shift_right_arithmetic3A_176 = vector.broadcast %shift_right_arithmetic3A_175 : i32 to vector<16xi32>
          %shift_right_arithmetic3A_177 = arith.shrsi %get3A_164, %shift_right_arithmetic3A_176 : vector<16xi32>
          %eq3A_178 = vector.broadcast %add3A_136 : i32 to vector<16xi32>
          %eq3A_179 = arith.cmpi eq, %shift_right_arithmetic3A_177, %eq3A_178 : vector<16xi32>
          %and3A_180 = arith.andi %eq3A_179, %lt3A_174 : vector<16xi1>
          %iota3A_181 = tpu.iota {dimensions = array<i32: 0>} : vector<16xi32>
          %iota3A_182 = tpu.iota {dimensions = array<i32: 0>} : vector<16xi32>
          %add3A_183 = arith.constant 16 : i32
          %add3A_184 = vector.broadcast %add3A_183 : i32 to vector<16xi32>
          %add3A_185 = arith.addi %iota3A_182, %add3A_184 : vector<16xi32>
          %select_n3A_186 = arith.select %and3A_180, %iota3A_181, %add3A_185 : vector<16xi1>, vector<16xi32>
          %and3A_187 = arith.constant 511 : i32
          %and3A_188 = vector.broadcast %and3A_187 : i32 to vector<16xi32>
          %and3A_189 = arith.andi %get3A_164, %and3A_188 : vector<16xi32>
          %masked_sort3A = arith.constant dense<true> : vector<16xi1>
          %masked_sort3A_190 = arith.constant -2147483648 : i32
          %masked_sort3A_191 = vector.broadcast %masked_sort3A_190 : i32 to vector<16xi32>
          %masked_sort3A_192 = arith.xori %select_n3A_186, %masked_sort3A_191 : vector<16xi32>
          %masked_sort3A_193, %masked_sort3A_194, %masked_sort3A_195 = tpu.sort %masked_sort3A_192, %and3A_189 masked %masked_sort3A : (vector<16xi32>, vector<16xi32>, vector<16xi1>) -> (vector<16xi1>, vector<16xi32>, vector<16xi32>)
          %masked_sort3A_196 = arith.xori %masked_sort3A_194, %masked_sort3A_191 : vector<16xi32>
          %swap3A = arith.index_cast %while3A_159 : i32 to index
          %swap3A_197 = tpu.vector_load %arg11[%swap3A] {strides = array<i32>} : memref<48xi32, #tpu.memory_space<vmem>>, vector<16xi32>,
          tpu.vector_store %arg11[%swap3A], %masked_sort3A_195 {strides = array<i32>} : memref<48xi32, #tpu.memory_space<vmem>>, vector<16xi32>,
          %masked_sort3A_198 = arith.constant dense<true> : vector<16xi1>
          %masked_sort3A_199 = arith.constant -2147483648 : i32
          %masked_sort3A_200 = vector.broadcast %masked_sort3A_199 : i32 to vector<16xi32>
          %masked_sort3A_201 = arith.xori %select_n3A_186, %masked_sort3A_200 : vector<16xi32>
          %masked_sort3A_202, %masked_sort3A_203, %masked_sort3A_204 = tpu.sort %masked_sort3A_201, %get3A_168 masked %masked_sort3A_198 : (vector<16xi32>, vector<16xi32>, vector<16xi1>) -> (vector<16xi1>, vector<16xi32>, vector<16xi32>)
          %masked_sort3A_205 = arith.xori %masked_sort3A_203, %masked_sort3A_200 : vector<16xi32>
          %swap3A_206 = arith.index_cast %while3A_159 : i32 to index
          %swap3A_207 = tpu.vector_load %arg12[%swap3A_206] {strides = array<i32>} : memref<48xi32, #tpu.memory_space<vmem>>, vector<16xi32>,
          tpu.vector_store %arg12[%swap3A_206], %masked_sort3A_204 {strides = array<i32>} : memref<48xi32, #tpu.memory_space<vmem>>, vector<16xi32>,
          %all_reduce_population_count3A = tpu.all_reduce %and3A_180 {dim = 0 : i64, kind = #tpu.reduction_kind<sum>} : vector<16xi1> -> vector<16xi32>
          %slice3A = vector.extract_strided_slice %all_reduce_population_count3A {offsets = [0], sizes = [1], strides = [1]} : vector<16xi32> to vector<1xi32>
          %squeeze3A = vector.extract %slice3A[0] : i32 from vector<1xi32>
          %add3A_208 = arith.addi %while3A_159, %squeeze3A : i32
          %ge3A = arith.constant 16 : i32
          %ge3A_209 = arith.cmpi sge, %add3A_208, %ge3A : i32
          %convert_element_type3A_210 = arith.extui %ge3A_209 : i1 to i32
          %cond3A_211 = arith.constant 0 : i32
          %cond3A_212 = arith.cmpi ne, %convert_element_type3A_210, %cond3A_211 : i32
          %cond3A_213:3 = scf.if %cond3A_212 -> (i32, i32, i32) {
            %ge3A_214 = arith.constant 8 : i32
            %ge3A_215 = arith.cmpi sge, %while3A_161, %ge3A_214 : i32
            %convert_element_type3A_216 = arith.extui %ge3A_215 : i1 to i32
            %cond3A_217 = arith.constant 0 : i32
            %cond3A_218 = arith.cmpi ne, %convert_element_type3A_216, %cond3A_217 : i32
            scf.if %cond3A_218 {
              %dma_wait3A = arith.constant 0 : i32
              %dma_wait3A_269 = arith.constant 0 : i32
              %dma_wait3A_270 = arith.constant 0 : i32
              %dma_wait3A_271 = arith.constant 0 : i32
              %dma_wait3A_272 = tpu.memref_slice %arg13[%dma_wait3A, %dma_wait3A_270, %dma_wait3A_271] : memref<8x16x128xf32, #tpu.memory_space<vmem>> -> memref<1x16x128xf32, #tpu.memory_space<vmem>>
              %dma_wait3A_273 = tpu.memref_squeeze %dma_wait3A_272 : memref<1x16x128xf32, #tpu.memory_space<vmem>> -> memref<16x128xf32, #tpu.memory_space<vmem>>
              %dma_wait3A_274 = arith.constant 0 : i32
              %dma_wait3A_275 = tpu.memref_slice %arg14[%dma_wait3A_269, %dma_wait3A_274] : memref<8x16xi32, #tpu.memory_space<vmem>> -> memref<1x16xi32, #tpu.memory_space<vmem>>
              %dma_wait3A_276 = tpu.memref_squeeze %dma_wait3A_275 : memref<1x16xi32, #tpu.memory_space<vmem>> -> memref<16xi32, #tpu.memory_space<vmem>>
              %dma_wait3A_277 = arith.constant 0 : i32
              %dma_wait3A_278 = arith.constant 0 : i32
              %dma_wait3A_279 = tpu.memref_slice %arg5[%dma_wait3A_277, %dma_wait3A_278] : memref<16384x128xf32, #tpu.memory_space<hbm>> -> memref<16384x128xf32, #tpu.memory_space<hbm>>
              tpu.wait_indirect_dma semaphore(%arg17 : memref<!tpu.dma_semaphore, #tpu.memory_space<semaphore_mem>>) src(%dma_wait3A_273 : memref<16x128xf32, #tpu.memory_space<vmem>>) dst(%dma_wait3A_279 : memref<16384x128xf32, #tpu.memory_space<hbm>>)
            } else {
            }
            %get3A_219 = arith.constant 0 : index
            %get3A_220 = tpu.vector_load %arg11[%get3A_219] {strides = array<i32>} : memref<48xi32, #tpu.memory_space<vmem>>, vector<16xi32>,
            %get3A_221 = arith.constant 0 : index
            %get3A_222 = tpu.vector_load %arg12[%get3A_221] {strides = array<i32>} : memref<48xi32, #tpu.memory_space<vmem>>, vector<16xi32>,
            %iota3A_223 = tpu.iota {dimensions = array<i32: 0>} : vector<16xi32>
            %lt3A_224 = vector.broadcast %add3A_208 : i32 to vector<16xi32>
            %lt3A_225 = arith.cmpi slt, %iota3A_223, %lt3A_224 : vector<16xi32>
            %slice3A_226 = vector.extract_strided_slice %get3A_220 {offsets = [0], sizes = [1], strides = [1]} : vector<16xi32> to vector<1xi32>
            %squeeze3A_227 = vector.extract %slice3A_226[0] : i32 from vector<1xi32>
            %broadcast_in_dim3A = vector.broadcast %squeeze3A_227 : i32 to vector<16xi32>
            %select_n3A_228 = arith.select %lt3A_225, %get3A_220, %broadcast_in_dim3A : vector<16xi1>, vector<16xi32>
            %slice3A_229 = vector.extract_strided_slice %get3A_222 {offsets = [0], sizes = [1], strides = [1]} : vector<16xi32> to vector<1xi32>
            %squeeze3A_230 = vector.extract %slice3A_229[0] : i32 from vector<1xi32>
            %broadcast_in_dim3A_231 = vector.broadcast %squeeze3A_230 : i32 to vector<16xi32>
            %select_n3A_232 = arith.select %lt3A_225, %get3A_222, %broadcast_in_dim3A_231 : vector<16xi1>, vector<16xi32>
            %swap3A_233 = arith.index_cast %while3A_160 : i32 to index
            %swap3A_234 = arith.constant 0 : index
            %swap3A_235 = tpu.vector_load %arg14[%swap3A_233, %swap3A_234] {strides = array<i32>} : memref<8x16xi32, #tpu.memory_space<vmem>>, vector<16xi32>,
            tpu.vector_store %arg14[%swap3A_233, %swap3A_234], %select_n3A_232 {strides = array<i32>} : memref<8x16xi32, #tpu.memory_space<vmem>>, vector<16xi32>,
            %scan3A_236 = arith.constant 0 : i32
            %scan3A_237 = arith.constant 0 : i32
            %scan3A_238 = arith.constant 64 : i32
            %scan3A_239 = arith.addi %scan3A_237, %scan3A_238 : i32
            %scan3A_240 = arith.constant 1 : i32
            scf.for %scan3A_269 = %scan3A_237 to %scan3A_239 step %scan3A_240  : i32 {
              %broadcast_in_dim3A_270 = vector.broadcast %scan3A_269 : i32 to vector<16xi32>
              %gather3A = tpu.vector_load_idx %arg9[%broadcast_in_dim3A_270, %select_n3A_228] : memref<64x512xf32, #tpu.memory_space<vmem>>[vector<16xi32>, vector<16xi32>], vector<16xf32>,
              %broadcast_in_dim3A_271 = vector.broadcast %while3A_160 : i32 to vector<16xi32>
              %iota3A_272 = tpu.iota {dimensions = array<i32: 0>} : vector<16xi32>
              %broadcast_in_dim3A_273 = vector.broadcast %scan3A_269 : i32 to vector<16xi32>
              tpu.vector_store_idx %arg13[%broadcast_in_dim3A_271, %iota3A_272, %broadcast_in_dim3A_273], %gather3A : memref<8x16x128xf32, #tpu.memory_space<vmem>>[vector<16xi32>, vector<16xi32>, vector<16xi32>], vector<16xf32>,
            }
            %scan3A_241 = arith.constant 64 : i32
            %dma_start3A = arith.constant 0 : i32
            %dma_start3A_242 = arith.constant 0 : i32
            %dma_start3A_243 = tpu.memref_slice %arg13[%while3A_160, %dma_start3A, %dma_start3A_242] : memref<8x16x128xf32, #tpu.memory_space<vmem>> -> memref<1x16x128xf32, #tpu.memory_space<vmem>>
            %dma_start3A_244 = tpu.memref_squeeze %dma_start3A_243 : memref<1x16x128xf32, #tpu.memory_space<vmem>> -> memref<16x128xf32, #tpu.memory_space<vmem>>
            %dma_start3A_245 = arith.constant 0 : i32
            %dma_start3A_246 = tpu.memref_slice %arg14[%while3A_160, %dma_start3A_245] : memref<8x16xi32, #tpu.memory_space<vmem>> -> memref<1x16xi32, #tpu.memory_space<vmem>>
            %dma_start3A_247 = tpu.memref_squeeze %dma_start3A_246 : memref<1x16xi32, #tpu.memory_space<vmem>> -> memref<16xi32, #tpu.memory_space<vmem>>
            %dma_start3A_248 = arith.constant 0 : i32
            %dma_start3A_249 = arith.constant 0 : i32
            %dma_start3A_250 = tpu.memref_slice %arg5[%dma_start3A_248, %dma_start3A_249] : memref<16384x128xf32, #tpu.memory_space<hbm>> -> memref<16384x128xf32, #tpu.memory_space<hbm>>
            tpu.enqueue_indirect_dma source(%dma_start3A_244 : memref<16x128xf32, #tpu.memory_space<vmem>>) target(%dma_start3A_250 : memref<16384x128xf32, #tpu.memory_space<hbm>>) offsets(%dma_start3A_247 : memref<16xi32, #tpu.memory_space<vmem>>) semaphore(%arg17 : memref<!tpu.dma_semaphore, #tpu.memory_space<semaphore_mem>>)
            %get3A_251 = arith.constant 16 : index
            %get3A_252 = tpu.vector_load %arg11[%get3A_251] {strides = array<i32>} : memref<48xi32, #tpu.memory_space<vmem>>, vector<16xi32>,
            %swap3A_253 = arith.constant 0 : index
            %swap3A_254 = tpu.vector_load %arg11[%swap3A_253] {strides = array<i32>} : memref<48xi32, #tpu.memory_space<vmem>>, vector<16xi32>,
            tpu.vector_store %arg11[%swap3A_253], %get3A_252 {strides = array<i32>} : memref<48xi32, #tpu.memory_space<vmem>>, vector<16xi32>,
            %get3A_255 = arith.constant 16 : index
            %get3A_256 = tpu.vector_load %arg12[%get3A_255] {strides = array<i32>} : memref<48xi32, #tpu.memory_space<vmem>>, vector<16xi32>,
            %swap3A_257 = arith.constant 0 : index
            %swap3A_258 = tpu.vector_load %arg12[%swap3A_257] {strides = array<i32>} : memref<48xi32, #tpu.memory_space<vmem>>, vector<16xi32>,
            tpu.vector_store %arg12[%swap3A_257], %get3A_256 {strides = array<i32>} : memref<48xi32, #tpu.memory_space<vmem>>, vector<16xi32>,
            %sub3A_259 = arith.constant 16 : i32
            %sub3A_260 = arith.subi %add3A_208, %sub3A_259 : i32
            %max3A = arith.constant 0 : i32
            %max3A_261 = arith.maxsi %sub3A_260, %max3A : i32
            %add3A_262 = arith.constant 1 : i32
            %add3A_263 = arith.addi %while3A_160, %add3A_262 : i32
            %and3A_264 = arith.constant 7 : i32
            %and3A_265 = arith.andi %add3A_263, %and3A_264 : i32
            %add3A_266 = arith.constant 1 : i32
            %add3A_267 = arith.addi %while3A_161, %add3A_266 : i32
            %min3A = arith.constant 8 : i32
            %min3A_268 = arith.minsi %add3A_267, %min3A : i32
            scf.yield %max3A_261, %and3A_265, %min3A_268 : i32, i32, i32
          } else {
            scf.yield %add3A_208, %while3A_160, %while3A_161 : i32, i32, i32
          }
          scf.yield %cond3A_213#0, %cond3A_213#1, %cond3A_213#2 : i32, i32, i32
        }
        %while3A_150 = arith.constant 1 : i32
        %while3A_151:3 = scf.for %while3A_158 = %while3A_147 to %while3A_143 step %while3A_150 iter_args(%while3A_159 = %while3A_149#0, %while3A_160 = %while3A_149#1, %while3A_161 = %while3A_149#2) -> (i32, i32, i32)  : i32 {
          %mul3A_162 = arith.constant 16 : i32
          %mul3A_163 = arith.muli %while3A_158, %mul3A_162 : i32
          %get3A = arith.index_cast %mul3A_163 : i32 to index
          %get3A_164 = tpu.vector_load %arg7[%get3A] {strides = array<i32>} : memref<16400xi32, #tpu.memory_space<vmem>>, vector<16xi32>,
          %mul3A_165 = arith.constant 16 : i32
          %mul3A_166 = arith.muli %while3A_158, %mul3A_165 : i32
          %get3A_167 = arith.index_cast %mul3A_166 : i32 to index
          %get3A_168 = tpu.vector_load %arg8[%get3A_167] {strides = array<i32>} : memref<16400xi32, #tpu.memory_space<vmem>>, vector<16xi32>,
          %mul3A_169 = arith.constant 16 : i32
          %mul3A_170 = arith.muli %while3A_158, %mul3A_169 : i32
          %iota3A = tpu.iota {dimensions = array<i32: 0>} : vector<16xi32>
          %add3A_171 = vector.broadcast %mul3A_170 : i32 to vector<16xi32>
          %add3A_172 = arith.addi %add3A_171, %iota3A : vector<16xi32>
          %lt3A_173 = vector.broadcast %scan3A_5 : i32 to vector<16xi32>
          %lt3A_174 = arith.cmpi slt, %add3A_172, %lt3A_173 : vector<16xi32>
          %shift_right_arithmetic3A_175 = arith.constant 9 : i32
          %shift_right_arithmetic3A_176 = vector.broadcast %shift_right_arithmetic3A_175 : i32 to vector<16xi32>
          %shift_right_arithmetic3A_177 = arith.shrsi %get3A_164, %shift_right_arithmetic3A_176 : vector<16xi32>
          %eq3A_178 = vector.broadcast %add3A_136 : i32 to vector<16xi32>
          %eq3A_179 = arith.cmpi eq, %shift_right_arithmetic3A_177, %eq3A_178 : vector<16xi32>
          %and3A_180 = arith.andi %eq3A_179, %lt3A_174 : vector<16xi1>
          %iota3A_181 = tpu.iota {dimensions = array<i32: 0>} : vector<16xi32>
          %iota3A_182 = tpu.iota {dimensions = array<i32: 0>} : vector<16xi32>
          %add3A_183 = arith.constant 16 : i32
          %add3A_184 = vector.broadcast %add3A_183 : i32 to vector<16xi32>
          %add3A_185 = arith.addi %iota3A_182, %add3A_184 : vector<16xi32>
          %select_n3A_186 = arith.select %and3A_180, %iota3A_181, %add3A_185 : vector<16xi1>, vector<16xi32>
          %and3A_187 = arith.constant 511 : i32
          %and3A_188 = vector.broadcast %and3A_187 : i32 to vector<16xi32>
          %and3A_189 = arith.andi %get3A_164, %and3A_188 : vector<16xi32>
          %masked_sort3A = arith.constant dense<true> : vector<16xi1>
          %masked_sort3A_190 = arith.constant -2147483648 : i32
          %masked_sort3A_191 = vector.broadcast %masked_sort3A_190 : i32 to vector<16xi32>
          %masked_sort3A_192 = arith.xori %select_n3A_186, %masked_sort3A_191 : vector<16xi32>
          %masked_sort3A_193, %masked_sort3A_194, %masked_sort3A_195 = tpu.sort %masked_sort3A_192, %and3A_189 masked %masked_sort3A : (vector<16xi32>, vector<16xi32>, vector<16xi1>) -> (vector<16xi1>, vector<16xi32>, vector<16xi32>)
          %masked_sort3A_196 = arith.xori %masked_sort3A_194, %masked_sort3A_191 : vector<16xi32>
          %swap3A = arith.index_cast %while3A_159 : i32 to index
          %swap3A_197 = tpu.vector_load %arg11[%swap3A] {strides = array<i32>} : memref<48xi32, #tpu.memory_space<vmem>>, vector<16xi32>,
          tpu.vector_store %arg11[%swap3A], %masked_sort3A_195 {strides = array<i32>} : memref<48xi32, #tpu.memory_space<vmem>>, vector<16xi32>,
          %masked_sort3A_198 = arith.constant dense<true> : vector<16xi1>
          %masked_sort3A_199 = arith.constant -2147483648 : i32
          %masked_sort3A_200 = vector.broadcast %masked_sort3A_199 : i32 to vector<16xi32>
          %masked_sort3A_201 = arith.xori %select_n3A_186, %masked_sort3A_200 : vector<16xi32>
          %masked_sort3A_202, %masked_sort3A_203, %masked_sort3A_204 = tpu.sort %masked_sort3A_201, %get3A_168 masked %masked_sort3A_198 : (vector<16xi32>, vector<16xi32>, vector<16xi1>) -> (vector<16xi1>, vector<16xi32>, vector<16xi32>)
          %masked_sort3A_205 = arith.xori %masked_sort3A_203, %masked_sort3A_200 : vector<16xi32>
          %swap3A_206 = arith.index_cast %while3A_159 : i32 to index
          %swap3A_207 = tpu.vector_load %arg12[%swap3A_206] {strides = array<i32>} : memref<48xi32, #tpu.memory_space<vmem>>, vector<16xi32>,
          tpu.vector_store %arg12[%swap3A_206], %masked_sort3A_204 {strides = array<i32>} : memref<48xi32, #tpu.memory_space<vmem>>, vector<16xi32>,
          %all_reduce_population_count3A = tpu.all_reduce %and3A_180 {dim = 0 : i64, kind = #tpu.reduction_kind<sum>} : vector<16xi1> -> vector<16xi32>
          %slice3A = vector.extract_strided_slice %all_reduce_population_count3A {offsets = [0], sizes = [1], strides = [1]} : vector<16xi32> to vector<1xi32>
          %squeeze3A = vector.extract %slice3A[0] : i32 from vector<1xi32>
          %add3A_208 = arith.addi %while3A_159, %squeeze3A : i32
          %ge3A = arith.constant 16 : i32
          %ge3A_209 = arith.cmpi sge, %add3A_208, %ge3A : i32
          %convert_element_type3A_210 = arith.extui %ge3A_209 : i1 to i32
          %cond3A_211 = arith.constant 0 : i32
          %cond3A_212 = arith.cmpi ne, %convert_element_type3A_210, %cond3A_211 : i32
          %cond3A_213:3 = scf.if %cond3A_212 -> (i32, i32, i32) {
            %ge3A_214 = arith.constant 8 : i32
            %ge3A_215 = arith.cmpi sge, %while3A_161, %ge3A_214 : i32
            %convert_element_type3A_216 = arith.extui %ge3A_215 : i1 to i32
            %cond3A_217 = arith.constant 0 : i32
            %cond3A_218 = arith.cmpi ne, %convert_element_type3A_216, %cond3A_217 : i32
            scf.if %cond3A_218 {
              %dma_wait3A = arith.constant 0 : i32
              %dma_wait3A_269 = arith.constant 0 : i32
              %dma_wait3A_270 = arith.constant 0 : i32
              %dma_wait3A_271 = arith.constant 0 : i32
              %dma_wait3A_272 = tpu.memref_slice %arg13[%dma_wait3A, %dma_wait3A_270, %dma_wait3A_271] : memref<8x16x128xf32, #tpu.memory_space<vmem>> -> memref<1x16x128xf32, #tpu.memory_space<vmem>>
              %dma_wait3A_273 = tpu.memref_squeeze %dma_wait3A_272 : memref<1x16x128xf32, #tpu.memory_space<vmem>> -> memref<16x128xf32, #tpu.memory_space<vmem>>
              %dma_wait3A_274 = arith.constant 0 : i32
              %dma_wait3A_275 = tpu.memref_slice %arg14[%dma_wait3A_269, %dma_wait3A_274] : memref<8x16xi32, #tpu.memory_space<vmem>> -> memref<1x16xi32, #tpu.memory_space<vmem>>
              %dma_wait3A_276 = tpu.memref_squeeze %dma_wait3A_275 : memref<1x16xi32, #tpu.memory_space<vmem>> -> memref<16xi32, #tpu.memory_space<vmem>>
              %dma_wait3A_277 = arith.constant 0 : i32
              %dma_wait3A_278 = arith.constant 0 : i32
              %dma_wait3A_279 = tpu.memref_slice %arg5[%dma_wait3A_277, %dma_wait3A_278] : memref<16384x128xf32, #tpu.memory_space<hbm>> -> memref<16384x128xf32, #tpu.memory_space<hbm>>
              tpu.wait_indirect_dma semaphore(%arg17 : memref<!tpu.dma_semaphore, #tpu.memory_space<semaphore_mem>>) src(%dma_wait3A_273 : memref<16x128xf32, #tpu.memory_space<vmem>>) dst(%dma_wait3A_279 : memref<16384x128xf32, #tpu.memory_space<hbm>>)
            } else {
            }
            %get3A_219 = arith.constant 0 : index
            %get3A_220 = tpu.vector_load %arg11[%get3A_219] {strides = array<i32>} : memref<48xi32, #tpu.memory_space<vmem>>, vector<16xi32>,
            %get3A_221 = arith.constant 0 : index
            %get3A_222 = tpu.vector_load %arg12[%get3A_221] {strides = array<i32>} : memref<48xi32, #tpu.memory_space<vmem>>, vector<16xi32>,
            %iota3A_223 = tpu.iota {dimensions = array<i32: 0>} : vector<16xi32>
            %lt3A_224 = vector.broadcast %add3A_208 : i32 to vector<16xi32>
            %lt3A_225 = arith.cmpi slt, %iota3A_223, %lt3A_224 : vector<16xi32>
            %slice3A_226 = vector.extract_strided_slice %get3A_220 {offsets = [0], sizes = [1], strides = [1]} : vector<16xi32> to vector<1xi32>
            %squeeze3A_227 = vector.extract %slice3A_226[0] : i32 from vector<1xi32>
            %broadcast_in_dim3A = vector.broadcast %squeeze3A_227 : i32 to vector<16xi32>
            %select_n3A_228 = arith.select %lt3A_225, %get3A_220, %broadcast_in_dim3A : vector<16xi1>, vector<16xi32>
            %slice3A_229 = vector.extract_strided_slice %get3A_222 {offsets = [0], sizes = [1], strides = [1]} : vector<16xi32> to vector<1xi32>
            %squeeze3A_230 = vector.extract %slice3A_229[0] : i32 from vector<1xi32>
            %broadcast_in_dim3A_231 = vector.broadcast %squeeze3A_230 : i32 to vector<16xi32>
            %select_n3A_232 = arith.select %lt3A_225, %get3A_222, %broadcast_in_dim3A_231 : vector<16xi1>, vector<16xi32>
            %swap3A_233 = arith.index_cast %while3A_160 : i32 to index
            %swap3A_234 = arith.constant 0 : index
            %swap3A_235 = tpu.vector_load %arg14[%swap3A_233, %swap3A_234] {strides = array<i32>} : memref<8x16xi32, #tpu.memory_space<vmem>>, vector<16xi32>,
            tpu.vector_store %arg14[%swap3A_233, %swap3A_234], %select_n3A_232 {strides = array<i32>} : memref<8x16xi32, #tpu.memory_space<vmem>>, vector<16xi32>,
            %scan3A_236 = arith.constant 0 : i32
            %scan3A_237 = arith.constant 0 : i32
            %scan3A_238 = arith.constant 64 : i32
            %scan3A_239 = arith.addi %scan3A_237, %scan3A_238 : i32
            %scan3A_240 = arith.constant 1 : i32
            scf.for %scan3A_269 = %scan3A_237 to %scan3A_239 step %scan3A_240  : i32 {
              %broadcast_in_dim3A_270 = vector.broadcast %scan3A_269 : i32 to vector<16xi32>
              %gather3A = tpu.vector_load_idx %arg9[%broadcast_in_dim3A_270, %select_n3A_228] : memref<64x512xf32, #tpu.memory_space<vmem>>[vector<16xi32>, vector<16xi32>], vector<16xf32>,
              %broadcast_in_dim3A_271 = vector.broadcast %while3A_160 : i32 to vector<16xi32>
              %iota3A_272 = tpu.iota {dimensions = array<i32: 0>} : vector<16xi32>
              %broadcast_in_dim3A_273 = vector.broadcast %scan3A_269 : i32 to vector<16xi32>
              tpu.vector_store_idx %arg13[%broadcast_in_dim3A_271, %iota3A_272, %broadcast_in_dim3A_273], %gather3A : memref<8x16x128xf32, #tpu.memory_space<vmem>>[vector<16xi32>, vector<16xi32>, vector<16xi32>], vector<16xf32>,
            }
            %scan3A_241 = arith.constant 64 : i32
            %dma_start3A = arith.constant 0 : i32
            %dma_start3A_242 = arith.constant 0 : i32
            %dma_start3A_243 = tpu.memref_slice %arg13[%while3A_160, %dma_start3A, %dma_start3A_242] : memref<8x16x128xf32, #tpu.memory_space<vmem>> -> memref<1x16x128xf32, #tpu.memory_space<vmem>>
            %dma_start3A_244 = tpu.memref_squeeze %dma_start3A_243 : memref<1x16x128xf32, #tpu.memory_space<vmem>> -> memref<16x128xf32, #tpu.memory_space<vmem>>
            %dma_start3A_245 = arith.constant 0 : i32
            %dma_start3A_246 = tpu.memref_slice %arg14[%while3A_160, %dma_start3A_245] : memref<8x16xi32, #tpu.memory_space<vmem>> -> memref<1x16xi32, #tpu.memory_space<vmem>>
            %dma_start3A_247 = tpu.memref_squeeze %dma_start3A_246 : memref<1x16xi32, #tpu.memory_space<vmem>> -> memref<16xi32, #tpu.memory_space<vmem>>
            %dma_start3A_248 = arith.constant 0 : i32
            %dma_start3A_249 = arith.constant 0 : i32
            %dma_start3A_250 = tpu.memref_slice %arg5[%dma_start3A_248, %dma_start3A_249] : memref<16384x128xf32, #tpu.memory_space<hbm>> -> memref<16384x128xf32, #tpu.memory_space<hbm>>
            tpu.enqueue_indirect_dma source(%dma_start3A_244 : memref<16x128xf32, #tpu.memory_space<vmem>>) target(%dma_start3A_250 : memref<16384x128xf32, #tpu.memory_space<hbm>>) offsets(%dma_start3A_247 : memref<16xi32, #tpu.memory_space<vmem>>) semaphore(%arg17 : memref<!tpu.dma_semaphore, #tpu.memory_space<semaphore_mem>>)
            %get3A_251 = arith.constant 16 : index
            %get3A_252 = tpu.vector_load %arg11[%get3A_251] {strides = array<i32>} : memref<48xi32, #tpu.memory_space<vmem>>, vector<16xi32>,
            %swap3A_253 = arith.constant 0 : index
            %swap3A_254 = tpu.vector_load %arg11[%swap3A_253] {strides = array<i32>} : memref<48xi32, #tpu.memory_space<vmem>>, vector<16xi32>,
            tpu.vector_store %arg11[%swap3A_253], %get3A_252 {strides = array<i32>} : memref<48xi32, #tpu.memory_space<vmem>>, vector<16xi32>,
            %get3A_255 = arith.constant 16 : index
            %get3A_256 = tpu.vector_load %arg12[%get3A_255] {strides = array<i32>} : memref<48xi32, #tpu.memory_space<vmem>>, vector<16xi32>,
            %swap3A_257 = arith.constant 0 : index
            %swap3A_258 = tpu.vector_load %arg12[%swap3A_257] {strides = array<i32>} : memref<48xi32, #tpu.memory_space<vmem>>, vector<16xi32>,
            tpu.vector_store %arg12[%swap3A_257], %get3A_256 {strides = array<i32>} : memref<48xi32, #tpu.memory_space<vmem>>, vector<16xi32>,
            %sub3A_259 = arith.constant 16 : i32
            %sub3A_260 = arith.subi %add3A_208, %sub3A_259 : i32
            %max3A = arith.constant 0 : i32
            %max3A_261 = arith.maxsi %sub3A_260, %max3A : i32
            %add3A_262 = arith.constant 1 : i32
            %add3A_263 = arith.addi %while3A_160, %add3A_262 : i32
            %and3A_264 = arith.constant 7 : i32
            %and3A_265 = arith.andi %add3A_263, %and3A_264 : i32
            %add3A_266 = arith.constant 1 : i32
            %add3A_267 = arith.addi %while3A_161, %add3A_266 : i32
            %min3A = arith.constant 8 : i32
            %min3A_268 = arith.minsi %add3A_267, %min3A : i32
            scf.yield %max3A_261, %and3A_265, %min3A_268 : i32, i32, i32
          } else {
            scf.yield %add3A_208, %while3A_160, %while3A_161 : i32, i32, i32
          }
          scf.yield %cond3A_213#0, %cond3A_213#1, %cond3A_213#2 : i32, i32, i32
        }
        %gt3A_152 = arith.constant 0 : i32
        %gt3A_153 = arith.cmpi sgt, %while3A_151#0, %gt3A_152 : i32
        %convert_element_type3A_154 = arith.extui %gt3A_153 : i1 to i32
        %cond3A_155 = arith.constant 0 : i32
        %cond3A_156 = arith.cmpi ne, %convert_element_type3A_154, %cond3A_155 : i32
        %cond3A_157:3 = scf.if %cond3A_156 -> (i32, i32, i32) {
          %ge3A = arith.constant 8 : i32
          %ge3A_158 = arith.cmpi sge, %while3A_151#2, %ge3A : i32
          %convert_element_type3A_159 = arith.extui %ge3A_158 : i1 to i32
          %cond3A_160 = arith.constant 0 : i32
          %cond3A_161 = arith.cmpi ne, %convert_element_type3A_159, %cond3A_160 : i32
          scf.if %cond3A_161 {
            %dma_wait3A = arith.constant 0 : i32
            %dma_wait3A_207 = arith.constant 0 : i32
            %dma_wait3A_208 = arith.constant 0 : i32
            %dma_wait3A_209 = arith.constant 0 : i32
            %dma_wait3A_210 = tpu.memref_slice %arg13[%dma_wait3A, %dma_wait3A_208, %dma_wait3A_209] : memref<8x16x128xf32, #tpu.memory_space<vmem>> -> memref<1x16x128xf32, #tpu.memory_space<vmem>>
            %dma_wait3A_211 = tpu.memref_squeeze %dma_wait3A_210 : memref<1x16x128xf32, #tpu.memory_space<vmem>> -> memref<16x128xf32, #tpu.memory_space<vmem>>
            %dma_wait3A_212 = arith.constant 0 : i32
            %dma_wait3A_213 = tpu.memref_slice %arg14[%dma_wait3A_207, %dma_wait3A_212] : memref<8x16xi32, #tpu.memory_space<vmem>> -> memref<1x16xi32, #tpu.memory_space<vmem>>
            %dma_wait3A_214 = tpu.memref_squeeze %dma_wait3A_213 : memref<1x16xi32, #tpu.memory_space<vmem>> -> memref<16xi32, #tpu.memory_space<vmem>>
            %dma_wait3A_215 = arith.constant 0 : i32
            %dma_wait3A_216 = arith.constant 0 : i32
            %dma_wait3A_217 = tpu.memref_slice %arg5[%dma_wait3A_215, %dma_wait3A_216] : memref<16384x128xf32, #tpu.memory_space<hbm>> -> memref<16384x128xf32, #tpu.memory_space<hbm>>
            tpu.wait_indirect_dma semaphore(%arg17 : memref<!tpu.dma_semaphore, #tpu.memory_space<semaphore_mem>>) src(%dma_wait3A_211 : memref<16x128xf32, #tpu.memory_space<vmem>>) dst(%dma_wait3A_217 : memref<16384x128xf32, #tpu.memory_space<hbm>>)
          } else {
          }
          %get3A = arith.constant 0 : index
          %get3A_162 = tpu.vector_load %arg11[%get3A] {strides = array<i32>} : memref<48xi32, #tpu.memory_space<vmem>>, vector<16xi32>,
          %get3A_163 = arith.constant 0 : index
          %get3A_164 = tpu.vector_load %arg12[%get3A_163] {strides = array<i32>} : memref<48xi32, #tpu.memory_space<vmem>>, vector<16xi32>,
          %iota3A = tpu.iota {dimensions = array<i32: 0>} : vector<16xi32>
          %lt3A_165 = vector.broadcast %while3A_151#0 : i32 to vector<16xi32>
          %lt3A_166 = arith.cmpi slt, %iota3A, %lt3A_165 : vector<16xi32>
          %slice3A = vector.extract_strided_slice %get3A_162 {offsets = [0], sizes = [1], strides = [1]} : vector<16xi32> to vector<1xi32>
          %squeeze3A = vector.extract %slice3A[0] : i32 from vector<1xi32>
          %broadcast_in_dim3A = vector.broadcast %squeeze3A : i32 to vector<16xi32>
          %select_n3A_167 = arith.select %lt3A_166, %get3A_162, %broadcast_in_dim3A : vector<16xi1>, vector<16xi32>
          %slice3A_168 = vector.extract_strided_slice %get3A_164 {offsets = [0], sizes = [1], strides = [1]} : vector<16xi32> to vector<1xi32>
          %squeeze3A_169 = vector.extract %slice3A_168[0] : i32 from vector<1xi32>
          %broadcast_in_dim3A_170 = vector.broadcast %squeeze3A_169 : i32 to vector<16xi32>
          %select_n3A_171 = arith.select %lt3A_166, %get3A_164, %broadcast_in_dim3A_170 : vector<16xi1>, vector<16xi32>
          %swap3A = arith.index_cast %while3A_151#1 : i32 to index
          %swap3A_172 = arith.constant 0 : index
          %swap3A_173 = tpu.vector_load %arg14[%swap3A, %swap3A_172] {strides = array<i32>} : memref<8x16xi32, #tpu.memory_space<vmem>>, vector<16xi32>,
          tpu.vector_store %arg14[%swap3A, %swap3A_172], %select_n3A_171 {strides = array<i32>} : memref<8x16xi32, #tpu.memory_space<vmem>>, vector<16xi32>,
          %scan3A_174 = arith.constant 0 : i32
          %scan3A_175 = arith.constant 0 : i32
          %scan3A_176 = arith.constant 64 : i32
          %scan3A_177 = arith.addi %scan3A_175, %scan3A_176 : i32
          %scan3A_178 = arith.constant 1 : i32
          scf.for %scan3A_207 = %scan3A_175 to %scan3A_177 step %scan3A_178  : i32 {
            %broadcast_in_dim3A_208 = vector.broadcast %scan3A_207 : i32 to vector<16xi32>
            %gather3A = tpu.vector_load_idx %arg9[%broadcast_in_dim3A_208, %select_n3A_167] : memref<64x512xf32, #tpu.memory_space<vmem>>[vector<16xi32>, vector<16xi32>], vector<16xf32>,
            %broadcast_in_dim3A_209 = vector.broadcast %while3A_151#1 : i32 to vector<16xi32>
            %iota3A_210 = tpu.iota {dimensions = array<i32: 0>} : vector<16xi32>
            %broadcast_in_dim3A_211 = vector.broadcast %scan3A_207 : i32 to vector<16xi32>
            tpu.vector_store_idx %arg13[%broadcast_in_dim3A_209, %iota3A_210, %broadcast_in_dim3A_211], %gather3A : memref<8x16x128xf32, #tpu.memory_space<vmem>>[vector<16xi32>, vector<16xi32>, vector<16xi32>], vector<16xf32>,
          }
          %scan3A_179 = arith.constant 64 : i32
          %dma_start3A = arith.constant 0 : i32
          %dma_start3A_180 = arith.constant 0 : i32
          %dma_start3A_181 = tpu.memref_slice %arg13[%while3A_151#1, %dma_start3A, %dma_start3A_180] : memref<8x16x128xf32, #tpu.memory_space<vmem>> -> memref<1x16x128xf32, #tpu.memory_space<vmem>>
          %dma_start3A_182 = tpu.memref_squeeze %dma_start3A_181 : memref<1x16x128xf32, #tpu.memory_space<vmem>> -> memref<16x128xf32, #tpu.memory_space<vmem>>
          %dma_start3A_183 = arith.constant 0 : i32
          %dma_start3A_184 = tpu.memref_slice %arg14[%while3A_151#1, %dma_start3A_183] : memref<8x16xi32, #tpu.memory_space<vmem>> -> memref<1x16xi32, #tpu.memory_space<vmem>>
          %dma_start3A_185 = tpu.memref_squeeze %dma_start3A_184 : memref<1x16xi32, #tpu.memory_space<vmem>> -> memref<16xi32, #tpu.memory_space<vmem>>
          %dma_start3A_186 = arith.constant 0 : i32
          %dma_start3A_187 = arith.constant 0 : i32
          %dma_start3A_188 = tpu.memref_slice %arg5[%dma_start3A_186, %dma_start3A_187] : memref<16384x128xf32, #tpu.memory_space<hbm>> -> memref<16384x128xf32, #tpu.memory_space<hbm>>
          tpu.enqueue_indirect_dma source(%dma_start3A_182 : memref<16x128xf32, #tpu.memory_space<vmem>>) target(%dma_start3A_188 : memref<16384x128xf32, #tpu.memory_space<hbm>>) offsets(%dma_start3A_185 : memref<16xi32, #tpu.memory_space<vmem>>) semaphore(%arg17 : memref<!tpu.dma_semaphore, #tpu.memory_space<semaphore_mem>>)
          %get3A_189 = arith.constant 16 : index
          %get3A_190 = tpu.vector_load %arg11[%get3A_189] {strides = array<i32>} : memref<48xi32, #tpu.memory_space<vmem>>, vector<16xi32>,
          %swap3A_191 = arith.constant 0 : index
          %swap3A_192 = tpu.vector_load %arg11[%swap3A_191] {strides = array<i32>} : memref<48xi32, #tpu.memory_space<vmem>>, vector<16xi32>,
          tpu.vector_store %arg11[%swap3A_191], %get3A_190 {strides = array<i32>} : memref<48xi32, #tpu.memory_space<vmem>>, vector<16xi32>,
          %get3A_193 = arith.constant 16 : index
          %get3A_194 = tpu.vector_load %arg12[%get3A_193] {strides = array<i32>} : memref<48xi32, #tpu.memory_space<vmem>>, vector<16xi32>,
          %swap3A_195 = arith.constant 0 : index
          %swap3A_196 = tpu.vector_load %arg12[%swap3A_195] {strides = array<i32>} : memref<48xi32, #tpu.memory_space<vmem>>, vector<16xi32>,
          tpu.vector_store %arg12[%swap3A_195], %get3A_194 {strides = array<i32>} : memref<48xi32, #tpu.memory_space<vmem>>, vector<16xi32>,
          %sub3A_197 = arith.constant 16 : i32
          %sub3A_198 = arith.subi %while3A_151#0, %sub3A_197 : i32
          %max3A = arith.constant 0 : i32
          %max3A_199 = arith.maxsi %sub3A_198, %max3A : i32
          %add3A_200 = arith.constant 1 : i32
          %add3A_201 = arith.addi %while3A_151#1, %add3A_200 : i32
          %and3A_202 = arith.constant 7 : i32
          %and3A_203 = arith.andi %add3A_201, %and3A_202 : i32
          %add3A_204 = arith.constant 1 : i32
          %add3A_205 = arith.addi %while3A_151#2, %add3A_204 : i32
          %min3A = arith.constant 8 : i32
          %min3A_206 = arith.minsi %add3A_205, %min3A : i32
          scf.yield %max3A_199, %and3A_203, %min3A_206 : i32, i32, i32
        } else {
          scf.yield %while3A_151#0, %while3A_151#1, %while3A_151#2 : i32, i32, i32
        }
        scf.yield %cond3A_157#1, %cond3A_157#2 : i32, i32
      } else {
        scf.yield %while3A_95, %while3A_96 : i32, i32
      }
      %add3A_109 = arith.constant 2 : i32
      %add3A_110 = arith.addi %add3A_100, %add3A_109 : i32
      %lt3A_111 = arith.cmpi slt, %add3A_110, %select_n3A : i32
      %convert_element_type3A_112 = arith.extui %lt3A_111 : i1 to i32
      %cond3A_113 = arith.constant 0 : i32
      %cond3A_114 = arith.cmpi ne, %convert_element_type3A_112, %cond3A_113 : i32
      scf.if %cond3A_114 {
        %add3A_134 = arith.constant 2 : i32
        %add3A_135 = arith.addi %add3A_100, %add3A_134 : i32
        %mul3A_136 = arith.constant 32 : i32
        %mul3A_137 = arith.muli %add3A_135, %mul3A_136 : i32
        %add3A_138 = arith.addi %add3A, %mul3A_137 : i32
        %mul3A_139 = arith.constant 512 : i32
        %mul3A_140 = arith.muli %add3A_138, %mul3A_139 : i32
        %dma_start3A = arith.constant 0 : i32
        %dma_start3A_141 = tpu.memref_slice %arg2[%dma_start3A, %mul3A_140] : memref<64x1000000xf32, #tpu.memory_space<hbm>> -> memref<64x512xf32, #tpu.memory_space<hbm>>
        %dma_start3A_142 = arith.constant 0 : i32
        %dma_start3A_143 = tpu.memref_slice %arg2[%dma_start3A_142, %mul3A_140] : memref<64x1000000xf32, #tpu.memory_space<hbm>> -> memref<64x512xf32, #tpu.memory_space<hbm>>
        tpu.enqueue_dma source(%dma_start3A_143 : memref<64x512xf32, #tpu.memory_space<hbm>>) target(%arg9 : memref<64x512xf32, #tpu.memory_space<vmem>>) target_semaphore(%arg16 : memref<!tpu.dma_semaphore, #tpu.memory_space<semaphore_mem>>)
      } else {
      }
      %mul3A_115 = arith.constant 2 : i32
      %mul3A_116 = arith.muli %while3A_94, %mul3A_115 : i32
      %add3A_117 = arith.constant 1 : i32
      %add3A_118 = arith.addi %mul3A_116, %add3A_117 : i32
      %lt3A_119 = arith.cmpi slt, %add3A_118, %select_n3A : i32
      %convert_element_type3A_120 = arith.extui %lt3A_119 : i1 to i32
      %cond3A_121 = arith.constant 0 : i32
      %cond3A_122 = arith.cmpi ne, %convert_element_type3A_120, %cond3A_121 : i32
      scf.if %cond3A_122 {
        %dma_wait3A = arith.constant 0 : i32
        %dma_wait3A_134 = arith.constant 0 : i32
        %dma_wait3A_135 = tpu.memref_slice %arg2[%dma_wait3A, %dma_wait3A_134] : memref<64x1000000xf32, #tpu.memory_space<hbm>> -> memref<64x512xf32, #tpu.memory_space<hbm>>
        %dma_wait3A_136 = arith.constant 0 : i32
        %dma_wait3A_137 = arith.constant 0 : i32
        %dma_wait3A_138 = tpu.memref_slice %arg2[%dma_wait3A_136, %dma_wait3A_137] : memref<64x1000000xf32, #tpu.memory_space<hbm>> -> memref<64x512xf32, #tpu.memory_space<hbm>>
        tpu.wait_dma2 semaphore(%arg16 : memref<!tpu.dma_semaphore, #tpu.memory_space<semaphore_mem>>) src(%dma_wait3A_138 : memref<64x512xf32, #tpu.memory_space<hbm>>) dst(%arg9 : memref<64x512xf32, #tpu.memory_space<vmem>>)
      } else {
      }
      %lt3A_123 = arith.cmpi slt, %add3A_118, %select_n3A : i32
      %convert_element_type3A_124 = arith.extui %lt3A_123 : i1 to i32
      %cond3A_125 = arith.constant 0 : i32
      %cond3A_126 = arith.cmpi ne, %convert_element_type3A_124, %cond3A_125 : i32
      %cond3A_127:2 = scf.if %cond3A_126 -> (i32, i32) {
        %mul3A_134 = arith.constant 32 : i32
        %mul3A_135 = arith.muli %add3A_118, %mul3A_134 : i32
        %add3A_136 = arith.addi %add3A, %mul3A_135 : i32
        %add3A_137 = arith.constant 15 : i32
        %add3A_138 = arith.addi %scan3A_5, %add3A_137 : i32
        %shift_right_arithmetic3A = arith.constant 4 : i32
        %shift_right_arithmetic3A_139 = arith.shrsi %add3A_138, %shift_right_arithmetic3A : i32
        %while3A_140 = arith.constant 0 : i32
        %while3A_141 = arith.constant 0 : i32
        %while3A_142 = arith.subi %shift_right_arithmetic3A_139, %while3A_140 : i32
        %while3A_143 = arith.addi %while3A_140, %while3A_142 : i32
        %while3A_144 = arith.constant 1 : i32
        %while3A_145 = arith.divsi %while3A_142, %while3A_144 : i32
        %while3A_146 = arith.muli %while3A_145, %while3A_144 : i32
        %while3A_147 = arith.addi %while3A_140, %while3A_146 : i32
        %while3A_148 = arith.constant 1 : i32
        %while3A_149:3 = scf.for %while3A_158 = %while3A_140 to %while3A_147 step %while3A_148 iter_args(%while3A_159 = %while3A_141, %while3A_160 = %cond3A_108#0, %while3A_161 = %cond3A_108#1) -> (i32, i32, i32)  : i32 {
          %mul3A_162 = arith.constant 16 : i32
          %mul3A_163 = arith.muli %while3A_158, %mul3A_162 : i32
          %get3A = arith.index_cast %mul3A_163 : i32 to index
          %get3A_164 = tpu.vector_load %arg7[%get3A] {strides = array<i32>} : memref<16400xi32, #tpu.memory_space<vmem>>, vector<16xi32>,
          %mul3A_165 = arith.constant 16 : i32
          %mul3A_166 = arith.muli %while3A_158, %mul3A_165 : i32
          %get3A_167 = arith.index_cast %mul3A_166 : i32 to index
          %get3A_168 = tpu.vector_load %arg8[%get3A_167] {strides = array<i32>} : memref<16400xi32, #tpu.memory_space<vmem>>, vector<16xi32>,
          %mul3A_169 = arith.constant 16 : i32
          %mul3A_170 = arith.muli %while3A_158, %mul3A_169 : i32
          %iota3A = tpu.iota {dimensions = array<i32: 0>} : vector<16xi32>
          %add3A_171 = vector.broadcast %mul3A_170 : i32 to vector<16xi32>
          %add3A_172 = arith.addi %add3A_171, %iota3A : vector<16xi32>
          %lt3A_173 = vector.broadcast %scan3A_5 : i32 to vector<16xi32>
          %lt3A_174 = arith.cmpi slt, %add3A_172, %lt3A_173 : vector<16xi32>
          %shift_right_arithmetic3A_175 = arith.constant 9 : i32
          %shift_right_arithmetic3A_176 = vector.broadcast %shift_right_arithmetic3A_175 : i32 to vector<16xi32>
          %shift_right_arithmetic3A_177 = arith.shrsi %get3A_164, %shift_right_arithmetic3A_176 : vector<16xi32>
          %eq3A_178 = vector.broadcast %add3A_136 : i32 to vector<16xi32>
          %eq3A_179 = arith.cmpi eq, %shift_right_arithmetic3A_177, %eq3A_178 : vector<16xi32>
          %and3A_180 = arith.andi %eq3A_179, %lt3A_174 : vector<16xi1>
          %iota3A_181 = tpu.iota {dimensions = array<i32: 0>} : vector<16xi32>
          %iota3A_182 = tpu.iota {dimensions = array<i32: 0>} : vector<16xi32>
          %add3A_183 = arith.constant 16 : i32
          %add3A_184 = vector.broadcast %add3A_183 : i32 to vector<16xi32>
          %add3A_185 = arith.addi %iota3A_182, %add3A_184 : vector<16xi32>
          %select_n3A_186 = arith.select %and3A_180, %iota3A_181, %add3A_185 : vector<16xi1>, vector<16xi32>
          %and3A_187 = arith.constant 511 : i32
          %and3A_188 = vector.broadcast %and3A_187 : i32 to vector<16xi32>
          %and3A_189 = arith.andi %get3A_164, %and3A_188 : vector<16xi32>
          %masked_sort3A = arith.constant dense<true> : vector<16xi1>
          %masked_sort3A_190 = arith.constant -2147483648 : i32
          %masked_sort3A_191 = vector.broadcast %masked_sort3A_190 : i32 to vector<16xi32>
          %masked_sort3A_192 = arith.xori %select_n3A_186, %masked_sort3A_191 : vector<16xi32>
          %masked_sort3A_193, %masked_sort3A_194, %masked_sort3A_195 = tpu.sort %masked_sort3A_192, %and3A_189 masked %masked_sort3A : (vector<16xi32>, vector<16xi32>, vector<16xi1>) -> (vector<16xi1>, vector<16xi32>, vector<16xi32>)
          %masked_sort3A_196 = arith.xori %masked_sort3A_194, %masked_sort3A_191 : vector<16xi32>
          %swap3A = arith.index_cast %while3A_159 : i32 to index
          %swap3A_197 = tpu.vector_load %arg11[%swap3A] {strides = array<i32>} : memref<48xi32, #tpu.memory_space<vmem>>, vector<16xi32>,
          tpu.vector_store %arg11[%swap3A], %masked_sort3A_195 {strides = array<i32>} : memref<48xi32, #tpu.memory_space<vmem>>, vector<16xi32>,
          %masked_sort3A_198 = arith.constant dense<true> : vector<16xi1>
          %masked_sort3A_199 = arith.constant -2147483648 : i32
          %masked_sort3A_200 = vector.broadcast %masked_sort3A_199 : i32 to vector<16xi32>
          %masked_sort3A_201 = arith.xori %select_n3A_186, %masked_sort3A_200 : vector<16xi32>
          %masked_sort3A_202, %masked_sort3A_203, %masked_sort3A_204 = tpu.sort %masked_sort3A_201, %get3A_168 masked %masked_sort3A_198 : (vector<16xi32>, vector<16xi32>, vector<16xi1>) -> (vector<16xi1>, vector<16xi32>, vector<16xi32>)
          %masked_sort3A_205 = arith.xori %masked_sort3A_203, %masked_sort3A_200 : vector<16xi32>
          %swap3A_206 = arith.index_cast %while3A_159 : i32 to index
          %swap3A_207 = tpu.vector_load %arg12[%swap3A_206] {strides = array<i32>} : memref<48xi32, #tpu.memory_space<vmem>>, vector<16xi32>,
          tpu.vector_store %arg12[%swap3A_206], %masked_sort3A_204 {strides = array<i32>} : memref<48xi32, #tpu.memory_space<vmem>>, vector<16xi32>,
          %all_reduce_population_count3A = tpu.all_reduce %and3A_180 {dim = 0 : i64, kind = #tpu.reduction_kind<sum>} : vector<16xi1> -> vector<16xi32>
          %slice3A = vector.extract_strided_slice %all_reduce_population_count3A {offsets = [0], sizes = [1], strides = [1]} : vector<16xi32> to vector<1xi32>
          %squeeze3A = vector.extract %slice3A[0] : i32 from vector<1xi32>
          %add3A_208 = arith.addi %while3A_159, %squeeze3A : i32
          %ge3A = arith.constant 16 : i32
          %ge3A_209 = arith.cmpi sge, %add3A_208, %ge3A : i32
          %convert_element_type3A_210 = arith.extui %ge3A_209 : i1 to i32
          %cond3A_211 = arith.constant 0 : i32
          %cond3A_212 = arith.cmpi ne, %convert_element_type3A_210, %cond3A_211 : i32
          %cond3A_213:3 = scf.if %cond3A_212 -> (i32, i32, i32) {
            %ge3A_214 = arith.constant 8 : i32
            %ge3A_215 = arith.cmpi sge, %while3A_161, %ge3A_214 : i32
            %convert_element_type3A_216 = arith.extui %ge3A_215 : i1 to i32
            %cond3A_217 = arith.constant 0 : i32
            %cond3A_218 = arith.cmpi ne, %convert_element_type3A_216, %cond3A_217 : i32
            scf.if %cond3A_218 {
              %dma_wait3A = arith.constant 0 : i32
              %dma_wait3A_269 = arith.constant 0 : i32
              %dma_wait3A_270 = arith.constant 0 : i32
              %dma_wait3A_271 = arith.constant 0 : i32
              %dma_wait3A_272 = tpu.memref_slice %arg13[%dma_wait3A, %dma_wait3A_270, %dma_wait3A_271] : memref<8x16x128xf32, #tpu.memory_space<vmem>> -> memref<1x16x128xf32, #tpu.memory_space<vmem>>
              %dma_wait3A_273 = tpu.memref_squeeze %dma_wait3A_272 : memref<1x16x128xf32, #tpu.memory_space<vmem>> -> memref<16x128xf32, #tpu.memory_space<vmem>>
              %dma_wait3A_274 = arith.constant 0 : i32
              %dma_wait3A_275 = tpu.memref_slice %arg14[%dma_wait3A_269, %dma_wait3A_274] : memref<8x16xi32, #tpu.memory_space<vmem>> -> memref<1x16xi32, #tpu.memory_space<vmem>>
              %dma_wait3A_276 = tpu.memref_squeeze %dma_wait3A_275 : memref<1x16xi32, #tpu.memory_space<vmem>> -> memref<16xi32, #tpu.memory_space<vmem>>
              %dma_wait3A_277 = arith.constant 0 : i32
              %dma_wait3A_278 = arith.constant 0 : i32
              %dma_wait3A_279 = tpu.memref_slice %arg5[%dma_wait3A_277, %dma_wait3A_278] : memref<16384x128xf32, #tpu.memory_space<hbm>> -> memref<16384x128xf32, #tpu.memory_space<hbm>>
              tpu.wait_indirect_dma semaphore(%arg17 : memref<!tpu.dma_semaphore, #tpu.memory_space<semaphore_mem>>) src(%dma_wait3A_273 : memref<16x128xf32, #tpu.memory_space<vmem>>) dst(%dma_wait3A_279 : memref<16384x128xf32, #tpu.memory_space<hbm>>)
            } else {
            }
            %get3A_219 = arith.constant 0 : index
            %get3A_220 = tpu.vector_load %arg11[%get3A_219] {strides = array<i32>} : memref<48xi32, #tpu.memory_space<vmem>>, vector<16xi32>,
            %get3A_221 = arith.constant 0 : index
            %get3A_222 = tpu.vector_load %arg12[%get3A_221] {strides = array<i32>} : memref<48xi32, #tpu.memory_space<vmem>>, vector<16xi32>,
            %iota3A_223 = tpu.iota {dimensions = array<i32: 0>} : vector<16xi32>
            %lt3A_224 = vector.broadcast %add3A_208 : i32 to vector<16xi32>
            %lt3A_225 = arith.cmpi slt, %iota3A_223, %lt3A_224 : vector<16xi32>
            %slice3A_226 = vector.extract_strided_slice %get3A_220 {offsets = [0], sizes = [1], strides = [1]} : vector<16xi32> to vector<1xi32>
            %squeeze3A_227 = vector.extract %slice3A_226[0] : i32 from vector<1xi32>
            %broadcast_in_dim3A = vector.broadcast %squeeze3A_227 : i32 to vector<16xi32>
            %select_n3A_228 = arith.select %lt3A_225, %get3A_220, %broadcast_in_dim3A : vector<16xi1>, vector<16xi32>
            %slice3A_229 = vector.extract_strided_slice %get3A_222 {offsets = [0], sizes = [1], strides = [1]} : vector<16xi32> to vector<1xi32>
            %squeeze3A_230 = vector.extract %slice3A_229[0] : i32 from vector<1xi32>
            %broadcast_in_dim3A_231 = vector.broadcast %squeeze3A_230 : i32 to vector<16xi32>
            %select_n3A_232 = arith.select %lt3A_225, %get3A_222, %broadcast_in_dim3A_231 : vector<16xi1>, vector<16xi32>
            %swap3A_233 = arith.index_cast %while3A_160 : i32 to index
            %swap3A_234 = arith.constant 0 : index
            %swap3A_235 = tpu.vector_load %arg14[%swap3A_233, %swap3A_234] {strides = array<i32>} : memref<8x16xi32, #tpu.memory_space<vmem>>, vector<16xi32>,
            tpu.vector_store %arg14[%swap3A_233, %swap3A_234], %select_n3A_232 {strides = array<i32>} : memref<8x16xi32, #tpu.memory_space<vmem>>, vector<16xi32>,
            %scan3A_236 = arith.constant 0 : i32
            %scan3A_237 = arith.constant 0 : i32
            %scan3A_238 = arith.constant 64 : i32
            %scan3A_239 = arith.addi %scan3A_237, %scan3A_238 : i32
            %scan3A_240 = arith.constant 1 : i32
            scf.for %scan3A_269 = %scan3A_237 to %scan3A_239 step %scan3A_240  : i32 {
              %broadcast_in_dim3A_270 = vector.broadcast %scan3A_269 : i32 to vector<16xi32>
              %gather3A = tpu.vector_load_idx %arg10[%broadcast_in_dim3A_270, %select_n3A_228] : memref<64x512xf32, #tpu.memory_space<vmem>>[vector<16xi32>, vector<16xi32>], vector<16xf32>,
              %broadcast_in_dim3A_271 = vector.broadcast %while3A_160 : i32 to vector<16xi32>
              %iota3A_272 = tpu.iota {dimensions = array<i32: 0>} : vector<16xi32>
              %broadcast_in_dim3A_273 = vector.broadcast %scan3A_269 : i32 to vector<16xi32>
              tpu.vector_store_idx %arg13[%broadcast_in_dim3A_271, %iota3A_272, %broadcast_in_dim3A_273], %gather3A : memref<8x16x128xf32, #tpu.memory_space<vmem>>[vector<16xi32>, vector<16xi32>, vector<16xi32>], vector<16xf32>,
            }
            %scan3A_241 = arith.constant 64 : i32
            %dma_start3A = arith.constant 0 : i32
            %dma_start3A_242 = arith.constant 0 : i32
            %dma_start3A_243 = tpu.memref_slice %arg13[%while3A_160, %dma_start3A, %dma_start3A_242] : memref<8x16x128xf32, #tpu.memory_space<vmem>> -> memref<1x16x128xf32, #tpu.memory_space<vmem>>
            %dma_start3A_244 = tpu.memref_squeeze %dma_start3A_243 : memref<1x16x128xf32, #tpu.memory_space<vmem>> -> memref<16x128xf32, #tpu.memory_space<vmem>>
            %dma_start3A_245 = arith.constant 0 : i32
            %dma_start3A_246 = tpu.memref_slice %arg14[%while3A_160, %dma_start3A_245] : memref<8x16xi32, #tpu.memory_space<vmem>> -> memref<1x16xi32, #tpu.memory_space<vmem>>
            %dma_start3A_247 = tpu.memref_squeeze %dma_start3A_246 : memref<1x16xi32, #tpu.memory_space<vmem>> -> memref<16xi32, #tpu.memory_space<vmem>>
            %dma_start3A_248 = arith.constant 0 : i32
            %dma_start3A_249 = arith.constant 0 : i32
            %dma_start3A_250 = tpu.memref_slice %arg5[%dma_start3A_248, %dma_start3A_249] : memref<16384x128xf32, #tpu.memory_space<hbm>> -> memref<16384x128xf32, #tpu.memory_space<hbm>>
            tpu.enqueue_indirect_dma source(%dma_start3A_244 : memref<16x128xf32, #tpu.memory_space<vmem>>) target(%dma_start3A_250 : memref<16384x128xf32, #tpu.memory_space<hbm>>) offsets(%dma_start3A_247 : memref<16xi32, #tpu.memory_space<vmem>>) semaphore(%arg17 : memref<!tpu.dma_semaphore, #tpu.memory_space<semaphore_mem>>)
            %get3A_251 = arith.constant 16 : index
            %get3A_252 = tpu.vector_load %arg11[%get3A_251] {strides = array<i32>} : memref<48xi32, #tpu.memory_space<vmem>>, vector<16xi32>,
            %swap3A_253 = arith.constant 0 : index
            %swap3A_254 = tpu.vector_load %arg11[%swap3A_253] {strides = array<i32>} : memref<48xi32, #tpu.memory_space<vmem>>, vector<16xi32>,
            tpu.vector_store %arg11[%swap3A_253], %get3A_252 {strides = array<i32>} : memref<48xi32, #tpu.memory_space<vmem>>, vector<16xi32>,
            %get3A_255 = arith.constant 16 : index
            %get3A_256 = tpu.vector_load %arg12[%get3A_255] {strides = array<i32>} : memref<48xi32, #tpu.memory_space<vmem>>, vector<16xi32>,
            %swap3A_257 = arith.constant 0 : index
            %swap3A_258 = tpu.vector_load %arg12[%swap3A_257] {strides = array<i32>} : memref<48xi32, #tpu.memory_space<vmem>>, vector<16xi32>,
            tpu.vector_store %arg12[%swap3A_257], %get3A_256 {strides = array<i32>} : memref<48xi32, #tpu.memory_space<vmem>>, vector<16xi32>,
            %sub3A_259 = arith.constant 16 : i32
            %sub3A_260 = arith.subi %add3A_208, %sub3A_259 : i32
            %max3A = arith.constant 0 : i32
            %max3A_261 = arith.maxsi %sub3A_260, %max3A : i32
            %add3A_262 = arith.constant 1 : i32
            %add3A_263 = arith.addi %while3A_160, %add3A_262 : i32
            %and3A_264 = arith.constant 7 : i32
            %and3A_265 = arith.andi %add3A_263, %and3A_264 : i32
            %add3A_266 = arith.constant 1 : i32
            %add3A_267 = arith.addi %while3A_161, %add3A_266 : i32
            %min3A = arith.constant 8 : i32
            %min3A_268 = arith.minsi %add3A_267, %min3A : i32
            scf.yield %max3A_261, %and3A_265, %min3A_268 : i32, i32, i32
          } else {
            scf.yield %add3A_208, %while3A_160, %while3A_161 : i32, i32, i32
          }
          scf.yield %cond3A_213#0, %cond3A_213#1, %cond3A_213#2 : i32, i32, i32
        }
        %while3A_150 = arith.constant 1 : i32
        %while3A_151:3 = scf.for %while3A_158 = %while3A_147 to %while3A_143 step %while3A_150 iter_args(%while3A_159 = %while3A_149#0, %while3A_160 = %while3A_149#1, %while3A_161 = %while3A_149#2) -> (i32, i32, i32)  : i32 {
          %mul3A_162 = arith.constant 16 : i32
          %mul3A_163 = arith.muli %while3A_158, %mul3A_162 : i32
          %get3A = arith.index_cast %mul3A_163 : i32 to index
          %get3A_164 = tpu.vector_load %arg7[%get3A] {strides = array<i32>} : memref<16400xi32, #tpu.memory_space<vmem>>, vector<16xi32>,
          %mul3A_165 = arith.constant 16 : i32
          %mul3A_166 = arith.muli %while3A_158, %mul3A_165 : i32
          %get3A_167 = arith.index_cast %mul3A_166 : i32 to index
          %get3A_168 = tpu.vector_load %arg8[%get3A_167] {strides = array<i32>} : memref<16400xi32, #tpu.memory_space<vmem>>, vector<16xi32>,
          %mul3A_169 = arith.constant 16 : i32
          %mul3A_170 = arith.muli %while3A_158, %mul3A_169 : i32
          %iota3A = tpu.iota {dimensions = array<i32: 0>} : vector<16xi32>
          %add3A_171 = vector.broadcast %mul3A_170 : i32 to vector<16xi32>
          %add3A_172 = arith.addi %add3A_171, %iota3A : vector<16xi32>
          %lt3A_173 = vector.broadcast %scan3A_5 : i32 to vector<16xi32>
          %lt3A_174 = arith.cmpi slt, %add3A_172, %lt3A_173 : vector<16xi32>
          %shift_right_arithmetic3A_175 = arith.constant 9 : i32
          %shift_right_arithmetic3A_176 = vector.broadcast %shift_right_arithmetic3A_175 : i32 to vector<16xi32>
          %shift_right_arithmetic3A_177 = arith.shrsi %get3A_164, %shift_right_arithmetic3A_176 : vector<16xi32>
          %eq3A_178 = vector.broadcast %add3A_136 : i32 to vector<16xi32>
          %eq3A_179 = arith.cmpi eq, %shift_right_arithmetic3A_177, %eq3A_178 : vector<16xi32>
          %and3A_180 = arith.andi %eq3A_179, %lt3A_174 : vector<16xi1>
          %iota3A_181 = tpu.iota {dimensions = array<i32: 0>} : vector<16xi32>
          %iota3A_182 = tpu.iota {dimensions = array<i32: 0>} : vector<16xi32>
          %add3A_183 = arith.constant 16 : i32
          %add3A_184 = vector.broadcast %add3A_183 : i32 to vector<16xi32>
          %add3A_185 = arith.addi %iota3A_182, %add3A_184 : vector<16xi32>
          %select_n3A_186 = arith.select %and3A_180, %iota3A_181, %add3A_185 : vector<16xi1>, vector<16xi32>
          %and3A_187 = arith.constant 511 : i32
          %and3A_188 = vector.broadcast %and3A_187 : i32 to vector<16xi32>
          %and3A_189 = arith.andi %get3A_164, %and3A_188 : vector<16xi32>
          %masked_sort3A = arith.constant dense<true> : vector<16xi1>
          %masked_sort3A_190 = arith.constant -2147483648 : i32
          %masked_sort3A_191 = vector.broadcast %masked_sort3A_190 : i32 to vector<16xi32>
          %masked_sort3A_192 = arith.xori %select_n3A_186, %masked_sort3A_191 : vector<16xi32>
          %masked_sort3A_193, %masked_sort3A_194, %masked_sort3A_195 = tpu.sort %masked_sort3A_192, %and3A_189 masked %masked_sort3A : (vector<16xi32>, vector<16xi32>, vector<16xi1>) -> (vector<16xi1>, vector<16xi32>, vector<16xi32>)
          %masked_sort3A_196 = arith.xori %masked_sort3A_194, %masked_sort3A_191 : vector<16xi32>
          %swap3A = arith.index_cast %while3A_159 : i32 to index
          %swap3A_197 = tpu.vector_load %arg11[%swap3A] {strides = array<i32>} : memref<48xi32, #tpu.memory_space<vmem>>, vector<16xi32>,
          tpu.vector_store %arg11[%swap3A], %masked_sort3A_195 {strides = array<i32>} : memref<48xi32, #tpu.memory_space<vmem>>, vector<16xi32>,
          %masked_sort3A_198 = arith.constant dense<true> : vector<16xi1>
          %masked_sort3A_199 = arith.constant -2147483648 : i32
          %masked_sort3A_200 = vector.broadcast %masked_sort3A_199 : i32 to vector<16xi32>
          %masked_sort3A_201 = arith.xori %select_n3A_186, %masked_sort3A_200 : vector<16xi32>
          %masked_sort3A_202, %masked_sort3A_203, %masked_sort3A_204 = tpu.sort %masked_sort3A_201, %get3A_168 masked %masked_sort3A_198 : (vector<16xi32>, vector<16xi32>, vector<16xi1>) -> (vector<16xi1>, vector<16xi32>, vector<16xi32>)
          %masked_sort3A_205 = arith.xori %masked_sort3A_203, %masked_sort3A_200 : vector<16xi32>
          %swap3A_206 = arith.index_cast %while3A_159 : i32 to index
          %swap3A_207 = tpu.vector_load %arg12[%swap3A_206] {strides = array<i32>} : memref<48xi32, #tpu.memory_space<vmem>>, vector<16xi32>,
          tpu.vector_store %arg12[%swap3A_206], %masked_sort3A_204 {strides = array<i32>} : memref<48xi32, #tpu.memory_space<vmem>>, vector<16xi32>,
          %all_reduce_population_count3A = tpu.all_reduce %and3A_180 {dim = 0 : i64, kind = #tpu.reduction_kind<sum>} : vector<16xi1> -> vector<16xi32>
          %slice3A = vector.extract_strided_slice %all_reduce_population_count3A {offsets = [0], sizes = [1], strides = [1]} : vector<16xi32> to vector<1xi32>
          %squeeze3A = vector.extract %slice3A[0] : i32 from vector<1xi32>
          %add3A_208 = arith.addi %while3A_159, %squeeze3A : i32
          %ge3A = arith.constant 16 : i32
          %ge3A_209 = arith.cmpi sge, %add3A_208, %ge3A : i32
          %convert_element_type3A_210 = arith.extui %ge3A_209 : i1 to i32
          %cond3A_211 = arith.constant 0 : i32
          %cond3A_212 = arith.cmpi ne, %convert_element_type3A_210, %cond3A_211 : i32
          %cond3A_213:3 = scf.if %cond3A_212 -> (i32, i32, i32) {
            %ge3A_214 = arith.constant 8 : i32
            %ge3A_215 = arith.cmpi sge, %while3A_161, %ge3A_214 : i32
            %convert_element_type3A_216 = arith.extui %ge3A_215 : i1 to i32
            %cond3A_217 = arith.constant 0 : i32
            %cond3A_218 = arith.cmpi ne, %convert_element_type3A_216, %cond3A_217 : i32
            scf.if %cond3A_218 {
              %dma_wait3A = arith.constant 0 : i32
              %dma_wait3A_269 = arith.constant 0 : i32
              %dma_wait3A_270 = arith.constant 0 : i32
              %dma_wait3A_271 = arith.constant 0 : i32
              %dma_wait3A_272 = tpu.memref_slice %arg13[%dma_wait3A, %dma_wait3A_270, %dma_wait3A_271] : memref<8x16x128xf32, #tpu.memory_space<vmem>> -> memref<1x16x128xf32, #tpu.memory_space<vmem>>
              %dma_wait3A_273 = tpu.memref_squeeze %dma_wait3A_272 : memref<1x16x128xf32, #tpu.memory_space<vmem>> -> memref<16x128xf32, #tpu.memory_space<vmem>>
              %dma_wait3A_274 = arith.constant 0 : i32
              %dma_wait3A_275 = tpu.memref_slice %arg14[%dma_wait3A_269, %dma_wait3A_274] : memref<8x16xi32, #tpu.memory_space<vmem>> -> memref<1x16xi32, #tpu.memory_space<vmem>>
              %dma_wait3A_276 = tpu.memref_squeeze %dma_wait3A_275 : memref<1x16xi32, #tpu.memory_space<vmem>> -> memref<16xi32, #tpu.memory_space<vmem>>
              %dma_wait3A_277 = arith.constant 0 : i32
              %dma_wait3A_278 = arith.constant 0 : i32
              %dma_wait3A_279 = tpu.memref_slice %arg5[%dma_wait3A_277, %dma_wait3A_278] : memref<16384x128xf32, #tpu.memory_space<hbm>> -> memref<16384x128xf32, #tpu.memory_space<hbm>>
              tpu.wait_indirect_dma semaphore(%arg17 : memref<!tpu.dma_semaphore, #tpu.memory_space<semaphore_mem>>) src(%dma_wait3A_273 : memref<16x128xf32, #tpu.memory_space<vmem>>) dst(%dma_wait3A_279 : memref<16384x128xf32, #tpu.memory_space<hbm>>)
            } else {
            }
            %get3A_219 = arith.constant 0 : index
            %get3A_220 = tpu.vector_load %arg11[%get3A_219] {strides = array<i32>} : memref<48xi32, #tpu.memory_space<vmem>>, vector<16xi32>,
            %get3A_221 = arith.constant 0 : index
            %get3A_222 = tpu.vector_load %arg12[%get3A_221] {strides = array<i32>} : memref<48xi32, #tpu.memory_space<vmem>>, vector<16xi32>,
            %iota3A_223 = tpu.iota {dimensions = array<i32: 0>} : vector<16xi32>
            %lt3A_224 = vector.broadcast %add3A_208 : i32 to vector<16xi32>
            %lt3A_225 = arith.cmpi slt, %iota3A_223, %lt3A_224 : vector<16xi32>
            %slice3A_226 = vector.extract_strided_slice %get3A_220 {offsets = [0], sizes = [1], strides = [1]} : vector<16xi32> to vector<1xi32>
            %squeeze3A_227 = vector.extract %slice3A_226[0] : i32 from vector<1xi32>
            %broadcast_in_dim3A = vector.broadcast %squeeze3A_227 : i32 to vector<16xi32>
            %select_n3A_228 = arith.select %lt3A_225, %get3A_220, %broadcast_in_dim3A : vector<16xi1>, vector<16xi32>
            %slice3A_229 = vector.extract_strided_slice %get3A_222 {offsets = [0], sizes = [1], strides = [1]} : vector<16xi32> to vector<1xi32>
            %squeeze3A_230 = vector.extract %slice3A_229[0] : i32 from vector<1xi32>
            %broadcast_in_dim3A_231 = vector.broadcast %squeeze3A_230 : i32 to vector<16xi32>
            %select_n3A_232 = arith.select %lt3A_225, %get3A_222, %broadcast_in_dim3A_231 : vector<16xi1>, vector<16xi32>
            %swap3A_233 = arith.index_cast %while3A_160 : i32 to index
            %swap3A_234 = arith.constant 0 : index
            %swap3A_235 = tpu.vector_load %arg14[%swap3A_233, %swap3A_234] {strides = array<i32>} : memref<8x16xi32, #tpu.memory_space<vmem>>, vector<16xi32>,
            tpu.vector_store %arg14[%swap3A_233, %swap3A_234], %select_n3A_232 {strides = array<i32>} : memref<8x16xi32, #tpu.memory_space<vmem>>, vector<16xi32>,
            %scan3A_236 = arith.constant 0 : i32
            %scan3A_237 = arith.constant 0 : i32
            %scan3A_238 = arith.constant 64 : i32
            %scan3A_239 = arith.addi %scan3A_237, %scan3A_238 : i32
            %scan3A_240 = arith.constant 1 : i32
            scf.for %scan3A_269 = %scan3A_237 to %scan3A_239 step %scan3A_240  : i32 {
              %broadcast_in_dim3A_270 = vector.broadcast %scan3A_269 : i32 to vector<16xi32>
              %gather3A = tpu.vector_load_idx %arg10[%broadcast_in_dim3A_270, %select_n3A_228] : memref<64x512xf32, #tpu.memory_space<vmem>>[vector<16xi32>, vector<16xi32>], vector<16xf32>,
              %broadcast_in_dim3A_271 = vector.broadcast %while3A_160 : i32 to vector<16xi32>
              %iota3A_272 = tpu.iota {dimensions = array<i32: 0>} : vector<16xi32>
              %broadcast_in_dim3A_273 = vector.broadcast %scan3A_269 : i32 to vector<16xi32>
              tpu.vector_store_idx %arg13[%broadcast_in_dim3A_271, %iota3A_272, %broadcast_in_dim3A_273], %gather3A : memref<8x16x128xf32, #tpu.memory_space<vmem>>[vector<16xi32>, vector<16xi32>, vector<16xi32>], vector<16xf32>,
            }
            %scan3A_241 = arith.constant 64 : i32
            %dma_start3A = arith.constant 0 : i32
            %dma_start3A_242 = arith.constant 0 : i32
            %dma_start3A_243 = tpu.memref_slice %arg13[%while3A_160, %dma_start3A, %dma_start3A_242] : memref<8x16x128xf32, #tpu.memory_space<vmem>> -> memref<1x16x128xf32, #tpu.memory_space<vmem>>
            %dma_start3A_244 = tpu.memref_squeeze %dma_start3A_243 : memref<1x16x128xf32, #tpu.memory_space<vmem>> -> memref<16x128xf32, #tpu.memory_space<vmem>>
            %dma_start3A_245 = arith.constant 0 : i32
            %dma_start3A_246 = tpu.memref_slice %arg14[%while3A_160, %dma_start3A_245] : memref<8x16xi32, #tpu.memory_space<vmem>> -> memref<1x16xi32, #tpu.memory_space<vmem>>
            %dma_start3A_247 = tpu.memref_squeeze %dma_start3A_246 : memref<1x16xi32, #tpu.memory_space<vmem>> -> memref<16xi32, #tpu.memory_space<vmem>>
            %dma_start3A_248 = arith.constant 0 : i32
            %dma_start3A_249 = arith.constant 0 : i32
            %dma_start3A_250 = tpu.memref_slice %arg5[%dma_start3A_248, %dma_start3A_249] : memref<16384x128xf32, #tpu.memory_space<hbm>> -> memref<16384x128xf32, #tpu.memory_space<hbm>>
            tpu.enqueue_indirect_dma source(%dma_start3A_244 : memref<16x128xf32, #tpu.memory_space<vmem>>) target(%dma_start3A_250 : memref<16384x128xf32, #tpu.memory_space<hbm>>) offsets(%dma_start3A_247 : memref<16xi32, #tpu.memory_space<vmem>>) semaphore(%arg17 : memref<!tpu.dma_semaphore, #tpu.memory_space<semaphore_mem>>)
            %get3A_251 = arith.constant 16 : index
            %get3A_252 = tpu.vector_load %arg11[%get3A_251] {strides = array<i32>} : memref<48xi32, #tpu.memory_space<vmem>>, vector<16xi32>,
            %swap3A_253 = arith.constant 0 : index
            %swap3A_254 = tpu.vector_load %arg11[%swap3A_253] {strides = array<i32>} : memref<48xi32, #tpu.memory_space<vmem>>, vector<16xi32>,
            tpu.vector_store %arg11[%swap3A_253], %get3A_252 {strides = array<i32>} : memref<48xi32, #tpu.memory_space<vmem>>, vector<16xi32>,
            %get3A_255 = arith.constant 16 : index
            %get3A_256 = tpu.vector_load %arg12[%get3A_255] {strides = array<i32>} : memref<48xi32, #tpu.memory_space<vmem>>, vector<16xi32>,
            %swap3A_257 = arith.constant 0 : index
            %swap3A_258 = tpu.vector_load %arg12[%swap3A_257] {strides = array<i32>} : memref<48xi32, #tpu.memory_space<vmem>>, vector<16xi32>,
            tpu.vector_store %arg12[%swap3A_257], %get3A_256 {strides = array<i32>} : memref<48xi32, #tpu.memory_space<vmem>>, vector<16xi32>,
            %sub3A_259 = arith.constant 16 : i32
            %sub3A_260 = arith.subi %add3A_208, %sub3A_259 : i32
            %max3A = arith.constant 0 : i32
            %max3A_261 = arith.maxsi %sub3A_260, %max3A : i32
            %add3A_262 = arith.constant 1 : i32
            %add3A_263 = arith.addi %while3A_160, %add3A_262 : i32
            %and3A_264 = arith.constant 7 : i32
            %and3A_265 = arith.andi %add3A_263, %and3A_264 : i32
            %add3A_266 = arith.constant 1 : i32
            %add3A_267 = arith.addi %while3A_161, %add3A_266 : i32
            %min3A = arith.constant 8 : i32
            %min3A_268 = arith.minsi %add3A_267, %min3A : i32
            scf.yield %max3A_261, %and3A_265, %min3A_268 : i32, i32, i32
          } else {
            scf.yield %add3A_208, %while3A_160, %while3A_161 : i32, i32, i32
          }
          scf.yield %cond3A_213#0, %cond3A_213#1, %cond3A_213#2 : i32, i32, i32
        }
        %gt3A_152 = arith.constant 0 : i32
        %gt3A_153 = arith.cmpi sgt, %while3A_151#0, %gt3A_152 : i32
        %convert_element_type3A_154 = arith.extui %gt3A_153 : i1 to i32
        %cond3A_155 = arith.constant 0 : i32
        %cond3A_156 = arith.cmpi ne, %convert_element_type3A_154, %cond3A_155 : i32
        %cond3A_157:3 = scf.if %cond3A_156 -> (i32, i32, i32) {
          %ge3A = arith.constant 8 : i32
          %ge3A_158 = arith.cmpi sge, %while3A_151#2, %ge3A : i32
          %convert_element_type3A_159 = arith.extui %ge3A_158 : i1 to i32
          %cond3A_160 = arith.constant 0 : i32
          %cond3A_161 = arith.cmpi ne, %convert_element_type3A_159, %cond3A_160 : i32
          scf.if %cond3A_161 {
            %dma_wait3A = arith.constant 0 : i32
            %dma_wait3A_207 = arith.constant 0 : i32
            %dma_wait3A_208 = arith.constant 0 : i32
            %dma_wait3A_209 = arith.constant 0 : i32
            %dma_wait3A_210 = tpu.memref_slice %arg13[%dma_wait3A, %dma_wait3A_208, %dma_wait3A_209] : memref<8x16x128xf32, #tpu.memory_space<vmem>> -> memref<1x16x128xf32, #tpu.memory_space<vmem>>
            %dma_wait3A_211 = tpu.memref_squeeze %dma_wait3A_210 : memref<1x16x128xf32, #tpu.memory_space<vmem>> -> memref<16x128xf32, #tpu.memory_space<vmem>>
            %dma_wait3A_212 = arith.constant 0 : i32
            %dma_wait3A_213 = tpu.memref_slice %arg14[%dma_wait3A_207, %dma_wait3A_212] : memref<8x16xi32, #tpu.memory_space<vmem>> -> memref<1x16xi32, #tpu.memory_space<vmem>>
            %dma_wait3A_214 = tpu.memref_squeeze %dma_wait3A_213 : memref<1x16xi32, #tpu.memory_space<vmem>> -> memref<16xi32, #tpu.memory_space<vmem>>
            %dma_wait3A_215 = arith.constant 0 : i32
            %dma_wait3A_216 = arith.constant 0 : i32
            %dma_wait3A_217 = tpu.memref_slice %arg5[%dma_wait3A_215, %dma_wait3A_216] : memref<16384x128xf32, #tpu.memory_space<hbm>> -> memref<16384x128xf32, #tpu.memory_space<hbm>>
            tpu.wait_indirect_dma semaphore(%arg17 : memref<!tpu.dma_semaphore, #tpu.memory_space<semaphore_mem>>) src(%dma_wait3A_211 : memref<16x128xf32, #tpu.memory_space<vmem>>) dst(%dma_wait3A_217 : memref<16384x128xf32, #tpu.memory_space<hbm>>)
          } else {
          }
          %get3A = arith.constant 0 : index
          %get3A_162 = tpu.vector_load %arg11[%get3A] {strides = array<i32>} : memref<48xi32, #tpu.memory_space<vmem>>, vector<16xi32>,
          %get3A_163 = arith.constant 0 : index
          %get3A_164 = tpu.vector_load %arg12[%get3A_163] {strides = array<i32>} : memref<48xi32, #tpu.memory_space<vmem>>, vector<16xi32>,
          %iota3A = tpu.iota {dimensions = array<i32: 0>} : vector<16xi32>
          %lt3A_165 = vector.broadcast %while3A_151#0 : i32 to vector<16xi32>
          %lt3A_166 = arith.cmpi slt, %iota3A, %lt3A_165 : vector<16xi32>
          %slice3A = vector.extract_strided_slice %get3A_162 {offsets = [0], sizes = [1], strides = [1]} : vector<16xi32> to vector<1xi32>
          %squeeze3A = vector.extract %slice3A[0] : i32 from vector<1xi32>
          %broadcast_in_dim3A = vector.broadcast %squeeze3A : i32 to vector<16xi32>
          %select_n3A_167 = arith.select %lt3A_166, %get3A_162, %broadcast_in_dim3A : vector<16xi1>, vector<16xi32>
          %slice3A_168 = vector.extract_strided_slice %get3A_164 {offsets = [0], sizes = [1], strides = [1]} : vector<16xi32> to vector<1xi32>
          %squeeze3A_169 = vector.extract %slice3A_168[0] : i32 from vector<1xi32>
          %broadcast_in_dim3A_170 = vector.broadcast %squeeze3A_169 : i32 to vector<16xi32>
          %select_n3A_171 = arith.select %lt3A_166, %get3A_164, %broadcast_in_dim3A_170 : vector<16xi1>, vector<16xi32>
          %swap3A = arith.index_cast %while3A_151#1 : i32 to index
          %swap3A_172 = arith.constant 0 : index
          %swap3A_173 = tpu.vector_load %arg14[%swap3A, %swap3A_172] {strides = array<i32>} : memref<8x16xi32, #tpu.memory_space<vmem>>, vector<16xi32>,
          tpu.vector_store %arg14[%swap3A, %swap3A_172], %select_n3A_171 {strides = array<i32>} : memref<8x16xi32, #tpu.memory_space<vmem>>, vector<16xi32>,
          %scan3A_174 = arith.constant 0 : i32
          %scan3A_175 = arith.constant 0 : i32
          %scan3A_176 = arith.constant 64 : i32
          %scan3A_177 = arith.addi %scan3A_175, %scan3A_176 : i32
          %scan3A_178 = arith.constant 1 : i32
          scf.for %scan3A_207 = %scan3A_175 to %scan3A_177 step %scan3A_178  : i32 {
            %broadcast_in_dim3A_208 = vector.broadcast %scan3A_207 : i32 to vector<16xi32>
            %gather3A = tpu.vector_load_idx %arg10[%broadcast_in_dim3A_208, %select_n3A_167] : memref<64x512xf32, #tpu.memory_space<vmem>>[vector<16xi32>, vector<16xi32>], vector<16xf32>,
            %broadcast_in_dim3A_209 = vector.broadcast %while3A_151#1 : i32 to vector<16xi32>
            %iota3A_210 = tpu.iota {dimensions = array<i32: 0>} : vector<16xi32>
            %broadcast_in_dim3A_211 = vector.broadcast %scan3A_207 : i32 to vector<16xi32>
            tpu.vector_store_idx %arg13[%broadcast_in_dim3A_209, %iota3A_210, %broadcast_in_dim3A_211], %gather3A : memref<8x16x128xf32, #tpu.memory_space<vmem>>[vector<16xi32>, vector<16xi32>, vector<16xi32>], vector<16xf32>,
          }
          %scan3A_179 = arith.constant 64 : i32
          %dma_start3A = arith.constant 0 : i32
          %dma_start3A_180 = arith.constant 0 : i32
          %dma_start3A_181 = tpu.memref_slice %arg13[%while3A_151#1, %dma_start3A, %dma_start3A_180] : memref<8x16x128xf32, #tpu.memory_space<vmem>> -> memref<1x16x128xf32, #tpu.memory_space<vmem>>
          %dma_start3A_182 = tpu.memref_squeeze %dma_start3A_181 : memref<1x16x128xf32, #tpu.memory_space<vmem>> -> memref<16x128xf32, #tpu.memory_space<vmem>>
          %dma_start3A_183 = arith.constant 0 : i32
          %dma_start3A_184 = tpu.memref_slice %arg14[%while3A_151#1, %dma_start3A_183] : memref<8x16xi32, #tpu.memory_space<vmem>> -> memref<1x16xi32, #tpu.memory_space<vmem>>
          %dma_start3A_185 = tpu.memref_squeeze %dma_start3A_184 : memref<1x16xi32, #tpu.memory_space<vmem>> -> memref<16xi32, #tpu.memory_space<vmem>>
          %dma_start3A_186 = arith.constant 0 : i32
          %dma_start3A_187 = arith.constant 0 : i32
          %dma_start3A_188 = tpu.memref_slice %arg5[%dma_start3A_186, %dma_start3A_187] : memref<16384x128xf32, #tpu.memory_space<hbm>> -> memref<16384x128xf32, #tpu.memory_space<hbm>>
          tpu.enqueue_indirect_dma source(%dma_start3A_182 : memref<16x128xf32, #tpu.memory_space<vmem>>) target(%dma_start3A_188 : memref<16384x128xf32, #tpu.memory_space<hbm>>) offsets(%dma_start3A_185 : memref<16xi32, #tpu.memory_space<vmem>>) semaphore(%arg17 : memref<!tpu.dma_semaphore, #tpu.memory_space<semaphore_mem>>)
          %get3A_189 = arith.constant 16 : index
          %get3A_190 = tpu.vector_load %arg11[%get3A_189] {strides = array<i32>} : memref<48xi32, #tpu.memory_space<vmem>>, vector<16xi32>,
          %swap3A_191 = arith.constant 0 : index
          %swap3A_192 = tpu.vector_load %arg11[%swap3A_191] {strides = array<i32>} : memref<48xi32, #tpu.memory_space<vmem>>, vector<16xi32>,
          tpu.vector_store %arg11[%swap3A_191], %get3A_190 {strides = array<i32>} : memref<48xi32, #tpu.memory_space<vmem>>, vector<16xi32>,
          %get3A_193 = arith.constant 16 : index
          %get3A_194 = tpu.vector_load %arg12[%get3A_193] {strides = array<i32>} : memref<48xi32, #tpu.memory_space<vmem>>, vector<16xi32>,
          %swap3A_195 = arith.constant 0 : index
          %swap3A_196 = tpu.vector_load %arg12[%swap3A_195] {strides = array<i32>} : memref<48xi32, #tpu.memory_space<vmem>>, vector<16xi32>,
          tpu.vector_store %arg12[%swap3A_195], %get3A_194 {strides = array<i32>} : memref<48xi32, #tpu.memory_space<vmem>>, vector<16xi32>,
          %sub3A_197 = arith.constant 16 : i32
          %sub3A_198 = arith.subi %while3A_151#0, %sub3A_197 : i32
          %max3A = arith.constant 0 : i32
          %max3A_199 = arith.maxsi %sub3A_198, %max3A : i32
          %add3A_200 = arith.constant 1 : i32
          %add3A_201 = arith.addi %while3A_151#1, %add3A_200 : i32
          %and3A_202 = arith.constant 7 : i32
          %and3A_203 = arith.andi %add3A_201, %and3A_202 : i32
          %add3A_204 = arith.constant 1 : i32
          %add3A_205 = arith.addi %while3A_151#2, %add3A_204 : i32
          %min3A = arith.constant 8 : i32
          %min3A_206 = arith.minsi %add3A_205, %min3A : i32
          scf.yield %max3A_199, %and3A_203, %min3A_206 : i32, i32, i32
        } else {
          scf.yield %while3A_151#0, %while3A_151#1, %while3A_151#2 : i32, i32, i32
        }
        scf.yield %cond3A_157#1, %cond3A_157#2 : i32, i32
      } else {
        scf.yield %cond3A_108#0, %cond3A_108#1 : i32, i32
      }
      %add3A_128 = arith.constant 2 : i32
      %add3A_129 = arith.addi %add3A_118, %add3A_128 : i32
      %lt3A_130 = arith.cmpi slt, %add3A_129, %select_n3A : i32
      %convert_element_type3A_131 = arith.extui %lt3A_130 : i1 to i32
      %cond3A_132 = arith.constant 0 : i32
      %cond3A_133 = arith.cmpi ne, %convert_element_type3A_131, %cond3A_132 : i32
      scf.if %cond3A_133 {
        %add3A_134 = arith.constant 2 : i32
        %add3A_135 = arith.addi %add3A_118, %add3A_134 : i32
        %mul3A_136 = arith.constant 32 : i32
        %mul3A_137 = arith.muli %add3A_135, %mul3A_136 : i32
        %add3A_138 = arith.addi %add3A, %mul3A_137 : i32
        %mul3A_139 = arith.constant 512 : i32
        %mul3A_140 = arith.muli %add3A_138, %mul3A_139 : i32
        %dma_start3A = arith.constant 0 : i32
        %dma_start3A_141 = tpu.memref_slice %arg2[%dma_start3A, %mul3A_140] : memref<64x1000000xf32, #tpu.memory_space<hbm>> -> memref<64x512xf32, #tpu.memory_space<hbm>>
        %dma_start3A_142 = arith.constant 0 : i32
        %dma_start3A_143 = tpu.memref_slice %arg2[%dma_start3A_142, %mul3A_140] : memref<64x1000000xf32, #tpu.memory_space<hbm>> -> memref<64x512xf32, #tpu.memory_space<hbm>>
        tpu.enqueue_dma source(%dma_start3A_143 : memref<64x512xf32, #tpu.memory_space<hbm>>) target(%arg10 : memref<64x512xf32, #tpu.memory_space<vmem>>) target_semaphore(%arg16 : memref<!tpu.dma_semaphore, #tpu.memory_space<semaphore_mem>>)
      } else {
      }
      scf.yield %cond3A_127#0, %cond3A_127#1 : i32, i32
    }
    %eq3A = arith.constant 1 : i32
    %eq3A_74 = arith.cmpi eq, %add3A, %eq3A : i32
    %convert_element_type3A_75 = arith.extui %eq3A_74 : i1 to i32
    %cond3A_76 = arith.constant 0 : i32
    %cond3A_77 = arith.cmpi ne, %convert_element_type3A_75, %cond3A_76 : i32
    scf.if %cond3A_77 {
      "tpu.region"() ({
        %run_scoped3A = tpu.sem_alloc : memref<!tpu.dma_semaphore, #tpu.memory_space<semaphore_mem>>
        tpu.enqueue_dma source(%arg3 : memref<64x64xf32, #tpu.memory_space<hbm>>) target(%arg15 : memref<64x64xf32, #tpu.memory_space<vmem>>) target_semaphore(%run_scoped3A : memref<!tpu.dma_semaphore, #tpu.memory_space<semaphore_mem>>)
        tpu.wait_dma2 semaphore(%run_scoped3A : memref<!tpu.dma_semaphore, #tpu.memory_space<semaphore_mem>>) src(%arg3 : memref<64x64xf32, #tpu.memory_space<hbm>>) dst(%arg15 : memref<64x64xf32, #tpu.memory_space<vmem>>)
        tpu.yield
      }) : () -> ()
    } else {
    }
    %eq3A_78 = arith.constant 1 : i32
    %eq3A_79 = arith.cmpi eq, %add3A, %eq3A_78 : i32
    %convert_element_type3A_80 = arith.extui %eq3A_79 : i1 to i32
    %cond3A_81 = arith.constant 0 : i32
    %cond3A_82 = arith.cmpi ne, %convert_element_type3A_80, %cond3A_81 : i32
    %cond3A_83:2 = scf.if %cond3A_82 -> (i32, i32) {
      %add3A_94 = arith.constant 15 : i32
      %add3A_95 = arith.addi %scan3A_5, %add3A_94 : i32
      %shift_right_arithmetic3A = arith.constant 4 : i32
      %shift_right_arithmetic3A_96 = arith.shrsi %add3A_95, %shift_right_arithmetic3A : i32
      %while3A_97 = arith.constant 0 : i32
      %while3A_98 = arith.constant 0 : i32
      %while3A_99 = arith.subi %shift_right_arithmetic3A_96, %while3A_97 : i32
      %while3A_100 = arith.addi %while3A_97, %while3A_99 : i32
      %while3A_101 = arith.constant 1 : i32
      %while3A_102 = arith.divsi %while3A_99, %while3A_101 : i32
      %while3A_103 = arith.muli %while3A_102, %while3A_101 : i32
      %while3A_104 = arith.addi %while3A_97, %while3A_103 : i32
      %while3A_105 = arith.constant 1 : i32
      %while3A_106:3 = scf.for %while3A_115 = %while3A_97 to %while3A_104 step %while3A_105 iter_args(%while3A_116 = %while3A_98, %while3A_117 = %while3A_73#0, %while3A_118 = %while3A_73#1) -> (i32, i32, i32)  : i32 {
        %mul3A_119 = arith.constant 16 : i32
        %mul3A_120 = arith.muli %while3A_115, %mul3A_119 : i32
        %get3A = arith.index_cast %mul3A_120 : i32 to index
        %get3A_121 = tpu.vector_load %arg7[%get3A] {strides = array<i32>} : memref<16400xi32, #tpu.memory_space<vmem>>, vector<16xi32>,
        %mul3A_122 = arith.constant 16 : i32
        %mul3A_123 = arith.muli %while3A_115, %mul3A_122 : i32
        %get3A_124 = arith.index_cast %mul3A_123 : i32 to index
        %get3A_125 = tpu.vector_load %arg8[%get3A_124] {strides = array<i32>} : memref<16400xi32, #tpu.memory_space<vmem>>, vector<16xi32>,
        %mul3A_126 = arith.constant 16 : i32
        %mul3A_127 = arith.muli %while3A_115, %mul3A_126 : i32
        %iota3A = tpu.iota {dimensions = array<i32: 0>} : vector<16xi32>
        %add3A_128 = vector.broadcast %mul3A_127 : i32 to vector<16xi32>
        %add3A_129 = arith.addi %add3A_128, %iota3A : vector<16xi32>
        %lt3A = vector.broadcast %scan3A_5 : i32 to vector<16xi32>
        %lt3A_130 = arith.cmpi slt, %add3A_129, %lt3A : vector<16xi32>
        %shift_right_arithmetic3A_131 = arith.constant 9 : i32
        %shift_right_arithmetic3A_132 = vector.broadcast %shift_right_arithmetic3A_131 : i32 to vector<16xi32>
        %shift_right_arithmetic3A_133 = arith.shrsi %get3A_121, %shift_right_arithmetic3A_132 : vector<16xi32>
        %eq3A_134 = arith.constant 1953 : i32
        %eq3A_135 = vector.broadcast %eq3A_134 : i32 to vector<16xi32>
        %eq3A_136 = arith.cmpi eq, %shift_right_arithmetic3A_133, %eq3A_135 : vector<16xi32>
        %and3A_137 = arith.andi %eq3A_136, %lt3A_130 : vector<16xi1>
        %iota3A_138 = tpu.iota {dimensions = array<i32: 0>} : vector<16xi32>
        %iota3A_139 = tpu.iota {dimensions = array<i32: 0>} : vector<16xi32>
        %add3A_140 = arith.constant 16 : i32
        %add3A_141 = vector.broadcast %add3A_140 : i32 to vector<16xi32>
        %add3A_142 = arith.addi %iota3A_139, %add3A_141 : vector<16xi32>
        %select_n3A_143 = arith.select %and3A_137, %iota3A_138, %add3A_142 : vector<16xi1>, vector<16xi32>
        %and3A_144 = arith.constant 511 : i32
        %and3A_145 = vector.broadcast %and3A_144 : i32 to vector<16xi32>
        %and3A_146 = arith.andi %get3A_121, %and3A_145 : vector<16xi32>
        %masked_sort3A = arith.constant dense<true> : vector<16xi1>
        %masked_sort3A_147 = arith.constant -2147483648 : i32
        %masked_sort3A_148 = vector.broadcast %masked_sort3A_147 : i32 to vector<16xi32>
        %masked_sort3A_149 = arith.xori %select_n3A_143, %masked_sort3A_148 : vector<16xi32>
        %masked_sort3A_150, %masked_sort3A_151, %masked_sort3A_152 = tpu.sort %masked_sort3A_149, %and3A_146 masked %masked_sort3A : (vector<16xi32>, vector<16xi32>, vector<16xi1>) -> (vector<16xi1>, vector<16xi32>, vector<16xi32>)
        %masked_sort3A_153 = arith.xori %masked_sort3A_151, %masked_sort3A_148 : vector<16xi32>
        %swap3A = arith.index_cast %while3A_116 : i32 to index
        %swap3A_154 = tpu.vector_load %arg11[%swap3A] {strides = array<i32>} : memref<48xi32, #tpu.memory_space<vmem>>, vector<16xi32>,
        tpu.vector_store %arg11[%swap3A], %masked_sort3A_152 {strides = array<i32>} : memref<48xi32, #tpu.memory_space<vmem>>, vector<16xi32>,
        %masked_sort3A_155 = arith.constant dense<true> : vector<16xi1>
        %masked_sort3A_156 = arith.constant -2147483648 : i32
        %masked_sort3A_157 = vector.broadcast %masked_sort3A_156 : i32 to vector<16xi32>
        %masked_sort3A_158 = arith.xori %select_n3A_143, %masked_sort3A_157 : vector<16xi32>
        %masked_sort3A_159, %masked_sort3A_160, %masked_sort3A_161 = tpu.sort %masked_sort3A_158, %get3A_125 masked %masked_sort3A_155 : (vector<16xi32>, vector<16xi32>, vector<16xi1>) -> (vector<16xi1>, vector<16xi32>, vector<16xi32>)
        %masked_sort3A_162 = arith.xori %masked_sort3A_160, %masked_sort3A_157 : vector<16xi32>
        %swap3A_163 = arith.index_cast %while3A_116 : i32 to index
        %swap3A_164 = tpu.vector_load %arg12[%swap3A_163] {strides = array<i32>} : memref<48xi32, #tpu.memory_space<vmem>>, vector<16xi32>,
        tpu.vector_store %arg12[%swap3A_163], %masked_sort3A_161 {strides = array<i32>} : memref<48xi32, #tpu.memory_space<vmem>>, vector<16xi32>,
        %all_reduce_population_count3A = tpu.all_reduce %and3A_137 {dim = 0 : i64, kind = #tpu.reduction_kind<sum>} : vector<16xi1> -> vector<16xi32>
        %slice3A = vector.extract_strided_slice %all_reduce_population_count3A {offsets = [0], sizes = [1], strides = [1]} : vector<16xi32> to vector<1xi32>
        %squeeze3A = vector.extract %slice3A[0] : i32 from vector<1xi32>
        %add3A_165 = arith.addi %while3A_116, %squeeze3A : i32
        %ge3A = arith.constant 16 : i32
        %ge3A_166 = arith.cmpi sge, %add3A_165, %ge3A : i32
        %convert_element_type3A_167 = arith.extui %ge3A_166 : i1 to i32
        %cond3A_168 = arith.constant 0 : i32
        %cond3A_169 = arith.cmpi ne, %convert_element_type3A_167, %cond3A_168 : i32
        %cond3A_170:3 = scf.if %cond3A_169 -> (i32, i32, i32) {
          %ge3A_171 = arith.constant 8 : i32
          %ge3A_172 = arith.cmpi sge, %while3A_118, %ge3A_171 : i32
          %convert_element_type3A_173 = arith.extui %ge3A_172 : i1 to i32
          %cond3A_174 = arith.constant 0 : i32
          %cond3A_175 = arith.cmpi ne, %convert_element_type3A_173, %cond3A_174 : i32
          scf.if %cond3A_175 {
            %dma_wait3A = arith.constant 0 : i32
            %dma_wait3A_226 = arith.constant 0 : i32
            %dma_wait3A_227 = arith.constant 0 : i32
            %dma_wait3A_228 = arith.constant 0 : i32
            %dma_wait3A_229 = tpu.memref_slice %arg13[%dma_wait3A, %dma_wait3A_227, %dma_wait3A_228] : memref<8x16x128xf32, #tpu.memory_space<vmem>> -> memref<1x16x128xf32, #tpu.memory_space<vmem>>
            %dma_wait3A_230 = tpu.memref_squeeze %dma_wait3A_229 : memref<1x16x128xf32, #tpu.memory_space<vmem>> -> memref<16x128xf32, #tpu.memory_space<vmem>>
            %dma_wait3A_231 = arith.constant 0 : i32
            %dma_wait3A_232 = tpu.memref_slice %arg14[%dma_wait3A_226, %dma_wait3A_231] : memref<8x16xi32, #tpu.memory_space<vmem>> -> memref<1x16xi32, #tpu.memory_space<vmem>>
            %dma_wait3A_233 = tpu.memref_squeeze %dma_wait3A_232 : memref<1x16xi32, #tpu.memory_space<vmem>> -> memref<16xi32, #tpu.memory_space<vmem>>
            %dma_wait3A_234 = arith.constant 0 : i32
            %dma_wait3A_235 = arith.constant 0 : i32
            %dma_wait3A_236 = tpu.memref_slice %arg5[%dma_wait3A_234, %dma_wait3A_235] : memref<16384x128xf32, #tpu.memory_space<hbm>> -> memref<16384x128xf32, #tpu.memory_space<hbm>>
            tpu.wait_indirect_dma semaphore(%arg17 : memref<!tpu.dma_semaphore, #tpu.memory_space<semaphore_mem>>) src(%dma_wait3A_230 : memref<16x128xf32, #tpu.memory_space<vmem>>) dst(%dma_wait3A_236 : memref<16384x128xf32, #tpu.memory_space<hbm>>)
          } else {
          }
          %get3A_176 = arith.constant 0 : index
          %get3A_177 = tpu.vector_load %arg11[%get3A_176] {strides = array<i32>} : memref<48xi32, #tpu.memory_space<vmem>>, vector<16xi32>,
          %get3A_178 = arith.constant 0 : index
          %get3A_179 = tpu.vector_load %arg12[%get3A_178] {strides = array<i32>} : memref<48xi32, #tpu.memory_space<vmem>>, vector<16xi32>,
          %iota3A_180 = tpu.iota {dimensions = array<i32: 0>} : vector<16xi32>
          %lt3A_181 = vector.broadcast %add3A_165 : i32 to vector<16xi32>
          %lt3A_182 = arith.cmpi slt, %iota3A_180, %lt3A_181 : vector<16xi32>
          %slice3A_183 = vector.extract_strided_slice %get3A_177 {offsets = [0], sizes = [1], strides = [1]} : vector<16xi32> to vector<1xi32>
          %squeeze3A_184 = vector.extract %slice3A_183[0] : i32 from vector<1xi32>
          %broadcast_in_dim3A = vector.broadcast %squeeze3A_184 : i32 to vector<16xi32>
          %select_n3A_185 = arith.select %lt3A_182, %get3A_177, %broadcast_in_dim3A : vector<16xi1>, vector<16xi32>
          %slice3A_186 = vector.extract_strided_slice %get3A_179 {offsets = [0], sizes = [1], strides = [1]} : vector<16xi32> to vector<1xi32>
          %squeeze3A_187 = vector.extract %slice3A_186[0] : i32 from vector<1xi32>
          %broadcast_in_dim3A_188 = vector.broadcast %squeeze3A_187 : i32 to vector<16xi32>
          %select_n3A_189 = arith.select %lt3A_182, %get3A_179, %broadcast_in_dim3A_188 : vector<16xi1>, vector<16xi32>
          %swap3A_190 = arith.index_cast %while3A_117 : i32 to index
          %swap3A_191 = arith.constant 0 : index
          %swap3A_192 = tpu.vector_load %arg14[%swap3A_190, %swap3A_191] {strides = array<i32>} : memref<8x16xi32, #tpu.memory_space<vmem>>, vector<16xi32>,
          tpu.vector_store %arg14[%swap3A_190, %swap3A_191], %select_n3A_189 {strides = array<i32>} : memref<8x16xi32, #tpu.memory_space<vmem>>, vector<16xi32>,
          %scan3A_193 = arith.constant 0 : i32
          %scan3A_194 = arith.constant 0 : i32
          %scan3A_195 = arith.constant 64 : i32
          %scan3A_196 = arith.addi %scan3A_194, %scan3A_195 : i32
          %scan3A_197 = arith.constant 1 : i32
          scf.for %scan3A_226 = %scan3A_194 to %scan3A_196 step %scan3A_197  : i32 {
            %broadcast_in_dim3A_227 = vector.broadcast %scan3A_226 : i32 to vector<16xi32>
            %gather3A = tpu.vector_load_idx %arg15[%broadcast_in_dim3A_227, %select_n3A_185] : memref<64x64xf32, #tpu.memory_space<vmem>>[vector<16xi32>, vector<16xi32>], vector<16xf32>,
            %broadcast_in_dim3A_228 = vector.broadcast %while3A_117 : i32 to vector<16xi32>
            %iota3A_229 = tpu.iota {dimensions = array<i32: 0>} : vector<16xi32>
            %broadcast_in_dim3A_230 = vector.broadcast %scan3A_226 : i32 to vector<16xi32>
            tpu.vector_store_idx %arg13[%broadcast_in_dim3A_228, %iota3A_229, %broadcast_in_dim3A_230], %gather3A : memref<8x16x128xf32, #tpu.memory_space<vmem>>[vector<16xi32>, vector<16xi32>, vector<16xi32>], vector<16xf32>,
          }
          %scan3A_198 = arith.constant 64 : i32
          %dma_start3A = arith.constant 0 : i32
          %dma_start3A_199 = arith.constant 0 : i32
          %dma_start3A_200 = tpu.memref_slice %arg13[%while3A_117, %dma_start3A, %dma_start3A_199] : memref<8x16x128xf32, #tpu.memory_space<vmem>> -> memref<1x16x128xf32, #tpu.memory_space<vmem>>
          %dma_start3A_201 = tpu.memref_squeeze %dma_start3A_200 : memref<1x16x128xf32, #tpu.memory_space<vmem>> -> memref<16x128xf32, #tpu.memory_space<vmem>>
          %dma_start3A_202 = arith.constant 0 : i32
          %dma_start3A_203 = tpu.memref_slice %arg14[%while3A_117, %dma_start3A_202] : memref<8x16xi32, #tpu.memory_space<vmem>> -> memref<1x16xi32, #tpu.memory_space<vmem>>
          %dma_start3A_204 = tpu.memref_squeeze %dma_start3A_203 : memref<1x16xi32, #tpu.memory_space<vmem>> -> memref<16xi32, #tpu.memory_space<vmem>>
          %dma_start3A_205 = arith.constant 0 : i32
          %dma_start3A_206 = arith.constant 0 : i32
          %dma_start3A_207 = tpu.memref_slice %arg5[%dma_start3A_205, %dma_start3A_206] : memref<16384x128xf32, #tpu.memory_space<hbm>> -> memref<16384x128xf32, #tpu.memory_space<hbm>>
          tpu.enqueue_indirect_dma source(%dma_start3A_201 : memref<16x128xf32, #tpu.memory_space<vmem>>) target(%dma_start3A_207 : memref<16384x128xf32, #tpu.memory_space<hbm>>) offsets(%dma_start3A_204 : memref<16xi32, #tpu.memory_space<vmem>>) semaphore(%arg17 : memref<!tpu.dma_semaphore, #tpu.memory_space<semaphore_mem>>)
          %get3A_208 = arith.constant 16 : index
          %get3A_209 = tpu.vector_load %arg11[%get3A_208] {strides = array<i32>} : memref<48xi32, #tpu.memory_space<vmem>>, vector<16xi32>,
          %swap3A_210 = arith.constant 0 : index
          %swap3A_211 = tpu.vector_load %arg11[%swap3A_210] {strides = array<i32>} : memref<48xi32, #tpu.memory_space<vmem>>, vector<16xi32>,
          tpu.vector_store %arg11[%swap3A_210], %get3A_209 {strides = array<i32>} : memref<48xi32, #tpu.memory_space<vmem>>, vector<16xi32>,
          %get3A_212 = arith.constant 16 : index
          %get3A_213 = tpu.vector_load %arg12[%get3A_212] {strides = array<i32>} : memref<48xi32, #tpu.memory_space<vmem>>, vector<16xi32>,
          %swap3A_214 = arith.constant 0 : index
          %swap3A_215 = tpu.vector_load %arg12[%swap3A_214] {strides = array<i32>} : memref<48xi32, #tpu.memory_space<vmem>>, vector<16xi32>,
          tpu.vector_store %arg12[%swap3A_214], %get3A_213 {strides = array<i32>} : memref<48xi32, #tpu.memory_space<vmem>>, vector<16xi32>,
          %sub3A_216 = arith.constant 16 : i32
          %sub3A_217 = arith.subi %add3A_165, %sub3A_216 : i32
          %max3A = arith.constant 0 : i32
          %max3A_218 = arith.maxsi %sub3A_217, %max3A : i32
          %add3A_219 = arith.constant 1 : i32
          %add3A_220 = arith.addi %while3A_117, %add3A_219 : i32
          %and3A_221 = arith.constant 7 : i32
          %and3A_222 = arith.andi %add3A_220, %and3A_221 : i32
          %add3A_223 = arith.constant 1 : i32
          %add3A_224 = arith.addi %while3A_118, %add3A_223 : i32
          %min3A = arith.constant 8 : i32
          %min3A_225 = arith.minsi %add3A_224, %min3A : i32
          scf.yield %max3A_218, %and3A_222, %min3A_225 : i32, i32, i32
        } else {
          scf.yield %add3A_165, %while3A_117, %while3A_118 : i32, i32, i32
        }
        scf.yield %cond3A_170#0, %cond3A_170#1, %cond3A_170#2 : i32, i32, i32
      }
      %while3A_107 = arith.constant 1 : i32
      %while3A_108:3 = scf.for %while3A_115 = %while3A_104 to %while3A_100 step %while3A_107 iter_args(%while3A_116 = %while3A_106#0, %while3A_117 = %while3A_106#1, %while3A_118 = %while3A_106#2) -> (i32, i32, i32)  : i32 {
        %mul3A_119 = arith.constant 16 : i32
        %mul3A_120 = arith.muli %while3A_115, %mul3A_119 : i32
        %get3A = arith.index_cast %mul3A_120 : i32 to index
        %get3A_121 = tpu.vector_load %arg7[%get3A] {strides = array<i32>} : memref<16400xi32, #tpu.memory_space<vmem>>, vector<16xi32>,
        %mul3A_122 = arith.constant 16 : i32
        %mul3A_123 = arith.muli %while3A_115, %mul3A_122 : i32
        %get3A_124 = arith.index_cast %mul3A_123 : i32 to index
        %get3A_125 = tpu.vector_load %arg8[%get3A_124] {strides = array<i32>} : memref<16400xi32, #tpu.memory_space<vmem>>, vector<16xi32>,
        %mul3A_126 = arith.constant 16 : i32
        %mul3A_127 = arith.muli %while3A_115, %mul3A_126 : i32
        %iota3A = tpu.iota {dimensions = array<i32: 0>} : vector<16xi32>
        %add3A_128 = vector.broadcast %mul3A_127 : i32 to vector<16xi32>
        %add3A_129 = arith.addi %add3A_128, %iota3A : vector<16xi32>
        %lt3A = vector.broadcast %scan3A_5 : i32 to vector<16xi32>
        %lt3A_130 = arith.cmpi slt, %add3A_129, %lt3A : vector<16xi32>
        %shift_right_arithmetic3A_131 = arith.constant 9 : i32
        %shift_right_arithmetic3A_132 = vector.broadcast %shift_right_arithmetic3A_131 : i32 to vector<16xi32>
        %shift_right_arithmetic3A_133 = arith.shrsi %get3A_121, %shift_right_arithmetic3A_132 : vector<16xi32>
        %eq3A_134 = arith.constant 1953 : i32
        %eq3A_135 = vector.broadcast %eq3A_134 : i32 to vector<16xi32>
        %eq3A_136 = arith.cmpi eq, %shift_right_arithmetic3A_133, %eq3A_135 : vector<16xi32>
        %and3A_137 = arith.andi %eq3A_136, %lt3A_130 : vector<16xi1>
        %iota3A_138 = tpu.iota {dimensions = array<i32: 0>} : vector<16xi32>
        %iota3A_139 = tpu.iota {dimensions = array<i32: 0>} : vector<16xi32>
        %add3A_140 = arith.constant 16 : i32
        %add3A_141 = vector.broadcast %add3A_140 : i32 to vector<16xi32>
        %add3A_142 = arith.addi %iota3A_139, %add3A_141 : vector<16xi32>
        %select_n3A_143 = arith.select %and3A_137, %iota3A_138, %add3A_142 : vector<16xi1>, vector<16xi32>
        %and3A_144 = arith.constant 511 : i32
        %and3A_145 = vector.broadcast %and3A_144 : i32 to vector<16xi32>
        %and3A_146 = arith.andi %get3A_121, %and3A_145 : vector<16xi32>
        %masked_sort3A = arith.constant dense<true> : vector<16xi1>
        %masked_sort3A_147 = arith.constant -2147483648 : i32
        %masked_sort3A_148 = vector.broadcast %masked_sort3A_147 : i32 to vector<16xi32>
        %masked_sort3A_149 = arith.xori %select_n3A_143, %masked_sort3A_148 : vector<16xi32>
        %masked_sort3A_150, %masked_sort3A_151, %masked_sort3A_152 = tpu.sort %masked_sort3A_149, %and3A_146 masked %masked_sort3A : (vector<16xi32>, vector<16xi32>, vector<16xi1>) -> (vector<16xi1>, vector<16xi32>, vector<16xi32>)
        %masked_sort3A_153 = arith.xori %masked_sort3A_151, %masked_sort3A_148 : vector<16xi32>
        %swap3A = arith.index_cast %while3A_116 : i32 to index
        %swap3A_154 = tpu.vector_load %arg11[%swap3A] {strides = array<i32>} : memref<48xi32, #tpu.memory_space<vmem>>, vector<16xi32>,
        tpu.vector_store %arg11[%swap3A], %masked_sort3A_152 {strides = array<i32>} : memref<48xi32, #tpu.memory_space<vmem>>, vector<16xi32>,
        %masked_sort3A_155 = arith.constant dense<true> : vector<16xi1>
        %masked_sort3A_156 = arith.constant -2147483648 : i32
        %masked_sort3A_157 = vector.broadcast %masked_sort3A_156 : i32 to vector<16xi32>
        %masked_sort3A_158 = arith.xori %select_n3A_143, %masked_sort3A_157 : vector<16xi32>
        %masked_sort3A_159, %masked_sort3A_160, %masked_sort3A_161 = tpu.sort %masked_sort3A_158, %get3A_125 masked %masked_sort3A_155 : (vector<16xi32>, vector<16xi32>, vector<16xi1>) -> (vector<16xi1>, vector<16xi32>, vector<16xi32>)
        %masked_sort3A_162 = arith.xori %masked_sort3A_160, %masked_sort3A_157 : vector<16xi32>
        %swap3A_163 = arith.index_cast %while3A_116 : i32 to index
        %swap3A_164 = tpu.vector_load %arg12[%swap3A_163] {strides = array<i32>} : memref<48xi32, #tpu.memory_space<vmem>>, vector<16xi32>,
        tpu.vector_store %arg12[%swap3A_163], %masked_sort3A_161 {strides = array<i32>} : memref<48xi32, #tpu.memory_space<vmem>>, vector<16xi32>,
        %all_reduce_population_count3A = tpu.all_reduce %and3A_137 {dim = 0 : i64, kind = #tpu.reduction_kind<sum>} : vector<16xi1> -> vector<16xi32>
        %slice3A = vector.extract_strided_slice %all_reduce_population_count3A {offsets = [0], sizes = [1], strides = [1]} : vector<16xi32> to vector<1xi32>
        %squeeze3A = vector.extract %slice3A[0] : i32 from vector<1xi32>
        %add3A_165 = arith.addi %while3A_116, %squeeze3A : i32
        %ge3A = arith.constant 16 : i32
        %ge3A_166 = arith.cmpi sge, %add3A_165, %ge3A : i32
        %convert_element_type3A_167 = arith.extui %ge3A_166 : i1 to i32
        %cond3A_168 = arith.constant 0 : i32
        %cond3A_169 = arith.cmpi ne, %convert_element_type3A_167, %cond3A_168 : i32
        %cond3A_170:3 = scf.if %cond3A_169 -> (i32, i32, i32) {
          %ge3A_171 = arith.constant 8 : i32
          %ge3A_172 = arith.cmpi sge, %while3A_118, %ge3A_171 : i32
          %convert_element_type3A_173 = arith.extui %ge3A_172 : i1 to i32
          %cond3A_174 = arith.constant 0 : i32
          %cond3A_175 = arith.cmpi ne, %convert_element_type3A_173, %cond3A_174 : i32
          scf.if %cond3A_175 {
            %dma_wait3A = arith.constant 0 : i32
            %dma_wait3A_226 = arith.constant 0 : i32
            %dma_wait3A_227 = arith.constant 0 : i32
            %dma_wait3A_228 = arith.constant 0 : i32
            %dma_wait3A_229 = tpu.memref_slice %arg13[%dma_wait3A, %dma_wait3A_227, %dma_wait3A_228] : memref<8x16x128xf32, #tpu.memory_space<vmem>> -> memref<1x16x128xf32, #tpu.memory_space<vmem>>
            %dma_wait3A_230 = tpu.memref_squeeze %dma_wait3A_229 : memref<1x16x128xf32, #tpu.memory_space<vmem>> -> memref<16x128xf32, #tpu.memory_space<vmem>>
            %dma_wait3A_231 = arith.constant 0 : i32
            %dma_wait3A_232 = tpu.memref_slice %arg14[%dma_wait3A_226, %dma_wait3A_231] : memref<8x16xi32, #tpu.memory_space<vmem>> -> memref<1x16xi32, #tpu.memory_space<vmem>>
            %dma_wait3A_233 = tpu.memref_squeeze %dma_wait3A_232 : memref<1x16xi32, #tpu.memory_space<vmem>> -> memref<16xi32, #tpu.memory_space<vmem>>
            %dma_wait3A_234 = arith.constant 0 : i32
            %dma_wait3A_235 = arith.constant 0 : i32
            %dma_wait3A_236 = tpu.memref_slice %arg5[%dma_wait3A_234, %dma_wait3A_235] : memref<16384x128xf32, #tpu.memory_space<hbm>> -> memref<16384x128xf32, #tpu.memory_space<hbm>>
            tpu.wait_indirect_dma semaphore(%arg17 : memref<!tpu.dma_semaphore, #tpu.memory_space<semaphore_mem>>) src(%dma_wait3A_230 : memref<16x128xf32, #tpu.memory_space<vmem>>) dst(%dma_wait3A_236 : memref<16384x128xf32, #tpu.memory_space<hbm>>)
          } else {
          }
          %get3A_176 = arith.constant 0 : index
          %get3A_177 = tpu.vector_load %arg11[%get3A_176] {strides = array<i32>} : memref<48xi32, #tpu.memory_space<vmem>>, vector<16xi32>,
          %get3A_178 = arith.constant 0 : index
          %get3A_179 = tpu.vector_load %arg12[%get3A_178] {strides = array<i32>} : memref<48xi32, #tpu.memory_space<vmem>>, vector<16xi32>,
          %iota3A_180 = tpu.iota {dimensions = array<i32: 0>} : vector<16xi32>
          %lt3A_181 = vector.broadcast %add3A_165 : i32 to vector<16xi32>
          %lt3A_182 = arith.cmpi slt, %iota3A_180, %lt3A_181 : vector<16xi32>
          %slice3A_183 = vector.extract_strided_slice %get3A_177 {offsets = [0], sizes = [1], strides = [1]} : vector<16xi32> to vector<1xi32>
          %squeeze3A_184 = vector.extract %slice3A_183[0] : i32 from vector<1xi32>
          %broadcast_in_dim3A = vector.broadcast %squeeze3A_184 : i32 to vector<16xi32>
          %select_n3A_185 = arith.select %lt3A_182, %get3A_177, %broadcast_in_dim3A : vector<16xi1>, vector<16xi32>
          %slice3A_186 = vector.extract_strided_slice %get3A_179 {offsets = [0], sizes = [1], strides = [1]} : vector<16xi32> to vector<1xi32>
          %squeeze3A_187 = vector.extract %slice3A_186[0] : i32 from vector<1xi32>
          %broadcast_in_dim3A_188 = vector.broadcast %squeeze3A_187 : i32 to vector<16xi32>
          %select_n3A_189 = arith.select %lt3A_182, %get3A_179, %broadcast_in_dim3A_188 : vector<16xi1>, vector<16xi32>
          %swap3A_190 = arith.index_cast %while3A_117 : i32 to index
          %swap3A_191 = arith.constant 0 : index
          %swap3A_192 = tpu.vector_load %arg14[%swap3A_190, %swap3A_191] {strides = array<i32>} : memref<8x16xi32, #tpu.memory_space<vmem>>, vector<16xi32>,
          tpu.vector_store %arg14[%swap3A_190, %swap3A_191], %select_n3A_189 {strides = array<i32>} : memref<8x16xi32, #tpu.memory_space<vmem>>, vector<16xi32>,
          %scan3A_193 = arith.constant 0 : i32
          %scan3A_194 = arith.constant 0 : i32
          %scan3A_195 = arith.constant 64 : i32
          %scan3A_196 = arith.addi %scan3A_194, %scan3A_195 : i32
          %scan3A_197 = arith.constant 1 : i32
          scf.for %scan3A_226 = %scan3A_194 to %scan3A_196 step %scan3A_197  : i32 {
            %broadcast_in_dim3A_227 = vector.broadcast %scan3A_226 : i32 to vector<16xi32>
            %gather3A = tpu.vector_load_idx %arg15[%broadcast_in_dim3A_227, %select_n3A_185] : memref<64x64xf32, #tpu.memory_space<vmem>>[vector<16xi32>, vector<16xi32>], vector<16xf32>,
            %broadcast_in_dim3A_228 = vector.broadcast %while3A_117 : i32 to vector<16xi32>
            %iota3A_229 = tpu.iota {dimensions = array<i32: 0>} : vector<16xi32>
            %broadcast_in_dim3A_230 = vector.broadcast %scan3A_226 : i32 to vector<16xi32>
            tpu.vector_store_idx %arg13[%broadcast_in_dim3A_228, %iota3A_229, %broadcast_in_dim3A_230], %gather3A : memref<8x16x128xf32, #tpu.memory_space<vmem>>[vector<16xi32>, vector<16xi32>, vector<16xi32>], vector<16xf32>,
          }
          %scan3A_198 = arith.constant 64 : i32
          %dma_start3A = arith.constant 0 : i32
          %dma_start3A_199 = arith.constant 0 : i32
          %dma_start3A_200 = tpu.memref_slice %arg13[%while3A_117, %dma_start3A, %dma_start3A_199] : memref<8x16x128xf32, #tpu.memory_space<vmem>> -> memref<1x16x128xf32, #tpu.memory_space<vmem>>
          %dma_start3A_201 = tpu.memref_squeeze %dma_start3A_200 : memref<1x16x128xf32, #tpu.memory_space<vmem>> -> memref<16x128xf32, #tpu.memory_space<vmem>>
          %dma_start3A_202 = arith.constant 0 : i32
          %dma_start3A_203 = tpu.memref_slice %arg14[%while3A_117, %dma_start3A_202] : memref<8x16xi32, #tpu.memory_space<vmem>> -> memref<1x16xi32, #tpu.memory_space<vmem>>
          %dma_start3A_204 = tpu.memref_squeeze %dma_start3A_203 : memref<1x16xi32, #tpu.memory_space<vmem>> -> memref<16xi32, #tpu.memory_space<vmem>>
          %dma_start3A_205 = arith.constant 0 : i32
          %dma_start3A_206 = arith.constant 0 : i32
          %dma_start3A_207 = tpu.memref_slice %arg5[%dma_start3A_205, %dma_start3A_206] : memref<16384x128xf32, #tpu.memory_space<hbm>> -> memref<16384x128xf32, #tpu.memory_space<hbm>>
          tpu.enqueue_indirect_dma source(%dma_start3A_201 : memref<16x128xf32, #tpu.memory_space<vmem>>) target(%dma_start3A_207 : memref<16384x128xf32, #tpu.memory_space<hbm>>) offsets(%dma_start3A_204 : memref<16xi32, #tpu.memory_space<vmem>>) semaphore(%arg17 : memref<!tpu.dma_semaphore, #tpu.memory_space<semaphore_mem>>)
          %get3A_208 = arith.constant 16 : index
          %get3A_209 = tpu.vector_load %arg11[%get3A_208] {strides = array<i32>} : memref<48xi32, #tpu.memory_space<vmem>>, vector<16xi32>,
          %swap3A_210 = arith.constant 0 : index
          %swap3A_211 = tpu.vector_load %arg11[%swap3A_210] {strides = array<i32>} : memref<48xi32, #tpu.memory_space<vmem>>, vector<16xi32>,
          tpu.vector_store %arg11[%swap3A_210], %get3A_209 {strides = array<i32>} : memref<48xi32, #tpu.memory_space<vmem>>, vector<16xi32>,
          %get3A_212 = arith.constant 16 : index
          %get3A_213 = tpu.vector_load %arg12[%get3A_212] {strides = array<i32>} : memref<48xi32, #tpu.memory_space<vmem>>, vector<16xi32>,
          %swap3A_214 = arith.constant 0 : index
          %swap3A_215 = tpu.vector_load %arg12[%swap3A_214] {strides = array<i32>} : memref<48xi32, #tpu.memory_space<vmem>>, vector<16xi32>,
          tpu.vector_store %arg12[%swap3A_214], %get3A_213 {strides = array<i32>} : memref<48xi32, #tpu.memory_space<vmem>>, vector<16xi32>,
          %sub3A_216 = arith.constant 16 : i32
          %sub3A_217 = arith.subi %add3A_165, %sub3A_216 : i32
          %max3A = arith.constant 0 : i32
          %max3A_218 = arith.maxsi %sub3A_217, %max3A : i32
          %add3A_219 = arith.constant 1 : i32
          %add3A_220 = arith.addi %while3A_117, %add3A_219 : i32
          %and3A_221 = arith.constant 7 : i32
          %and3A_222 = arith.andi %add3A_220, %and3A_221 : i32
          %add3A_223 = arith.constant 1 : i32
          %add3A_224 = arith.addi %while3A_118, %add3A_223 : i32
          %min3A = arith.constant 8 : i32
          %min3A_225 = arith.minsi %add3A_224, %min3A : i32
          scf.yield %max3A_218, %and3A_222, %min3A_225 : i32, i32, i32
        } else {
          scf.yield %add3A_165, %while3A_117, %while3A_118 : i32, i32, i32
        }
        scf.yield %cond3A_170#0, %cond3A_170#1, %cond3A_170#2 : i32, i32, i32
      }
      %gt3A_109 = arith.constant 0 : i32
      %gt3A_110 = arith.cmpi sgt, %while3A_108#0, %gt3A_109 : i32
      %convert_element_type3A_111 = arith.extui %gt3A_110 : i1 to i32
      %cond3A_112 = arith.constant 0 : i32
      %cond3A_113 = arith.cmpi ne, %convert_element_type3A_111, %cond3A_112 : i32
      %cond3A_114:3 = scf.if %cond3A_113 -> (i32, i32, i32) {
        %ge3A = arith.constant 8 : i32
        %ge3A_115 = arith.cmpi sge, %while3A_108#2, %ge3A : i32
        %convert_element_type3A_116 = arith.extui %ge3A_115 : i1 to i32
        %cond3A_117 = arith.constant 0 : i32
        %cond3A_118 = arith.cmpi ne, %convert_element_type3A_116, %cond3A_117 : i32
        scf.if %cond3A_118 {
          %dma_wait3A = arith.constant 0 : i32
          %dma_wait3A_163 = arith.constant 0 : i32
          %dma_wait3A_164 = arith.constant 0 : i32
          %dma_wait3A_165 = arith.constant 0 : i32
          %dma_wait3A_166 = tpu.memref_slice %arg13[%dma_wait3A, %dma_wait3A_164, %dma_wait3A_165] : memref<8x16x128xf32, #tpu.memory_space<vmem>> -> memref<1x16x128xf32, #tpu.memory_space<vmem>>
          %dma_wait3A_167 = tpu.memref_squeeze %dma_wait3A_166 : memref<1x16x128xf32, #tpu.memory_space<vmem>> -> memref<16x128xf32, #tpu.memory_space<vmem>>
          %dma_wait3A_168 = arith.constant 0 : i32
          %dma_wait3A_169 = tpu.memref_slice %arg14[%dma_wait3A_163, %dma_wait3A_168] : memref<8x16xi32, #tpu.memory_space<vmem>> -> memref<1x16xi32, #tpu.memory_space<vmem>>
          %dma_wait3A_170 = tpu.memref_squeeze %dma_wait3A_169 : memref<1x16xi32, #tpu.memory_space<vmem>> -> memref<16xi32, #tpu.memory_space<vmem>>
          %dma_wait3A_171 = arith.constant 0 : i32
          %dma_wait3A_172 = arith.constant 0 : i32
          %dma_wait3A_173 = tpu.memref_slice %arg5[%dma_wait3A_171, %dma_wait3A_172] : memref<16384x128xf32, #tpu.memory_space<hbm>> -> memref<16384x128xf32, #tpu.memory_space<hbm>>
          tpu.wait_indirect_dma semaphore(%arg17 : memref<!tpu.dma_semaphore, #tpu.memory_space<semaphore_mem>>) src(%dma_wait3A_167 : memref<16x128xf32, #tpu.memory_space<vmem>>) dst(%dma_wait3A_173 : memref<16384x128xf32, #tpu.memory_space<hbm>>)
        } else {
        }
        %get3A = arith.constant 0 : index
        %get3A_119 = tpu.vector_load %arg11[%get3A] {strides = array<i32>} : memref<48xi32, #tpu.memory_space<vmem>>, vector<16xi32>,
        %get3A_120 = arith.constant 0 : index
        %get3A_121 = tpu.vector_load %arg12[%get3A_120] {strides = array<i32>} : memref<48xi32, #tpu.memory_space<vmem>>, vector<16xi32>,
        %iota3A = tpu.iota {dimensions = array<i32: 0>} : vector<16xi32>
        %lt3A = vector.broadcast %while3A_108#0 : i32 to vector<16xi32>
        %lt3A_122 = arith.cmpi slt, %iota3A, %lt3A : vector<16xi32>
        %slice3A = vector.extract_strided_slice %get3A_119 {offsets = [0], sizes = [1], strides = [1]} : vector<16xi32> to vector<1xi32>
        %squeeze3A = vector.extract %slice3A[0] : i32 from vector<1xi32>
        %broadcast_in_dim3A = vector.broadcast %squeeze3A : i32 to vector<16xi32>
        %select_n3A_123 = arith.select %lt3A_122, %get3A_119, %broadcast_in_dim3A : vector<16xi1>, vector<16xi32>
        %slice3A_124 = vector.extract_strided_slice %get3A_121 {offsets = [0], sizes = [1], strides = [1]} : vector<16xi32> to vector<1xi32>
        %squeeze3A_125 = vector.extract %slice3A_124[0] : i32 from vector<1xi32>
        %broadcast_in_dim3A_126 = vector.broadcast %squeeze3A_125 : i32 to vector<16xi32>
        %select_n3A_127 = arith.select %lt3A_122, %get3A_121, %broadcast_in_dim3A_126 : vector<16xi1>, vector<16xi32>
        %swap3A = arith.index_cast %while3A_108#1 : i32 to index
        %swap3A_128 = arith.constant 0 : index
        %swap3A_129 = tpu.vector_load %arg14[%swap3A, %swap3A_128] {strides = array<i32>} : memref<8x16xi32, #tpu.memory_space<vmem>>, vector<16xi32>,
        tpu.vector_store %arg14[%swap3A, %swap3A_128], %select_n3A_127 {strides = array<i32>} : memref<8x16xi32, #tpu.memory_space<vmem>>, vector<16xi32>,
        %scan3A_130 = arith.constant 0 : i32
        %scan3A_131 = arith.constant 0 : i32
        %scan3A_132 = arith.constant 64 : i32
        %scan3A_133 = arith.addi %scan3A_131, %scan3A_132 : i32
        %scan3A_134 = arith.constant 1 : i32
        scf.for %scan3A_163 = %scan3A_131 to %scan3A_133 step %scan3A_134  : i32 {
          %broadcast_in_dim3A_164 = vector.broadcast %scan3A_163 : i32 to vector<16xi32>
          %gather3A = tpu.vector_load_idx %arg15[%broadcast_in_dim3A_164, %select_n3A_123] : memref<64x64xf32, #tpu.memory_space<vmem>>[vector<16xi32>, vector<16xi32>], vector<16xf32>,
          %broadcast_in_dim3A_165 = vector.broadcast %while3A_108#1 : i32 to vector<16xi32>
          %iota3A_166 = tpu.iota {dimensions = array<i32: 0>} : vector<16xi32>
          %broadcast_in_dim3A_167 = vector.broadcast %scan3A_163 : i32 to vector<16xi32>
          tpu.vector_store_idx %arg13[%broadcast_in_dim3A_165, %iota3A_166, %broadcast_in_dim3A_167], %gather3A : memref<8x16x128xf32, #tpu.memory_space<vmem>>[vector<16xi32>, vector<16xi32>, vector<16xi32>], vector<16xf32>,
        }
        %scan3A_135 = arith.constant 64 : i32
        %dma_start3A = arith.constant 0 : i32
        %dma_start3A_136 = arith.constant 0 : i32
        %dma_start3A_137 = tpu.memref_slice %arg13[%while3A_108#1, %dma_start3A, %dma_start3A_136] : memref<8x16x128xf32, #tpu.memory_space<vmem>> -> memref<1x16x128xf32, #tpu.memory_space<vmem>>
        %dma_start3A_138 = tpu.memref_squeeze %dma_start3A_137 : memref<1x16x128xf32, #tpu.memory_space<vmem>> -> memref<16x128xf32, #tpu.memory_space<vmem>>
        %dma_start3A_139 = arith.constant 0 : i32
        %dma_start3A_140 = tpu.memref_slice %arg14[%while3A_108#1, %dma_start3A_139] : memref<8x16xi32, #tpu.memory_space<vmem>> -> memref<1x16xi32, #tpu.memory_space<vmem>>
        %dma_start3A_141 = tpu.memref_squeeze %dma_start3A_140 : memref<1x16xi32, #tpu.memory_space<vmem>> -> memref<16xi32, #tpu.memory_space<vmem>>
        %dma_start3A_142 = arith.constant 0 : i32
        %dma_start3A_143 = arith.constant 0 : i32
        %dma_start3A_144 = tpu.memref_slice %arg5[%dma_start3A_142, %dma_start3A_143] : memref<16384x128xf32, #tpu.memory_space<hbm>> -> memref<16384x128xf32, #tpu.memory_space<hbm>>
        tpu.enqueue_indirect_dma source(%dma_start3A_138 : memref<16x128xf32, #tpu.memory_space<vmem>>) target(%dma_start3A_144 : memref<16384x128xf32, #tpu.memory_space<hbm>>) offsets(%dma_start3A_141 : memref<16xi32, #tpu.memory_space<vmem>>) semaphore(%arg17 : memref<!tpu.dma_semaphore, #tpu.memory_space<semaphore_mem>>)
        %get3A_145 = arith.constant 16 : index
        %get3A_146 = tpu.vector_load %arg11[%get3A_145] {strides = array<i32>} : memref<48xi32, #tpu.memory_space<vmem>>, vector<16xi32>,
        %swap3A_147 = arith.constant 0 : index
        %swap3A_148 = tpu.vector_load %arg11[%swap3A_147] {strides = array<i32>} : memref<48xi32, #tpu.memory_space<vmem>>, vector<16xi32>,
        tpu.vector_store %arg11[%swap3A_147], %get3A_146 {strides = array<i32>} : memref<48xi32, #tpu.memory_space<vmem>>, vector<16xi32>,
        %get3A_149 = arith.constant 16 : index
        %get3A_150 = tpu.vector_load %arg12[%get3A_149] {strides = array<i32>} : memref<48xi32, #tpu.memory_space<vmem>>, vector<16xi32>,
        %swap3A_151 = arith.constant 0 : index
        %swap3A_152 = tpu.vector_load %arg12[%swap3A_151] {strides = array<i32>} : memref<48xi32, #tpu.memory_space<vmem>>, vector<16xi32>,
        tpu.vector_store %arg12[%swap3A_151], %get3A_150 {strides = array<i32>} : memref<48xi32, #tpu.memory_space<vmem>>, vector<16xi32>,
        %sub3A_153 = arith.constant 16 : i32
        %sub3A_154 = arith.subi %while3A_108#0, %sub3A_153 : i32
        %max3A = arith.constant 0 : i32
        %max3A_155 = arith.maxsi %sub3A_154, %max3A : i32
        %add3A_156 = arith.constant 1 : i32
        %add3A_157 = arith.addi %while3A_108#1, %add3A_156 : i32
        %and3A_158 = arith.constant 7 : i32
        %and3A_159 = arith.andi %add3A_157, %and3A_158 : i32
        %add3A_160 = arith.constant 1 : i32
        %add3A_161 = arith.addi %while3A_108#2, %add3A_160 : i32
        %min3A = arith.constant 8 : i32
        %min3A_162 = arith.minsi %add3A_161, %min3A : i32
        scf.yield %max3A_155, %and3A_159, %min3A_162 : i32, i32, i32
      } else {
        scf.yield %while3A_108#0, %while3A_108#1, %while3A_108#2 : i32, i32, i32
      }
      scf.yield %cond3A_114#1, %cond3A_114#2 : i32, i32
    } else {
      scf.yield %while3A_73#0, %while3A_73#1 : i32, i32
    }
    %while3A_84 = arith.constant 0 : i32
    %while3A_85 = arith.constant 0 : i32
    %while3A_86 = arith.subi %cond3A_83#1, %while3A_85 : i32
    %while3A_87 = arith.addi %while3A_85, %while3A_86 : i32
    %while3A_88 = arith.constant 1 : i32
    %while3A_89 = arith.divsi %while3A_86, %while3A_88 : i32
    %while3A_90 = arith.muli %while3A_89, %while3A_88 : i32
    %while3A_91 = arith.addi %while3A_85, %while3A_90 : i32
    %while3A_92 = arith.constant 1 : i32
    scf.for %while3A_94 = %while3A_85 to %while3A_91 step %while3A_92  : i32 {
      %dma_wait3A = arith.constant 0 : i32
      %dma_wait3A_95 = arith.constant 0 : i32
      %dma_wait3A_96 = arith.constant 0 : i32
      %dma_wait3A_97 = arith.constant 0 : i32
      %dma_wait3A_98 = tpu.memref_slice %arg13[%dma_wait3A, %dma_wait3A_96, %dma_wait3A_97] : memref<8x16x128xf32, #tpu.memory_space<vmem>> -> memref<1x16x128xf32, #tpu.memory_space<vmem>>
      %dma_wait3A_99 = tpu.memref_squeeze %dma_wait3A_98 : memref<1x16x128xf32, #tpu.memory_space<vmem>> -> memref<16x128xf32, #tpu.memory_space<vmem>>
      %dma_wait3A_100 = arith.constant 0 : i32
      %dma_wait3A_101 = tpu.memref_slice %arg14[%dma_wait3A_95, %dma_wait3A_100] : memref<8x16xi32, #tpu.memory_space<vmem>> -> memref<1x16xi32, #tpu.memory_space<vmem>>
      %dma_wait3A_102 = tpu.memref_squeeze %dma_wait3A_101 : memref<1x16xi32, #tpu.memory_space<vmem>> -> memref<16xi32, #tpu.memory_space<vmem>>
      %dma_wait3A_103 = arith.constant 0 : i32
      %dma_wait3A_104 = arith.constant 0 : i32
      %dma_wait3A_105 = tpu.memref_slice %arg5[%dma_wait3A_103, %dma_wait3A_104] : memref<16384x128xf32, #tpu.memory_space<hbm>> -> memref<16384x128xf32, #tpu.memory_space<hbm>>
      tpu.wait_indirect_dma semaphore(%arg17 : memref<!tpu.dma_semaphore, #tpu.memory_space<semaphore_mem>>) src(%dma_wait3A_99 : memref<16x128xf32, #tpu.memory_space<vmem>>) dst(%dma_wait3A_105 : memref<16384x128xf32, #tpu.memory_space<hbm>>)
    }
    %while3A_93 = arith.constant 1 : i32
    scf.for %while3A_94 = %while3A_91 to %while3A_87 step %while3A_93  : i32 {
      %dma_wait3A = arith.constant 0 : i32
      %dma_wait3A_95 = arith.constant 0 : i32
      %dma_wait3A_96 = arith.constant 0 : i32
      %dma_wait3A_97 = arith.constant 0 : i32
      %dma_wait3A_98 = tpu.memref_slice %arg13[%dma_wait3A, %dma_wait3A_96, %dma_wait3A_97] : memref<8x16x128xf32, #tpu.memory_space<vmem>> -> memref<1x16x128xf32, #tpu.memory_space<vmem>>
      %dma_wait3A_99 = tpu.memref_squeeze %dma_wait3A_98 : memref<1x16x128xf32, #tpu.memory_space<vmem>> -> memref<16x128xf32, #tpu.memory_space<vmem>>
      %dma_wait3A_100 = arith.constant 0 : i32
      %dma_wait3A_101 = tpu.memref_slice %arg14[%dma_wait3A_95, %dma_wait3A_100] : memref<8x16xi32, #tpu.memory_space<vmem>> -> memref<1x16xi32, #tpu.memory_space<vmem>>
      %dma_wait3A_102 = tpu.memref_squeeze %dma_wait3A_101 : memref<1x16xi32, #tpu.memory_space<vmem>> -> memref<16xi32, #tpu.memory_space<vmem>>
      %dma_wait3A_103 = arith.constant 0 : i32
      %dma_wait3A_104 = arith.constant 0 : i32
      %dma_wait3A_105 = tpu.memref_slice %arg5[%dma_wait3A_103, %dma_wait3A_104] : memref<16384x128xf32, #tpu.memory_space<hbm>> -> memref<16384x128xf32, #tpu.memory_space<hbm>>
      tpu.wait_indirect_dma semaphore(%arg17 : memref<!tpu.dma_semaphore, #tpu.memory_space<semaphore_mem>>) src(%dma_wait3A_99 : memref<16x128xf32, #tpu.memory_space<vmem>>) dst(%dma_wait3A_105 : memref<16384x128xf32, #tpu.memory_space<hbm>>)
    }
    return
  }
}

module attributes {stable_mosaic.version = 14 : i64} {
  func.func @_tc_paper_body(%arg0: i32, %arg1: memref<2048x128xf32, #tpu.memory_space<vmem>>, %arg2: memref<128x64xf32, #tpu.memory_space<vmem>>, %arg3: memref<64x2048xf32, #tpu.memory_space<vmem>>) attributes {dimension_semantics = [#tpu.dimension_semantics<arbitrary>], iteration_bounds = array<i64: 8>, scalar_prefetch = 0 : i64, scratch_operands = 0 : i64, tpu.core_type = #tpu.core_type<tc>, window_params = [{transform_indices = @transform_0, window_bounds = array<i64: 2048, 128>}, {pipeline_mode = #tpu.pipeline_mode<synchronous>, transform_indices = @transform_1, window_bounds = array<i64: 128, 64>}, {transform_indices = @transform_2, window_bounds = array<i64: 64, 2048>}]} {
    %get3A = arith.constant 0 : index
    %get3A_0 = arith.constant 0 : index
    %get3A_1 = vector.load %arg2[%get3A, %get3A_0] : memref<128x64xf32, #tpu.memory_space<vmem>>, vector<128x64xf32>
    %get3A_2 = arith.constant 0 : index
    %get3A_3 = arith.constant 0 : index
    %get3A_4 = vector.load %arg1[%get3A_2, %get3A_3] : memref<2048x128xf32, #tpu.memory_space<vmem>>, vector<2048x128xf32>
    %dot_general3A = arith.constant dense<0.000000e+00> : vector<64x2048xf32>
    %dot_general3A_5 = tpu.matmul %get3A_1, %get3A_4, %dot_general3A {dimension_numbers = #tpu.dot_dimension_numbers<[0], [1], [1], [0], [0, 1, 1, 0], [], []>, transpose_lhs_hint = false} : vector<128x64xf32>, vector<2048x128xf32>, vector<64x2048xf32> -> vector<64x2048xf32>
    %swap3A = arith.constant 0 : index
    %swap3A_6 = arith.constant 0 : index
    %swap3A_7 = vector.load %arg3[%swap3A, %swap3A_6] : memref<64x2048xf32, #tpu.memory_space<vmem>>, vector<64x2048xf32>
    tpu.vector_store %arg3[%swap3A, %swap3A_6], %dot_general3A_5 {strides = array<i32>} : memref<64x2048xf32, #tpu.memory_space<vmem>>, vector<64x2048xf32>,
    return
  }
  func.func @transform_0(%arg0: i32) -> (i32, i32) {
    %c0_i32 = arith.constant 0 : i32
    %c0_i32_0 = arith.constant 0 : i32
    return %arg0, %c0_i32 : i32, i32
  }
  func.func @transform_1(%arg0: i32) -> (i32, i32) {
    %c0_i32 = arith.constant 0 : i32
    %c0_i32_0 = arith.constant 0 : i32
    %c0_i32_1 = arith.constant 0 : i32
    return %c0_i32, %c0_i32_0 : i32, i32
  }
  func.func @transform_2(%arg0: i32) -> (i32, i32) {
    %c0_i32 = arith.constant 0 : i32
    %c0_i32_0 = arith.constant 0 : i32
    return %c0_i32, %arg0 : i32, i32
  }
}

module attributes {stable_mosaic.version = 14 : i64} {
  func.func @_tc_author_body(%arg0: i32, %arg1: memref<2048x128xf32, #tpu.memory_space<vmem>>, %arg2: memref<64x64xf32, #tpu.memory_space<vmem>>, %arg3: memref<64x2048xf32, #tpu.memory_space<vmem>>) attributes {dimension_semantics = [#tpu.dimension_semantics<arbitrary>], iteration_bounds = array<i64: 8>, scalar_prefetch = 0 : i64, scratch_operands = 0 : i64, tpu.core_type = #tpu.core_type<tc>, window_params = [{transform_indices = @transform_0, window_bounds = array<i64: 2048, 128>}, {pipeline_mode = #tpu.pipeline_mode<synchronous>, transform_indices = @transform_1, window_bounds = array<i64: 64, 64>}, {transform_indices = @transform_2, window_bounds = array<i64: 64, 2048>}]} {
    %get3A = arith.constant 0 : index
    %get3A_0 = arith.constant 0 : index
    %get3A_1 = vector.load %arg1[%get3A, %get3A_0] : memref<2048x128xf32, #tpu.memory_space<vmem>>, vector<2048x128xf32>
    %slice3A = vector.extract_strided_slice %get3A_1 {offsets = [0, 0], sizes = [2048, 64], strides = [1, 1]} : vector<2048x128xf32> to vector<2048x64xf32>
    %get3A_2 = arith.constant 0 : index
    %get3A_3 = arith.constant 0 : index
    %get3A_4 = vector.load %arg2[%get3A_2, %get3A_3] : memref<64x64xf32, #tpu.memory_space<vmem>>, vector<64x64xf32>
    %dot_general3A = arith.constant dense<0.000000e+00> : vector<64x2048xf32>
    %dot_general3A_5 = tpu.matmul %get3A_4, %slice3A, %dot_general3A {dimension_numbers = #tpu.dot_dimension_numbers<[0], [1], [1], [0], [0, 1, 1, 0], [], []>, transpose_lhs_hint = false} : vector<64x64xf32>, vector<2048x64xf32>, vector<64x2048xf32> -> vector<64x2048xf32>
    %swap3A = arith.constant 0 : index
    %swap3A_6 = arith.constant 0 : index
    %swap3A_7 = vector.load %arg3[%swap3A, %swap3A_6] : memref<64x2048xf32, #tpu.memory_space<vmem>>, vector<64x2048xf32>
    tpu.vector_store %arg3[%swap3A, %swap3A_6], %dot_general3A_5 {strides = array<i32>} : memref<64x2048xf32, #tpu.memory_space<vmem>>, vector<64x2048xf32>,
    return
  }
  func.func @transform_0(%arg0: i32) -> (i32, i32) {
    %c0_i32 = arith.constant 0 : i32
    %c0_i32_0 = arith.constant 0 : i32
    return %arg0, %c0_i32 : i32, i32
  }
  func.func @transform_1(%arg0: i32) -> (i32, i32) {
    %c0_i32 = arith.constant 0 : i32
    %c0_i32_0 = arith.constant 0 : i32
    %c0_i32_1 = arith.constant 0 : i32
    return %c0_i32, %c0_i32_0 : i32, i32
  }
  func.func @transform_2(%arg0: i32) -> (i32, i32) {
    %c0_i32 = arith.constant 0 : i32
    %c0_i32_0 = arith.constant 0 : i32
    return %c0_i32, %arg0 : i32, i32
  }
}

</mosaic_0001>

<sc_bundles>
// kernel: kernel.5.cloned.1.call-start
scs
__scs_entry_jumppad:
0x0: {  	(pc) =	sbr.rel $0x88, $3  }
0x1: {  	(tag) =	ssettag $0x0;
	lr =	simm.s32 $0x1  }
0x2: {  	[smem:$0x3F9C] =	sst lr;
	_ =	strace $0xD0000000  }
0x3: {  	_ = 	snop  }
0x4: {  	_ = 	snop  }
0x5: {  	_ = 	snop  }
0x6: {  	_ = 	snop  }
0x7: {  	_ = 	snop  }
__scs_overlays_trampoline_lowered:
0x8: {  	[smem:$0x3FAB] =	sst s0  }
0x9: {  	[smem:$0x3FAC] =	sst s1  }
0xa: {  	[smem:$0x3FAD] =	sst s2  }
0xb: {  	[smem:$0x3FAE] =	sst s3  }
0xc: {  	[smem:$0x3FAF] =	sst s4  }
0xd: {  	[smem:$0x3FB0] =	sst s5  }
0xe: {  	[smem:$0x3FB1] =	sst s6  }
0xf: {  	[smem:$0x3FB2] =	sst s7  }
0x10: {  	[smem:$0x3FB3] =	sst s8  }
0x11: {  	[smem:$0x3FB4] =	sst s9;
	s0 =	simm.s32 @!p0 $0x0  }
0x12: {  	s1 =	sld [smem:$0x3F9A];
	s0 =	simm.s32 @p0 $0x1  }
0x13: {  	[smem:$0x3FB5] =	sst s0;
	s0 =	simm.s32 @!p1 $0x0  }
0x14: {  	s2 =	sld [smem:$0x3F99];
	s0 =	simm.s32 @p1 $0x1  }
0x15: {  	[smem:$0x3FB6] =	sst s0;
	s0 =	simm.s32 @!p2 $0x0  }
0x16: {  	s3 =	sld [smem:$0x3FDB];
	s0 =	simm.s32 @p2 $0x1  }
0x17: {  	s4 =	simm.s32 $0x1BF5;
	[smem:$0x3FB8] =	sst s0  }
0x18: {  	s0 =	sld [smem:$0x3F9B];
	_ =	swait.ge [sflag:s4], $0x0  }
0x19: {  	s7 =	sld [smem:$0x3F9C]  }
0x1a: {  	s8 =	sadd.s32 $0xFFFFE003, lr  }
0x1b: {  	s9 =	sadd.s32 $0xFFFFFEF7, lr;
	s5 =	simm.s32 $0xFFFFFFFF;
	p2 =	slt.u32 s8, $0xFFFFF086  }
0x1c: {  	p1 =	slt.u32 s9, $0xF7A;
	s5 =	simm.s32 @!p2 $0x0  }
0x1d: {  	s5 =	simm.s32 @p1 $0x1;
	p0 =	seq.s32 s7, s2  }
0x1e: {  	s7 =	smul.u32 @!p0 $0xF7A, s2;
	p2 =	seq.s32 @!p0 s5, $0x0  }
0x1f: {  	s9 =	smul.u32 $0xF7A, s1;
	s8 =	simm.s32 @!p0 $0x1BF5;
	p2 =	por !p2, p0  }
0x20: {  	[sflag:s8] =	ssyncset.s32 @!p0 $0xFFFFF086;
	s6 =	sadd.s32 @!p0 s3, s7;
	s7 =	simm.s32 @!p0 $0x108  }
0x21: {  	s3 =	sadd.s32 s3, s9;
	s6 =	sadd.s32 @!p0 $0x88, s6;
	s7 =	simm.s32 @p2 $0x1082  }
0x22: {  	[simem:s7], [sflag:s8] =	dma.local @!p0 [hbm:s6], $0xF7A  }
0x23: {  	s9 =	sor.u32 $0xD0000000, s2;
	s6 =	simm.s32 $0x108;
	_ =	swait.ge @!p0 [sflag:s8], $0x0  }
0x24: {  	s3 =	sadd.s32 $0x88, s3;
	s6 =	simm.s32 @!p1 $0x1082;
	[sflag:s4] =	ssyncset.s32 $0xFFFFF086  }
0x25: {  	[simem:s6], [sflag:s4] =	dma.local [hbm:s3], $0xF7A  }
0x26: {  	[smem:$0x3F9C] =	sst s1;
	(tag) =	ssettag s2;
	_ =	strace s9  }
0x27: {  	s1 =	sld [smem:$0x3FAC]  }
0x28: {  	s2 =	sld [smem:$0x3FAD]  }
0x29: {  	s4 =	sld [smem:$0x3FAF]  }
0x2a: {  	p0 =	seq.s32 s5, $0x0;
	s5 =	sld [smem:$0x3FB0]  }
0x2b: {  	s6 =	sld [smem:$0x3FB1]  }
0x2c: {  	s7 =	sld [smem:$0x3FB2]  }
0x2d: {  	s3 =	simm.s32 $0x108;
	s8 =	sld [smem:$0x3FB3]  }
0x2e: {  	s3 =	simm.s32 @!p0 $0x1082;
	s9 =	sld [smem:$0x3FB4]  }
0x2f: {  	lr =	sadd.s32 s0, s3;
	s0 =	sld [smem:$0x3FAB]  }
0x30: {  	s3 =	sld [smem:$0x3FAE]  }
0x31: {  	[smem:$0x3FB7] =	sst s10  }
0x32: {  	s10 =	sld [smem:$0x3FB5];
	_ =	sdelay $0x3  }
0x33: {  	p0 =	seq.s32 s10, $0x1;
	s10 =	sld [smem:$0x3FB7];
	_ =	sdelay $0x3  }
0x34: {  	[smem:$0x3FB7] =	sst s10  }
0x35: {  	s10 =	sld [smem:$0x3FB6];
	_ =	sdelay $0x3  }
0x36: {  	p1 =	seq.s32 s10, $0x1;
	s10 =	sld [smem:$0x3FB7];
	_ =	sdelay $0x3  }
0x37: {  	[smem:$0x3FB7] =	sst s10  }
0x38: {  	s10 =	sld [smem:$0x3FB8]  }
0x39: {  	_ = 	snop;
	(pc) =	sbr.ind lr, $3  }
0x3a: {  	_ = 	snop  }
0x3b: {  	_ = 	snop  }
0x3c: {  	p2 =	seq.s32 s10, $0x1;
	s10 =	sld [smem:$0x3FB7]  }
0x3d: {  	_ =	shalt  }
0x3e: {  	_ =	shalt  }
0x3f: {  	_ =	shalt  }
0x40: {  	_ =	shalt  }
0x41: {  	_ =	shalt  }
0x42: {  	_ =	shalt  }
0x43: {  	_ =	shalt  }
0x44: {  	_ =	shalt  }
0x45: {  	_ =	shalt  }
0x46: {  	_ =	shalt  }
0x47: {  	_ =	shalt  }
0x48: {  	_ =	shalt  }
0x49: {  	_ =	shalt  }
0x4a: {  	_ =	shalt  }
0x4b: {  	_ =	shalt  }
0x4c: {  	_ =	shalt  }
0x4d: {  	_ =	shalt  }
0x4e: {  	_ =	shalt  }
0x4f: {  	_ =	shalt  }
0x50: {  	_ =	shalt  }
0x51: {  	_ =	shalt  }
0x52: {  	_ =	shalt  }
0x53: {  	_ =	shalt  }
0x54: {  	_ =	shalt  }
0x55: {  	_ =	shalt  }
0x56: {  	_ =	shalt  }
0x57: {  	_ =	shalt  }
0x58: {  	_ =	shalt  }
0x59: {  	_ =	shalt  }
0x5a: {  	_ =	shalt  }
0x5b: {  	_ =	shalt  }
0x5c: {  	_ =	shalt  }
0x5d: {  	_ =	shalt  }
0x5e: {  	_ =	shalt  }
0x5f: {  	_ =	shalt  }
0x60: {  	_ =	shalt  }
0x61: {  	_ =	shalt  }
0x62: {  	_ =	shalt  }
0x63: {  	_ =	shalt  }
0x64: {  	_ =	shalt  }
0x65: {  	_ =	shalt  }
0x66: {  	_ =	shalt  }
0x67: {  	_ =	shalt  }
0x68: {  	_ =	shalt  }
0x69: {  	_ =	shalt  }
0x6a: {  	_ =	shalt  }
0x6b: {  	_ =	shalt  }
0x6c: {  	_ =	shalt  }
0x6d: {  	_ =	shalt  }
0x6e: {  	_ =	shalt  }
0x6f: {  	_ =	shalt  }
0x70: {  	_ =	shalt  }
0x71: {  	_ =	shalt  }
0x72: {  	_ =	shalt  }
0x73: {  	_ =	shalt  }
0x74: {  	_ =	shalt  }
0x75: {  	_ =	shalt  }
0x76: {  	_ =	shalt  }
0x77: {  	_ =	shalt  }
0x78: {  	_ =	shalt  }
0x79: {  	_ =	shalt  }
0x7a: {  	_ =	shalt  }
0x7b: {  	_ =	shalt  }
0x7c: {  	_ =	shalt  }
0x7d: {  	_ =	shalt  }
0x7e: {  	_ =	shalt  }
0x7f: {  	_ =	shalt  }
0x80: {  	_ =	shalt  }
0x81: {  	_ =	shalt  }
0x82: {  	_ =	shalt  }
0x83: {  	_ =	shalt  }
0x84: {  	_ =	shalt  }
0x85: {  	_ =	shalt  }
0x86: {  	_ =	shalt  }
0x87: {  	_ =	shalt  }
.Lfunc_end0:
.L_simem_size_0:
called_computation_lowered:
.L_overlay_start_0:
0x88: {  	s2 =	sld [smem:$0x3FD9]  }
0x89: {  	s3 =	sld [smem:$0x3FFE];
	_ =	sdelay $0x1  }
0x8a: {  	s1 =	srdreg.scid  }
0x8b: {  	s0 =	sand.u32 $0x1, s1  }
0x8c: {  	s14 =	sshll.u32 s0, $0xA;
	s2 =	sadd.s32 s3, s2  }
0x8d: {  	s2 =	sadd.s32 s2, s14  }
0x8e: {  	[smem:$0x3FC3] =	sst s2  }
0x8f: {  	_ = 	snop  }
0x90: {  	s2 =	sld [smem:$0x3FD0];
	_ =	sdelay $0x1  }
0x91: {  	s15 =	sld [smem:$0x3FC8]  }
0x92: {  	s5 =	simm.s32 $0xA;
	s6 =	simm.s32 $0x10;
	s4 =	sld [smem:$0x3FC6]  }
0x93: {  	[smem:s6], [sflag:s5] =	dma.local [hbm:s2], $0x1  }
0x94: {  	_ =	swait.eq [sflag:s5], $0x1  }
0x95: {  	[sflag:s5] =	ssyncset.done $0x0  }
0x96: {  	[sflag:s5] =	ssyncadd.s32 $0xFFFFFFFF  }
0x97: {  	s16 =	sld [smem:$0x11];
	(tm) =	ssettm $0x1  }
0x98: {  	s17 =	sld [smem:$0x3FFB];
	_ =	sdelay $0x3  }
0x99: {  	_ =	strace s17  }
0x9a: {  	s5 =	sld [smem:$0x3FFC];
	_ =	sdelay $0x3  }
0x9b: {  	_ =	strace s5  }
0x9c: {  	s5 =	sld [smem:$0x3FFD];
	_ =	sdelay $0x3  }
0x9d: {  	_ =	strace s5  }
0x9e: {  	_ =	strace $0x8FFFFFFF  }
0x9f: {  	s18 =	sld [smem:$0x3FDB];
	_ =	sdelay $0x1  }
0xa0: {  	s19 =	simm.s32 $_scs_section_size  }
0xa1: {  	s7 =	simm.s32 $_size__tile_overlayer_lowered;
	s8 =	simm.s32 $_tile_overlayer_lowered  }
0xa2: {  	s22 =	simm.s32 $0x1BFF;
	s21 =	sshll.u32 s8, $0x1;
	s5 =	sadd.s32 s19, s18  }
0xa3: {  	s9 =	simm.s32 $0x0;
	s20 =	sshll.u32 s7, $0x1;
	s7 =	sadd.s32 s21, s5  }
0xa4: {  	[timem:s9], [sflag:s22] =	dma.local [hbm:s7], s20  }
0xa5: {  	_ =	swait.ge [sflag:s22], s20  }
0xa6: {  	s6 =	ssub.s32 $0x0, s20;
	[sflag:s22] =	ssyncset.done $0x0  }
0xa7: {  	[sflag:s22] =	ssyncadd.s32 s6;
	_ =	sdelay $0x1  }
0xa8: {  	s23 =	simm.s32 $0x1B8B  }
0xa9: {  	_ =	swait.ge [sflag:s23], $0x1  }
0xaa: {  	[sflag:s23] =	ssyncset.done $0x0  }
0xab: {  	s25 =	simm.s32 $0x1B8E;
	s24 =	sld [smem:$0x3FFE];
	[sflag:s23] =	ssyncadd.s32 $0xFFFFFFFF  }
0xac: {  	s26 =	simm.s32 $execute0_lowered;
	[smem:$0x3FD2] =	sst s25  }
0xad: {  	s7 =	sshll.u32 s26, $0x1;
	_ =	strace $0x80000046;
	[dreg:$0x1] =	wrdreg $0xFFFFFFFF  }
0xae: {  	s28 =	simm.s32 $_size_execute0_lowered;
	s5 =	sadd.s32 s5, s7;
	[dreg:$0x0] =	wrdreg $0x0  }
0xaf: {  	s7 =	sshll.u32 s28, $0x1;
	[dreg:$0x2] =	wrdreg s5  }
0xb0: {  	[dreg:$0x3] =	wrdreg s7  }
0xb1: {  	[dreg:$0x4] =	wrdreg $0xC0  }
0xb2: {  	_ =	task [dreg:s9], $0x5FFFF  }
0xb3: {  	[dreg:$0x1] =	wrdreg $0xFFFFFFFF  }
0xb4: {  	[dreg:$0x0] =	wrdreg $0x60  }
0xb5: {  	[dreg:$0x2] =	wrdreg s4  }
0xb6: {  	[dreg:$0x3] =	wrdreg s16  }
0xb7: {  	[dreg:$0x4] =	wrdreg s15  }
0xb8: {  	[dreg:$0x5] =	wrdreg s24  }
0xb9: {  	[dreg:$0x6] =	wrdreg $0x9  }
0xba: {  	_ =	task.clear_ibuf [dreg:s9], $0x7FFFF;
	_ =	strace $0x90000046  }
0xbb: {  	s29 =	simm.s32 $0x9;
	_ =	strace $0x80000048  }
0xbc: {  	_ =	swait.ge [sflag:s29], $0x1  }
0xbd: {  	[sflag:s29] =	ssyncadd.s32 $0xFFFFFFFF  }
0xbe: {  	_ =	strace $0x90000048  }
0xbf: {  	_ =	sfence  }
0xc0: {  	s30 =	sld [smem:$0x0];
	_ =	sdelay $0x2  }
0xc1: {  	s31 =	sshll.u32 s1, $0xD;
	s1 =	sshrl.u32 s1, $0x2  }
0xc2: {  	s3 =	sand.u32 $0x4000, s31;
	s1 =	sadd.s32 s1, s30  }
0xc3: {  	s0 =	sor.u32 s3, s0;
	s1 =	sshll.u32 s1, $0x11  }
0xc4: {  	s0 =	sor.u32 s1, s0  }
0xc5: {  	s0 =	sadd.s32 $0x8F2B, s0  }
0xc6: {  	[sflag:s0] =	ssyncadd.remote.s32 $0x1  }
0xc7: {  	_ =	sfence.sel $0xFFFF  }
0xc8: {  	[dreg:$0x0] =	wrdreg $0xFFFFFFFF;
	(pc) =	sbr.abs _section_cstart, $3  }
0xc9: {  	[dreg:$0x1] =	wrdreg $0xFFFFFFFF  }
0xca: {  	_ =	task.clear_ibuf [dreg:s9], $0x2FFFF;
	_ =	strace $0x9FFFFFFF  }
0xcb: {  	(tm) =	ssettm $0x7FFFFFFF  }
tec
execute0_lowered:
.L_overlay_start_1:
0x0: {  	(tag) =	ssettag $0x1  }
0x1: {  	s0 =	rddreg [dreg:$0x0]  }
0x2: {  	s1 =	rddreg [dreg:$0x1]  }
0x3: {  	s2 =	rddreg [dreg:$0x2]  }
0x4: {  	s6 =	rddreg [dreg:$0x3]  }
0x5: {  	s4 =	simm.s32 $0x0;
	s5 =	srdreg.scid;
	s3 =	stileid.u32  }
0x6: {  	s11 =	simm.s32 $0x3;
	s12 =	simm.s32 $0x1000;
	s13 =	simm.s32 $0x7A1400  }
0x7: {  	s14 =	simm.s32 $0x8900;
	s15 =	simm.s32 $0x10900;
	s16 =	simm.s32 $0x1  }
0x8: {  	s17 =	simm.s32 $0x18A00;
	s18 =	simm.s32 $0x10;
	s19 =	simm.s32 $0x1CE00  }
0x9: {  	s20 =	simm.s32 $0x2;
	[smem:$0x7FF] =	sst s4;
	s7 =	sand.u32 $0x1, s5  }
.Ltmp0:
0xa: {  	s29 =	sshll.u32 s3, $0x1;
	s6 =	sadd.s32 $0xC00, s6;
	(pc) =	sbr.rel .LBB2_1-.Ltmp0, $4  }
0xb: {  	_ =	strace $0x80000047;
	s5 =	sor.u32 s7, s29;
	s8 =	ssub.s32 $0x2, s7  }
0xc: {  	v1 =	vlaneseq.u32;
	s30 =	sshll.u32 s5, $0x9;
	s9 =	sshrl.u32 s8, $0x1;
	s10 =	ssub.s32 $0x7C0, s5  }
0xd: {  	v2 =	vor.u32 $0x80000010, v1;
	p0 =	sne.s32 s5, $0x1;
	s7 =	sadd.s32 s0, s30;
	s31 =	ssub.s32 s8, s9  }
0xe: {  	v3 =	vor.u32 $0x80000000, v1;
	v4 =	vmul.u32 $0x80, v1;
	v0 =	vmov s5;
	s8 =	sshrl.u32 s10, $0x5;
	s9 =	sadd.s32 $0x4000, s7;
	s10 =	smax.u32 s31, $0x1  }
.LBB2_44:
0xf: {  	[sflag:s20] =	ssyncadd.s32 $0xFFFFF800  }
.LBB2_45:
0x10: {  	s4 =	sadd.s32 $0x1, s4  }
0x11: {  	p1 =	sne.s32 s4, s10  }
.Ltmp1:
0x12: {  	_ = 	snop;
	(pc) =	sbr.rel @!p1 .LBB2_46-.Ltmp1, $1  }
0x13: {  	_ =	sdelay $0x3  }
.LBB2_1:
0x14: {  	s21 =	simm.s32 $0x0;
	s24 =	simm.s32 $0x0;
	s22 =	simm.s32 $0x0  }
.LBB2_2:
0x15: {  	s0 =	sshll.u32 s22, $0x8  }
0x16: {  	s23 =	simm.s32 $0x0;
	s0 =	sadd.s32 s2, s0  }
0x17: {  	[tilespmem:s23], [sflag:$0x3] =	stream.linear.gather [hbm4b:s0+s23], $0x800, $0x38;
	[tilespmem:$0x1EE00] =	vst v63  }
0x18: {  	_ =	swait.ge [sflag:s11], $0x800  }
0x19: {  	[sflag:s11] =	ssyncset.done $0x0  }
0x1a: {  	s31 =	simm.s32 $0x0;
	[sflag:s11] =	ssyncadd.s32 $0xFFFFF800  }
0x1b: {  	v5 =	vld [tilespmem:s31+$0x0];
	_ =	sdelay $0x4  }
0x1c: {  	v6 =	vshrl.u32 v5, $0x9  }
0x1d: {  	v6 =	vand.u32 $0x1F, v6  }
0x1e: {  	vm0 =	veq.s32 v6, v0  }
0x1f: {  	v6 =	vsel vm0, v3, v2;
	v7 =	vmpcnt.ones.xlane vm0  }
0x20: {  	v8 =	vor.u32 s21, v1;
	(xrf1) =	vsort.ascd.msk.u32 $0xffff, v6, v5  }
0x21: {  	(xrf1) =	vsort.ascd.msk.u32 $0xffff, v6, v8;
	(v2sf) =	vpush v7, $0x0;
	_ =	sdelay $0xc  }
0x22: {  	_, v5, _ =	vpop (xrf1)  }
0x23: {  	s25 =	simm.s32 $0x80;
	[tilespmem:s24+$0x800] =	vst v5;
	_, v5, _ =	vpop (xrf1)  }
0x24: {  	s26 =	simm.s32 $0x10;
	s23 =	smov.u32 s21;
	[tilespmem:s24+$0x4880] =	vst v5;
	s0 =	spop (v2sf)  }
.LBB2_3:
0x25: {  	s24 =	sadd.s32 s24, s0  }
0x26: {  	v5 =	vld [tilespmem:s26+$0x0];
	s23 =	sadd.s32 $0x10, s23;
	s0 =	smov.u32 s25;
	s28 =	sadd.s32 $0x40, s25  }
0x27: {  	p1 =	sne.s32 s25, $0x1FC0;
	_ =	sdelay $0x3  }
0x28: {  	v6 =	vshrl.u32 v5, $0x9  }
0x29: {  	v6 =	vand.u32 $0x1F, v6  }
0x2a: {  	vm0 =	veq.s32 v6, v0  }
0x2b: {  	v6 =	vsel vm0, v3, v2;
	v7 =	vmpcnt.ones.xlane vm0  }
0x2c: {  	v8 =	vor.u32 s23, v1;
	(xrf1) =	vsort.ascd.msk.u32 $0xffff, v6, v5  }
0x2d: {  	(xrf1) =	vsort.ascd.msk.u32 $0xffff, v6, v8;
	(v2sf) =	vpush v7, $0x0;
	_ =	sdelay $0xa  }
.Ltmp2:
0x2e: {  	(pc) =	sbr.rel @p1 .LBB2_3-.Ltmp2, $4  }
0x2f: {  	_ = 	snop  }
0x30: {  	_, v5, _ =	vpop (xrf1)  }
0x31: {  	[tilespmem:s24+$0x800] =	vst v5;
	_, v5, _ =	vpop (xrf1)  }
0x32: {  	s26 =	sshra.s32 s0, $0x2;
	s25 =	smov.u32 s28;
	[tilespmem:s24+$0x4880] =	vst v5;
	s0 =	spop (v2sf)  }
0x33: {  	v5 =	vld [tilespmem:s26+$0x0];
	_ =	sdelay $0x4  }
0x34: {  	v6 =	vshrl.u32 v5, $0x9  }
0x35: {  	v6 =	vand.u32 $0x1F, v6  }
0x36: {  	vm0 =	veq.s32 v6, v0  }
0x37: {  	v6 =	vmpcnt.ones.xlane vm0  }
0x38: {  	s23 =	sadd.s32 $0x10, s23;
	v7 =	vsel vm0, v3, v2  }
0x39: {  	v8 =	vor.u32 s23, v1;
	(xrf1) =	vsort.ascd.msk.u32 $0xffff, v7, v5;
	(v2sf) =	vpush v6, $0x0  }
0x3a: {  	(xrf1) =	vsort.ascd.msk.u32 $0xffff, v7, v8;
	_ =	sdelay $0x8  }
0x3b: {  	s22 =	sadd.s32 $0x1, s22  }
0x3c: {  	p1 =	sne.s32 s22, $0x8  }
.Ltmp3:
0x3d: {  	_ = 	snop;
	(pc) =	sbr.rel @p1 .LBB2_2-.Ltmp3, $4  }
0x3e: {  	_ = 	snop  }
0x3f: {  	s0 =	sadd.s32 s24, s0;
	_, v5, _ =	vpop (xrf1)  }
0x40: {  	[tilespmem:s0+$0x800] =	vst v5;
	_, v5, _ =	vpop (xrf1);
	s31 =	spop (v2sf)  }
0x41: {  	s21 =	sadd.s32 $0x800, s21;
	[tilespmem:s0+$0x4880] =	vst v5;
	s24 =	sadd.s32 s0, s31  }
0x42: {  	[tilespmem:s14], [sflag:$0x1] =	stream.strided.gather [hbm4b:s7+s12], $0x8000, s13, s12, $0x38;
	[tilespmem:$0x1EE00] =	vst v63  }
.Ltmp4:
0x43: {  	_ = 	snop;
	(pc) =	sbr.rel .LBB2_6-.Ltmp4, $4  }
0x44: {  	s0 =	sadd.s32 $0xF, s24  }
0x45: {  	s21 =	simm.s32 $0x0;
	s23 =	sshra.s32 s0, $0x4  }
0x46: {  	[tilespmem:s15], [sflag:$0x1] =	stream.strided.gather [hbm4b:s9+s12], $0x8000, s13, s12, $0x38;
	[tilespmem:$0x1EE00] =	vst v63  }
0x47: {  	v5 =	vmov s24;
	s22 =	simm.s32 $0x0;
	s24 =	simm.s32 $0x0;
	p1 =	slt.s32 s23, $0x1  }
.LBB2_18:
0x48: {  	s22 =	smov.u32 @p2 s22;
	s21 =	smov.u32 @p2 s21  }
.LBB2_29:
0x49: {  	s0 =	sadd.s32 $0x3, s25  }
0x4a: {  	p2 =	sge.u32 s0, s8  }
0x4b: {  	s24 =	sadd.s32 $0x1, s24;
	s0 =	sshll.u32 @!p2 s0, $0xE;
	s25 =	simm.s32 @!p2 $0x1000  }
0x4c: {  	s26 =	simm.s32 @!p2 $0x7A1400;
	s28 =	simm.s32 @!p2 $0x10900;
	s0 =	sadd.s32 @!p2 s0, s7  }
0x4d: {  	[tilespmem:s28], [sflag:$0x1] =	stream.strided.gather @!p2 [hbm4b:s0+s25], $0x8000, s26, s25, $0x38;
	[tilespmem:$0x1EE00] =	vst v63  }
0x4e: {  	p2 =	sne.s32 s24, $0x1F  }
.Ltmp5:
0x4f: {  	_ = 	snop;
	(pc) =	sbr.rel @!p2 .LBB2_30-.Ltmp5, $1  }
0x50: {  	_ =	sdelay $0x3  }
.LBB2_6:
.Ltmp6:
0x51: {  	(pc) =	sbr.rel @p1 .LBB2_17-.Ltmp6, $4  }
0x52: {  	_ = 	snop  }
0x53: {  	_ =	swait.ge [sflag:s16], $0x8000  }
0x54: {  	[sflag:s16] =	ssyncset.done $0x0  }
0x55: {  	[sflag:s16] =	ssyncadd.s32 $0xFFFF8000  }
.Ltmp7:
0x56: {  	(pc) =	sbr.rel .LBB2_8-.Ltmp7, $4  }
0x57: {  	_ = 	snop  }
0x58: {  	s0 =	sshll.u32 s24, $0x6  }
0x59: {  	s0 =	sor.u32 s5, s0  }
0x5a: {  	s25 =	simm.s32 $0x0;
	s26 =	simm.s32 $0x0;
	v6 =	vmov s0  }
.LBB2_11:
0x5b: {  	_ =	sdelay $0x1  }
0x5c: {  	v14 =	vshll.u32 v13, $0x9  }
0x5d: {  	v61 =	vshll.u32 v13, $0x7;
	v14 =	vand.u32 $0x7000, v14  }
0x5e: {  	[tilespmem:v12+s17+$0x0] =	vst.idx.msk $0xffff, v10;
	v62 =	vand.u32 $0x380, v61;
	v8 =	vadd.s32 v8, v14  }
0x5f: {  	v63 =	vor.u32 s28, v9;
	v11 =	vld.idx.msk [tilespmem:v11+s14+$0x0], $0xffff;
	v8 =	vor.u32 v62, v8  }
0x60: {  	v7 =	vor.u32 v7, v8;
	_ =	sdelay $0x3  }
0x61: {  	[tilespmem:v63+s17+$0x0] =	vst.idx.msk $0xffff, v11  }
0x62: {  	v8 =	vor.u32 s30, v9;
	v7 =	vld.idx.msk [tilespmem:v7+s14+$0x0], $0xffff;
	_ =	sdelay $0x2  }
0x63: {  	s0 =	sshll.u32 s22, $0xD  }
0x64: {  	s0 =	sshra.s32 s0, $0x2  }
0x65: {  	s0 =	sadd.s32 $0x18A00, s0;
	[tilespmem:v8+s17+$0x0] =	vst.idx.msk $0xffff, v7  }
0x66: {  	[hbm4b:s6+s18] =	stream.indirect.scatter [tilespmem:s0], [sflag:$0x2], $0x80, s29, s18, $0xb8;
	[tilespmem:$0x1EE00] =	vst v63  }
0x67: {  	v7 =	vld [tilespmem:$0x18910]  }
0x68: {  	v8 =	vld [tilespmem:$0x18990];
	_ =	sdelay $0x2  }
0x69: {  	s21 =	sadd.s32 $0x1, s21  }
0x6a: {  	s31 =	sadd.s32 $0x1, s22;
	p2 =	slt.s32 s21, $0x8;
	[tilespmem:$0x18900] =	vst v7  }
0x6b: {  	s25 =	sadd.s32 $0xFFFFFFF0, s25;
	s22 =	sand.u32 $0x7, s31;
	s21 =	simm.s32 @!p2 $0x8;
	[tilespmem:$0x18980] =	vst v8  }
.LBB2_12:
0x6c: {  	s26 =	sadd.s32 $0x1, s26  }
0x6d: {  	p2 =	sne.s32 s26, s23  }
.Ltmp8:
0x6e: {  	_ = 	snop;
	(pc) =	sbr.rel @!p2 .LBB2_13-.Ltmp8, $1  }
0x6f: {  	_ =	sdelay $0x3  }
.LBB2_8:
0x70: {  	s0 =	sshll.u32 s26, $0x4  }
0x71: {  	v7 =	vld [tilespmem:s0+$0x800];
	_ =	sdelay $0x4  }
0x72: {  	v9 =	vor.u32 s0, v1;
	v10 =	vshra.s32 v7, $0x9  }
0x73: {  	v8 =	vld [tilespmem:s0+$0x4880];
	vm0 =	vlt.s32 v9, v5;
	vm1 =	veq.s32 v10, v6  }
0x74: {  	vm0 =	vmand vm0, vm1  }
0x75: {  	v63 =	vmpcnt.ones.xlane vm0  }
0x76: {  	v7 =	vand.u32 $0x1FF, v7;
	v62 =	vsel vm0, v3, v2  }
0x77: {  	(xrf1) =	vsort.ascd.msk.u32 $0xffff, v62, v7;
	(v2sf) =	vpush v63, $0x0  }
0x78: {  	(xrf1) =	vsort.ascd.msk.u32 $0xffff, v62, v8;
	_ =	sdelay $0xc  }
0x79: {  	_, v7, _ =	vpop (xrf1)  }
0x7a: {  	[tilespmem:s25+$0x18900] =	vst v7;
	_, v7, _ =	vpop (xrf1);
	s31 =	spop (v2sf)  }
0x7b: {  	[tilespmem:s25+$0x18980] =	vst v7;
	s25 =	sadd.s32 s25, s31  }
0x7c: {  	p2 =	slt.s32 s25, $0x10  }
.Ltmp9:
0x7d: {  	_ = 	snop;
	(pc) =	sbr.rel @p2 .LBB2_12-.Ltmp9, $1  }
0x7e: {  	_ =	sdelay $0x3  }
0x7f: {  	p2 =	slt.s32 s21, $0x8  }
0x80: {  	s0 =	simm.s32 @!p2 $0x2  }
0x81: {  	_ =	swait.ge @!p2 [sflag:s0], $0x800  }
0x82: {  	[sflag:s0] =	ssyncset.done @!p2 $0x0  }
0x83: {  	[sflag:s0] =	ssyncadd.s32 @!p2 $0xFFFFF800  }
0x84: {  	v7 =	vld [tilespmem:$0x18900];
	_ =	sdelay $0x4  }
0x85: {  	v8 =	vmov s25;
	v9 =	vbroadcast v7, $0x0  }
0x86: {  	vm0 =	vgt.s32 v8, v1;
	s0 =	simm.s32 $0x0  }
0x87: {  	v7 =	vsel vm0, v7, v9;
	v9 =	vmov s0  }
0x88: {  	v10 =	vld [tilespmem:$0x18980];
	v8 =	vshll.u32 v7, $0x3;
	v11 =	vshll.u32 v9, $0x9  }
0x89: {  	v9 =	vshll.u32 v9, $0x7;
	v8 =	vand.u32 $0xFFFFFC00, v8;
	v11 =	vand.u32 $0x7000, v11  }
0x8a: {  	v9 =	vand.u32 $0x380, v9;
	v11 =	vadd.s32 v8, v11  }
0x8b: {  	v7 =	vand.u32 $0x7F, v7;
	v9 =	vor.u32 v9, v11  }
0x8c: {  	s28 =	simm.s32 $0x1;
	v11 =	vor.u32 v7, v9  }
0x8d: {  	v12 =	vbroadcast v10, $0x0;
	v9 =	vmov s28  }
0x8e: {  	s29 =	sshll.u32 s22, $0x9;
	v13 =	vshll.u32 v9, $0x9  }
0x8f: {  	s30 =	sshll.u32 s22, $0xB;
	s29 =	sshra.s32 s29, $0x2;
	v10 =	vsel vm0, v10, v12;
	v9 =	vshll.u32 v9, $0x7;
	v13 =	vand.u32 $0x7000, v13  }
0x90: {  	[tilespmem:s29+$0x1CA00] =	vst v10;
	v12 =	vadd.s32 v8, v13;
	v13 =	vand.u32 $0x380, v9;
	v9 =	vor.u32 s30, v4  }
0x91: {  	v13 =	vor.u32 v13, v12;
	v12 =	vor.u32 s0, v9;
	v10 =	vld.idx.msk [tilespmem:v11+s14+$0x0], $0xffff  }
0x92: {  	v11 =	vor.u32 v7, v13  }
0x93: {  	s30 =	simm.s32 $0x2  }
0x94: {  	s31 =	simm.s32 $0x3;
	s29 =	sadd.s32 $0x1CA00, s29;
	v13 =	vmov s30  }
.LBB2_10:
0x95: {  	p2 =	sne.s32 s31, $0x3F;
	v14 =	vshll.u32 v13, $0x9  }
0x96: {  	v13 =	vshll.u32 v13, $0x7;
	v14 =	vand.u32 $0x7000, v14;
	[tilespmem:v12+s17+$0x0] =	vst.idx.msk $0xffff, v10  }
.Ltmp10:
0x97: {  	v13 =	vand.u32 $0x380, v13;
	v12 =	vadd.s32 v8, v14;
	v10 =	vld.idx.msk [tilespmem:v11+s14+$0x0], $0xffff;
	(pc) =	sbr.rel @p2 .LBB2_10-.Ltmp10, $3  }
0x98: {  	v11 =	vor.u32 v13, v12;
	v12 =	vor.u32 s28, v9;
	s28 =	smov.u32 s30;
	s30 =	smov.u32 s31  }
0x99: {  	v11 =	vor.u32 v7, v11;
	_ =	sdelay $0x1  }
0x9a: {  	s31 =	sadd.s32 $0x1, s31;
	v13 =	vmov s30  }
.Ltmp11:
0x9b: {  	_ = 	snop;
	(pc) =	sbr.rel .LBB2_11-.Ltmp11, $1  }
0x9c: {  	_ =	sdelay $0x3  }
.LBB2_13:
0x9d: {  	p2 =	slt.s32 s25, $0x1  }
.Ltmp12:
0x9e: {  	_ = 	snop;
	(pc) =	sbr.rel @p2 .LBB2_17-.Ltmp12, $1  }
0x9f: {  	_ =	sdelay $0x3  }
0xa0: {  	p2 =	slt.s32 s21, $0x8  }
0xa1: {  	s0 =	simm.s32 @!p2 $0x2  }
0xa2: {  	_ =	swait.ge @!p2 [sflag:s0], $0x800  }
0xa3: {  	[sflag:s0] =	ssyncset.done @!p2 $0x0  }
0xa4: {  	[sflag:s0] =	ssyncadd.s32 @!p2 $0xFFFFF800  }
0xa5: {  	v6 =	vld [tilespmem:$0x18900];
	_ =	sdelay $0x4  }
0xa6: {  	v7 =	vmov s25;
	v8 =	vbroadcast v6, $0x0  }
0xa7: {  	s31 =	simm.s32 $0x0;
	vm0 =	vgt.s32 v7, v1  }
0xa8: {  	v6 =	vsel vm0, v6, v8;
	v8 =	vmov s31  }
0xa9: {  	v9 =	vld [tilespmem:$0x18980];
	v7 =	vshll.u32 v6, $0x3;
	v10 =	vshll.u32 v8, $0x9  }
0xaa: {  	v8 =	vshll.u32 v8, $0x7;
	v7 =	vand.u32 $0xFFFFFC00, v7;
	v10 =	vand.u32 $0x7000, v10  }
0xab: {  	v8 =	vand.u32 $0x380, v8;
	v10 =	vadd.s32 v7, v10  }
0xac: {  	v6 =	vand.u32 $0x7F, v6;
	v8 =	vor.u32 v8, v10  }
0xad: {  	s25 =	simm.s32 $0x1;
	v10 =	vor.u32 v6, v8  }
0xae: {  	v11 =	vbroadcast v9, $0x0;
	v8 =	vmov s25  }
0xaf: {  	s26 =	sshll.u32 s22, $0x9;
	v12 =	vshll.u32 v8, $0x9  }
0xb0: {  	s28 =	sshll.u32 s22, $0xB;
	s26 =	sshra.s32 s26, $0x2;
	v9 =	vsel vm0, v9, v11;
	v8 =	vshll.u32 v8, $0x7;
	v12 =	vand.u32 $0x7000, v12  }
0xb1: {  	[tilespmem:s26+$0x1CA00] =	vst v9;
	v11 =	vadd.s32 v7, v12;
	v12 =	vand.u32 $0x380, v8;
	v8 =	vor.u32 s28, v4  }
0xb2: {  	v12 =	vor.u32 v12, v11;
	v11 =	vor.u32 s31, v8;
	v9 =	vld.idx.msk [tilespmem:v10+s14+$0x0], $0xffff  }
0xb3: {  	v10 =	vor.u32 v6, v12  }
0xb4: {  	s28 =	simm.s32 $0x2  }
0xb5: {  	s29 =	simm.s32 $0x3;
	s26 =	sadd.s32 $0x1CA00, s26;
	v12 =	vmov s28  }
.LBB2_15:
0xb6: {  	p2 =	sne.s32 s29, $0x3F;
	v13 =	vshll.u32 v12, $0x9  }
0xb7: {  	v12 =	vshll.u32 v12, $0x7;
	v13 =	vand.u32 $0x7000, v13;
	[tilespmem:v11+s17+$0x0] =	vst.idx.msk $0xffff, v9  }
.Ltmp13:
0xb8: {  	v12 =	vand.u32 $0x380, v12;
	v11 =	vadd.s32 v7, v13;
	v9 =	vld.idx.msk [tilespmem:v10+s14+$0x0], $0xffff;
	(pc) =	sbr.rel @p2 .LBB2_15-.Ltmp13, $3  }
0xb9: {  	v10 =	vor.u32 v12, v11;
	v11 =	vor.u32 s25, v8;
	s25 =	smov.u32 s28;
	s28 =	smov.u32 s29  }
0xba: {  	v10 =	vor.u32 v6, v10;
	_ =	sdelay $0x1  }
0xbb: {  	s29 =	sadd.s32 $0x1, s29;
	v12 =	vmov s28  }
0xbc: {  	_ =	sdelay $0x1  }
0xbd: {  	v13 =	vshll.u32 v12, $0x9  }
0xbe: {  	v61 =	vshll.u32 v12, $0x7;
	v13 =	vand.u32 $0x7000, v13  }
0xbf: {  	[tilespmem:v11+s17+$0x0] =	vst.idx.msk $0xffff, v9;
	v62 =	vand.u32 $0x380, v61;
	v7 =	vadd.s32 v7, v13  }
0xc0: {  	v63 =	vor.u32 s25, v8;
	v10 =	vld.idx.msk [tilespmem:v10+s14+$0x0], $0xffff;
	v7 =	vor.u32 v62, v7  }
0xc1: {  	v6 =	vor.u32 v6, v7;
	_ =	sdelay $0x3  }
0xc2: {  	[tilespmem:v63+s17+$0x0] =	vst.idx.msk $0xffff, v10  }
0xc3: {  	v7 =	vor.u32 s28, v8;
	v6 =	vld.idx.msk [tilespmem:v6+s14+$0x0], $0xffff;
	_ =	sdelay $0x2  }
0xc4: {  	s0 =	sshll.u32 s22, $0xD  }
0xc5: {  	s0 =	sshra.s32 s0, $0x2  }
0xc6: {  	s0 =	sadd.s32 $0x18A00, s0;
	[tilespmem:v7+s17+$0x0] =	vst.idx.msk $0xffff, v6  }
0xc7: {  	[hbm4b:s6+s18] =	stream.indirect.scatter [tilespmem:s0], [sflag:$0x2], $0x80, s26, s18, $0xb8;
	[tilespmem:$0x1EE00] =	vst v63  }
0xc8: {  	v6 =	vld [tilespmem:$0x18910]  }
0xc9: {  	v7 =	vld [tilespmem:$0x18990];
	_ =	sdelay $0x2  }
0xca: {  	s21 =	sadd.s32 $0x1, s21  }
0xcb: {  	s31 =	sadd.s32 $0x1, s22;
	p2 =	slt.s32 s21, $0x8;
	[tilespmem:$0x18900] =	vst v6  }
0xcc: {  	s22 =	sand.u32 $0x7, s31;
	s21 =	simm.s32 @!p2 $0x8;
	[tilespmem:$0x18980] =	vst v7  }
.LBB2_17:
0xcd: {  	s25 =	sshll.u32 s24, $0x1  }
0xce: {  	s0 =	sadd.s32 $0x2, s25  }
0xcf: {  	p2 =	sge.u32 s0, s8  }
0xd0: {  	s0 =	sshll.u32 @!p2 s0, $0xE;
	s26 =	simm.s32 @!p2 $0x1000  }
0xd1: {  	s28 =	simm.s32 @!p2 $0x7A1400;
	s29 =	simm.s32 @!p2 $0x8900;
	s0 =	sadd.s32 @!p2 s0, s7  }
0xd2: {  	[tilespmem:s29], [sflag:$0x1] =	stream.strided.gather @!p2 [hbm4b:s0+s26], $0x8000, s28, s26, $0x38;
	[tilespmem:$0x1EE00] =	vst v63  }
0xd3: {  	s0 =	sor.u32 $0x1, s25  }
0xd4: {  	p2 =	sge.u32 s0, s8  }
0xd5: {  	p3 =	slt.s32 @!p2 s23, $0x1  }
0xd6: {  	p3 =	por p2, p3  }
.Ltmp14:
0xd7: {  	_ = 	snop;
	(pc) =	sbr.rel @p3 .LBB2_18-.Ltmp14, $4  }
0xd8: {  	s26 =	simm.s32 @!p2 $0x1  }
0xd9: {  	_ =	swait.ge @!p2 [sflag:s26], $0x8000  }
0xda: {  	[sflag:s26] =	ssyncset.done @!p2 $0x0  }
0xdb: {  	[sflag:s26] =	ssyncadd.s32 @!p2 $0xFFFF8000  }
.Ltmp15:
0xdc: {  	(pc) =	sbr.rel .LBB2_20-.Ltmp15, $4  }
0xdd: {  	_ = 	snop  }
0xde: {  	s0 =	sshll.u32 s0, $0x5  }
0xdf: {  	s0 =	sor.u32 s5, s0  }
0xe0: {  	s26 =	simm.s32 $0x0;
	s28 =	simm.s32 $0x0;
	v6 =	vmov s0  }
.LBB2_24:
0xe1: {  	s28 =	sadd.s32 $0x1, s28  }
0xe2: {  	p2 =	sne.s32 s28, s23  }
.Ltmp16:
0xe3: {  	_ = 	snop;
	(pc) =	sbr.rel @!p2 .LBB2_25-.Ltmp16, $1  }
0xe4: {  	_ =	sdelay $0x3  }
.LBB2_20:
0xe5: {  	s0 =	sshll.u32 s28, $0x4  }
0xe6: {  	v7 =	vld [tilespmem:s0+$0x800];
	_ =	sdelay $0x4  }
0xe7: {  	v9 =	vor.u32 s0, v1;
	v10 =	vshra.s32 v7, $0x9  }
0xe8: {  	v8 =	vld [tilespmem:s0+$0x4880];
	vm0 =	vlt.s32 v9, v5;
	vm1 =	veq.s32 v10, v6  }
0xe9: {  	vm0 =	vmand vm0, vm1  }
0xea: {  	v63 =	vmpcnt.ones.xlane vm0  }
0xeb: {  	v7 =	vand.u32 $0x1FF, v7;
	v62 =	vsel vm0, v3, v2  }
0xec: {  	(xrf1) =	vsort.ascd.msk.u32 $0xffff, v62, v7;
	(v2sf) =	vpush v63, $0x0  }
0xed: {  	(xrf1) =	vsort.ascd.msk.u32 $0xffff, v62, v8;
	_ =	sdelay $0xc  }
0xee: {  	_, v7, _ =	vpop (xrf1)  }
0xef: {  	[tilespmem:s26+$0x18900] =	vst v7;
	_, v7, _ =	vpop (xrf1);
	s31 =	spop (v2sf)  }
0xf0: {  	[tilespmem:s26+$0x18980] =	vst v7;
	s26 =	sadd.s32 s26, s31  }
0xf1: {  	p2 =	slt.s32 s26, $0x10  }
.Ltmp17:
0xf2: {  	_ = 	snop;
	(pc) =	sbr.rel @p2 .LBB2_24-.Ltmp17, $1  }
0xf3: {  	_ =	sdelay $0x3  }
0xf4: {  	p2 =	slt.s32 s21, $0x8  }
0xf5: {  	s0 =	simm.s32 @!p2 $0x2  }
0xf6: {  	_ =	swait.ge @!p2 [sflag:s0], $0x800  }
0xf7: {  	[sflag:s0] =	ssyncset.done @!p2 $0x0  }
0xf8: {  	[sflag:s0] =	ssyncadd.s32 @!p2 $0xFFFFF800  }
0xf9: {  	v7 =	vld [tilespmem:$0x18900];
	_ =	sdelay $0x4  }
0xfa: {  	v8 =	vmov s26;
	v9 =	vbroadcast v7, $0x0  }
0xfb: {  	vm0 =	vgt.s32 v8, v1;
	s0 =	simm.s32 $0x0  }
0xfc: {  	v7 =	vsel vm0, v7, v9;
	v9 =	vmov s0  }
0xfd: {  	v10 =	vld [tilespmem:$0x18980];
	v8 =	vshll.u32 v7, $0x3;
	v11 =	vshll.u32 v9, $0x9  }
0xfe: {  	v9 =	vshll.u32 v9, $0x7;
	v8 =	vand.u32 $0xFFFFFC00, v8;
	v11 =	vand.u32 $0x7000, v11  }
0xff: {  	v9 =	vand.u32 $0x380, v9;
	v11 =	vadd.s32 v8, v11  }
0x100: {  	v7 =	vand.u32 $0x7F, v7;
	v9 =	vor.u32 v9, v11  }
0x101: {  	s29 =	simm.s32 $0x1;
	v11 =	vor.u32 v7, v9  }
0x102: {  	v12 =	vbroadcast v10, $0x0;
	v9 =	vmov s29  }
0x103: {  	s30 =	sshll.u32 s22, $0x9;
	v13 =	vshll.u32 v9, $0x9  }
0x104: {  	s31 =	sshll.u32 s22, $0xB;
	s30 =	sshra.s32 s30, $0x2;
	v10 =	vsel vm0, v10, v12;
	v9 =	vshll.u32 v9, $0x7;
	v13 =	vand.u32 $0x7000, v13  }
0x105: {  	[tilespmem:s30+$0x1CA00] =	vst v10;
	v12 =	vadd.s32 v8, v13;
	v13 =	vand.u32 $0x380, v9;
	v9 =	vor.u32 s31, v4  }
0x106: {  	v13 =	vor.u32 v13, v12;
	v12 =	vor.u32 s0, v9;
	v10 =	vld.idx.msk [tilespmem:v11+s15+$0x0], $0xffff  }
0x107: {  	v11 =	vor.u32 v7, v13  }
0x108: {  	s31 =	simm.s32 $0x2  }
0x109: {  	s30 =	sadd.s32 $0x1CA00, s30;
	s0 =	simm.s32 $0x3;
	v13 =	vmov s31  }
.LBB2_22:
0x10a: {  	p2 =	sne.s32 s0, $0x3F;
	v14 =	vshll.u32 v13, $0x9  }
0x10b: {  	v13 =	vshll.u32 v13, $0x7;
	v14 =	vand.u32 $0x7000, v14;
	[tilespmem:v12+s17+$0x0] =	vst.idx.msk $0xffff, v10  }
.Ltmp18:
0x10c: {  	v13 =	vand.u32 $0x380, v13;
	v12 =	vadd.s32 v8, v14;
	v10 =	vld.idx.msk [tilespmem:v11+s15+$0x0], $0xffff;
	(pc) =	sbr.rel @p2 .LBB2_22-.Ltmp18, $3  }
0x10d: {  	v11 =	vor.u32 v13, v12;
	v12 =	vor.u32 s29, v9;
	s29 =	smov.u32 s31;
	s31 =	smov.u32 s0  }
0x10e: {  	v11 =	vor.u32 v7, v11;
	_ =	sdelay $0x1  }
0x10f: {  	s0 =	sadd.s32 $0x1, s0;
	v13 =	vmov s31  }
0x110: {  	_ =	sdelay $0x1  }
0x111: {  	v14 =	vshll.u32 v13, $0x9  }
0x112: {  	v61 =	vshll.u32 v13, $0x7;
	v14 =	vand.u32 $0x7000, v14  }
0x113: {  	[tilespmem:v12+s17+$0x0] =	vst.idx.msk $0xffff, v10;
	v62 =	vand.u32 $0x380, v61;
	v8 =	vadd.s32 v8, v14  }
0x114: {  	v63 =	vor.u32 s29, v9;
	v11 =	vld.idx.msk [tilespmem:v11+s15+$0x0], $0xffff;
	v8 =	vor.u32 v62, v8  }
0x115: {  	v7 =	vor.u32 v7, v8;
	_ =	sdelay $0x3  }
0x116: {  	[tilespmem:v63+s17+$0x0] =	vst.idx.msk $0xffff, v11  }
0x117: {  	v8 =	vor.u32 s31, v9;
	v7 =	vld.idx.msk [tilespmem:v7+s15+$0x0], $0xffff;
	_ =	sdelay $0x2  }
0x118: {  	s0 =	sshll.u32 s22, $0xD  }
0x119: {  	s0 =	sshra.s32 s0, $0x2  }
0x11a: {  	s0 =	sadd.s32 $0x18A00, s0;
	[tilespmem:v8+s17+$0x0] =	vst.idx.msk $0xffff, v7  }
0x11b: {  	[hbm4b:s6+s18] =	stream.indirect.scatter [tilespmem:s0], [sflag:$0x2], $0x80, s30, s18, $0xb8;
	[tilespmem:$0x1EE00] =	vst v63  }
0x11c: {  	v7 =	vld [tilespmem:$0x18910]  }
0x11d: {  	v8 =	vld [tilespmem:$0x18990]  }
.Ltmp19:
0x11e: {  	_ = 	snop;
	(pc) =	sbr.rel .LBB2_24-.Ltmp19, $4  }
0x11f: {  	_ = 	snop  }
0x120: {  	s21 =	sadd.s32 $0x1, s21  }
0x121: {  	p2 =	slt.s32 s21, $0x8;
	s31 =	sadd.s32 $0x1, s22;
	[tilespmem:$0x18900] =	vst v7  }
0x122: {  	s26 =	sadd.s32 $0xFFFFFFF0, s26;
	s21 =	simm.s32 @!p2 $0x8;
	s22 =	sand.u32 $0x7, s31;
	[tilespmem:$0x18980] =	vst v8  }
.LBB2_25:
0x123: {  	p2 =	slt.s32 s26, $0x1  }
.Ltmp20:
0x124: {  	_ = 	snop;
	(pc) =	sbr.rel @p2 .LBB2_29-.Ltmp20, $1  }
0x125: {  	_ =	sdelay $0x3  }
0x126: {  	p2 =	slt.s32 s21, $0x8  }
0x127: {  	s0 =	simm.s32 @!p2 $0x2  }
0x128: {  	_ =	swait.ge @!p2 [sflag:s0], $0x800  }
0x129: {  	[sflag:s0] =	ssyncset.done @!p2 $0x0  }
0x12a: {  	[sflag:s0] =	ssyncadd.s32 @!p2 $0xFFFFF800  }
0x12b: {  	v6 =	vld [tilespmem:$0x18900];
	_ =	sdelay $0x4  }
0x12c: {  	v7 =	vmov s26;
	v8 =	vbroadcast v6, $0x0  }
0x12d: {  	s31 =	simm.s32 $0x0;
	vm0 =	vgt.s32 v7, v1  }
0x12e: {  	v6 =	vsel vm0, v6, v8;
	v8 =	vmov s31  }
0x12f: {  	v9 =	vld [tilespmem:$0x18980];
	v7 =	vshll.u32 v6, $0x3;
	v10 =	vshll.u32 v8, $0x9  }
0x130: {  	v8 =	vshll.u32 v8, $0x7;
	v7 =	vand.u32 $0xFFFFFC00, v7;
	v10 =	vand.u32 $0x7000, v10  }
0x131: {  	v8 =	vand.u32 $0x380, v8;
	v10 =	vadd.s32 v7, v10  }
0x132: {  	v6 =	vand.u32 $0x7F, v6;
	v8 =	vor.u32 v8, v10  }
0x133: {  	s26 =	simm.s32 $0x1;
	v10 =	vor.u32 v6, v8  }
0x134: {  	v11 =	vbroadcast v9, $0x0;
	v8 =	vmov s26  }
0x135: {  	s28 =	sshll.u32 s22, $0x9;
	v12 =	vshll.u32 v8, $0x9  }
0x136: {  	s29 =	sshll.u32 s22, $0xB;
	s28 =	sshra.s32 s28, $0x2;
	v9 =	vsel vm0, v9, v11;
	v8 =	vshll.u32 v8, $0x7;
	v12 =	vand.u32 $0x7000, v12  }
0x137: {  	[tilespmem:s28+$0x1CA00] =	vst v9;
	v11 =	vadd.s32 v7, v12;
	v12 =	vand.u32 $0x380, v8;
	v8 =	vor.u32 s29, v4  }
0x138: {  	v12 =	vor.u32 v12, v11;
	v11 =	vor.u32 s31, v8;
	v9 =	vld.idx.msk [tilespmem:v10+s15+$0x0], $0xffff  }
0x139: {  	v10 =	vor.u32 v6, v12  }
0x13a: {  	s29 =	simm.s32 $0x2  }
0x13b: {  	s0 =	simm.s32 $0x3;
	s28 =	sadd.s32 $0x1CA00, s28;
	v12 =	vmov s29  }
.LBB2_27:
0x13c: {  	p2 =	sne.s32 s0, $0x3F;
	v13 =	vshll.u32 v12, $0x9  }
0x13d: {  	v12 =	vshll.u32 v12, $0x7;
	v13 =	vand.u32 $0x7000, v13;
	[tilespmem:v11+s17+$0x0] =	vst.idx.msk $0xffff, v9  }
.Ltmp21:
0x13e: {  	v12 =	vand.u32 $0x380, v12;
	v11 =	vadd.s32 v7, v13;
	v9 =	vld.idx.msk [tilespmem:v10+s15+$0x0], $0xffff;
	(pc) =	sbr.rel @p2 .LBB2_27-.Ltmp21, $3  }
0x13f: {  	v10 =	vor.u32 v12, v11;
	v11 =	vor.u32 s26, v8;
	s26 =	smov.u32 s29;
	s29 =	smov.u32 s0  }
0x140: {  	v10 =	vor.u32 v6, v10;
	_ =	sdelay $0x1  }
0x141: {  	s0 =	sadd.s32 $0x1, s0;
	v12 =	vmov s29  }
0x142: {  	_ =	sdelay $0x1  }
0x143: {  	v13 =	vshll.u32 v12, $0x9  }
0x144: {  	v61 =	vshll.u32 v12, $0x7;
	v13 =	vand.u32 $0x7000, v13  }
0x145: {  	[tilespmem:v11+s17+$0x0] =	vst.idx.msk $0xffff, v9;
	v62 =	vand.u32 $0x380, v61;
	v7 =	vadd.s32 v7, v13  }
0x146: {  	v63 =	vor.u32 s26, v8;
	v10 =	vld.idx.msk [tilespmem:v10+s15+$0x0], $0xffff;
	v7 =	vor.u32 v62, v7  }
0x147: {  	v6 =	vor.u32 v6, v7;
	_ =	sdelay $0x3  }
0x148: {  	[tilespmem:v63+s17+$0x0] =	vst.idx.msk $0xffff, v10  }
0x149: {  	v7 =	vor.u32 s29, v8;
	v6 =	vld.idx.msk [tilespmem:v6+s15+$0x0], $0xffff;
	_ =	sdelay $0x2  }
0x14a: {  	s0 =	sshll.u32 s22, $0xD  }
0x14b: {  	s0 =	sshra.s32 s0, $0x2  }
0x14c: {  	s0 =	sadd.s32 $0x18A00, s0;
	[tilespmem:v7+s17+$0x0] =	vst.idx.msk $0xffff, v6  }
0x14d: {  	[hbm4b:s6+s18] =	stream.indirect.scatter [tilespmem:s0], [sflag:$0x2], $0x80, s28, s18, $0xb8;
	[tilespmem:$0x1EE00] =	vst v63  }
0x14e: {  	v6 =	vld [tilespmem:$0x18910]  }
0x14f: {  	v7 =	vld [tilespmem:$0x18990]  }
.Ltmp22:
0x150: {  	_ = 	snop;
	(pc) =	sbr.rel .LBB2_29-.Ltmp22, $4  }
0x151: {  	_ = 	snop  }
0x152: {  	s21 =	sadd.s32 $0x1, s21  }
0x153: {  	s31 =	sadd.s32 $0x1, s22;
	p2 =	slt.s32 s21, $0x8;
	[tilespmem:$0x18900] =	vst v6  }
0x154: {  	s22 =	sand.u32 $0x7, s31;
	s21 =	simm.s32 @!p2 $0x8;
	[tilespmem:$0x18980] =	vst v7  }
.LBB2_30:
0x155: {  	s24 =	simm.s32 @!p0 $0x0;
	s0 =	simm.s32 @!p0 $0x1CE00;
	p1 =	slt.s32 @!p0 s23, $0x1  }
0x156: {  	[tilespmem:s0], [sflag:$0x3] =	stream.linear.gather @!p0 [hbm4b:s1+s24], $0x2000, $0x38;
	[tilespmem:$0x1EE00] =	vst v63  }
0x157: {  	p1 =	por p0, p1  }
.Ltmp23:
0x158: {  	_ = 	snop;
	(pc) =	sbr.rel @p1 .LBB2_47-.Ltmp23, $4  }
0x159: {  	s0 =	simm.s32 @!p0 $0x3  }
0x15a: {  	_ =	swait.ge @!p0 [sflag:s0], $0x2000  }
0x15b: {  	[sflag:s0] =	ssyncset.done @!p0 $0x0  }
0x15c: {  	[sflag:s0] =	ssyncadd.s32 @!p0 $0xFFFFE000  }
.Ltmp24:
0x15d: {  	(pc) =	sbr.rel .LBB2_32-.Ltmp24, $2  }
0x15e: {  	_ =	sdelay $0x2  }
0x15f: {  	s25 =	simm.s32 @!p0 $0x0  }
.LBB2_36:
0x160: {  	s25 =	sadd.s32 $0x1, s25  }
0x161: {  	p1 =	sne.s32 s25, s23  }
.Ltmp25:
0x162: {  	_ = 	snop;
	(pc) =	sbr.rel @!p1 .LBB2_37-.Ltmp25, $1  }
0x163: {  	_ =	sdelay $0x3  }
.LBB2_32:
0x164: {  	s0 =	sshll.u32 s25, $0x4  }
0x165: {  	v6 =	vld [tilespmem:s0+$0x800];
	_ =	sdelay $0x4  }
0x166: {  	v8 =	vor.u32 s0, v1;
	v9 =	vand.u32 $0xFFFFFE00, v6  }
0x167: {  	v7 =	vld [tilespmem:s0+$0x4880];
	vm0 =	vlt.s32 v8, v5;
	vm1 =	veq.s32 v9, $0xF4200  }
0x168: {  	vm0 =	vmand vm0, vm1  }
0x169: {  	v63 =	vmpcnt.ones.xlane vm0  }
0x16a: {  	v6 =	vand.u32 $0x1FF, v6;
	v62 =	vsel vm0, v3, v2  }
0x16b: {  	(xrf1) =	vsort.ascd.msk.u32 $0xffff, v62, v6;
	(v2sf) =	vpush v63, $0x0  }
0x16c: {  	(xrf1) =	vsort.ascd.msk.u32 $0xffff, v62, v7;
	_ =	sdelay $0xc  }
0x16d: {  	_, v6, _ =	vpop (xrf1)  }
0x16e: {  	[tilespmem:s24+$0x18900] =	vst v6;
	_, v6, _ =	vpop (xrf1);
	s31 =	spop (v2sf)  }
0x16f: {  	[tilespmem:s24+$0x18980] =	vst v6;
	s24 =	sadd.s32 s24, s31  }
0x170: {  	p1 =	slt.s32 s24, $0x10  }
.Ltmp26:
0x171: {  	_ = 	snop;
	(pc) =	sbr.rel @p1 .LBB2_36-.Ltmp26, $1  }
0x172: {  	_ =	sdelay $0x3  }
0x173: {  	p1 =	slt.s32 s21, $0x8  }
0x174: {  	s0 =	simm.s32 @!p1 $0x2  }
0x175: {  	_ =	swait.ge @!p1 [sflag:s0], $0x800  }
0x176: {  	[sflag:s0] =	ssyncset.done @!p1 $0x0  }
0x177: {  	[sflag:s0] =	ssyncadd.s32 @!p1 $0xFFFFF800  }
0x178: {  	v6 =	vld [tilespmem:$0x18900];
	_ =	sdelay $0x3  }
0x179: {  	v7 =	vld [tilespmem:$0x18980]  }
0x17a: {  	v8 =	vmov s24;
	s26 =	simm.s32 $0x0;
	v9 =	vbroadcast v6, $0x0  }
0x17b: {  	vm0 =	vgt.s32 v8, v1;
	v8 =	vmov s26  }
0x17c: {  	v8 =	vshll.u32 v8, $0x7;
	v6 =	vsel vm0, v6, v9  }
0x17d: {  	v8 =	vadd.s32 v6, v8  }
0x17e: {  	v9 =	vbroadcast v7, $0x0  }
0x17f: {  	s31 =	sshll.u32 s22, $0x9  }
0x180: {  	s0 =	sshra.s32 s31, $0x2;
	v7 =	vsel vm0, v7, v9  }
0x181: {  	s30 =	sshll.u32 s22, $0xB;
	s29 =	simm.s32 $0x1;
	[tilespmem:s0+$0x1CA00] =	vst v7  }
0x182: {  	s28 =	sadd.s32 $0x1CA00, s0;
	v9 =	vmov s29;
	v7 =	vor.u32 s30, v4;
	s0 =	simm.s32 $0x2;
	v8 =	vld.idx.msk [tilespmem:v8+s19+$0x0], $0xffff  }
.LBB2_34:
0x183: {  	p1 =	sne.s32 s0, $0x3F;
	v9 =	vshll.u32 v9, $0x7;
	v10 =	vor.u32 s26, v7;
	s26 =	smov.u32 s29;
	s29 =	smov.u32 s0  }
0x184: {  	v11 =	vadd.s32 v6, v9  }
.Ltmp27:
0x185: {  	(pc) =	sbr.rel @p1 .LBB2_34-.Ltmp27, $3  }
0x186: {  	_ =	sdelay $0x1  }
0x187: {  	[tilespmem:v10+s17+$0x0] =	vst.idx.msk $0xffff, v8  }
0x188: {  	s0 =	sadd.s32 $0x1, s0;
	v9 =	vmov s29;
	v8 =	vld.idx.msk [tilespmem:v11+s19+$0x0], $0xffff  }
0x189: {  	v9 =	vshll.u32 v9, $0x7;
	v10 =	vor.u32 s26, v7  }
0x18a: {  	v6 =	vadd.s32 v6, v9;
	_ =	sdelay $0x3  }
0x18b: {  	[tilespmem:v10+s17+$0x0] =	vst.idx.msk $0xffff, v8  }
0x18c: {  	v7 =	vor.u32 s29, v7;
	v6 =	vld.idx.msk [tilespmem:v6+s19+$0x0], $0xffff;
	_ =	sdelay $0x2  }
0x18d: {  	s0 =	sshll.u32 s22, $0xD  }
0x18e: {  	s0 =	sshra.s32 s0, $0x2  }
0x18f: {  	s0 =	sadd.s32 $0x18A00, s0;
	[tilespmem:v7+s17+$0x0] =	vst.idx.msk $0xffff, v6  }
0x190: {  	[hbm4b:s6+s18] =	stream.indirect.scatter [tilespmem:s0], [sflag:$0x2], $0x80, s28, s18, $0xb8;
	[tilespmem:$0x1EE00] =	vst v63  }
0x191: {  	v6 =	vld [tilespmem:$0x18910]  }
0x192: {  	v7 =	vld [tilespmem:$0x18990]  }
.Ltmp28:
0x193: {  	_ = 	snop;
	(pc) =	sbr.rel .LBB2_36-.Ltmp28, $4  }
0x194: {  	_ = 	snop  }
0x195: {  	s21 =	sadd.s32 $0x1, s21  }
0x196: {  	s31 =	sadd.s32 $0x1, s22;
	p1 =	slt.s32 s21, $0x8;
	[tilespmem:$0x18900] =	vst v6  }
0x197: {  	s24 =	sadd.s32 $0xFFFFFFF0, s24;
	s22 =	sand.u32 $0x7, s31;
	s21 =	simm.s32 @!p1 $0x8;
	[tilespmem:$0x18980] =	vst v7  }
.LBB2_37:
0x198: {  	p1 =	slt.s32 s24, $0x1  }
.Ltmp29:
0x199: {  	_ = 	snop;
	(pc) =	sbr.rel @p1 .LBB2_41-.Ltmp29, $1  }
0x19a: {  	_ =	sdelay $0x3  }
0x19b: {  	p1 =	slt.s32 s21, $0x8  }
0x19c: {  	s0 =	simm.s32 @!p1 $0x2  }
0x19d: {  	_ =	swait.ge @!p1 [sflag:s0], $0x800  }
0x19e: {  	[sflag:s0] =	ssyncset.done @!p1 $0x0  }
0x19f: {  	[sflag:s0] =	ssyncadd.s32 @!p1 $0xFFFFF800  }
0x1a0: {  	v5 =	vld [tilespmem:$0x18900];
	_ =	sdelay $0x3  }
0x1a1: {  	v6 =	vld [tilespmem:$0x18980]  }
0x1a2: {  	v7 =	vmov s24;
	s23 =	simm.s32 $0x0;
	v8 =	vbroadcast v5, $0x0  }
0x1a3: {  	vm0 =	vgt.s32 v7, v1;
	v7 =	vmov s23  }
0x1a4: {  	v7 =	vshll.u32 v7, $0x7;
	v5 =	vsel vm0, v5, v8  }
0x1a5: {  	v7 =	vadd.s32 v5, v7  }
0x1a6: {  	v8 =	vbroadcast v6, $0x0  }
0x1a7: {  	s31 =	sshll.u32 s22, $0x9  }
0x1a8: {  	s0 =	sshra.s32 s31, $0x2;
	v6 =	vsel vm0, v6, v8  }
0x1a9: {  	s26 =	sshll.u32 s22, $0xB;
	s25 =	simm.s32 $0x1;
	[tilespmem:s0+$0x1CA00] =	vst v6  }
0x1aa: {  	s24 =	sadd.s32 $0x1CA00, s0;
	v8 =	vmov s25;
	v6 =	vor.u32 s26, v4;
	s0 =	simm.s32 $0x2;
	v7 =	vld.idx.msk [tilespmem:v7+s19+$0x0], $0xffff  }
.LBB2_39:
0x1ab: {  	p1 =	sne.s32 s0, $0x3F;
	v8 =	vshll.u32 v8, $0x7;
	v9 =	vor.u32 s23, v6;
	s23 =	smov.u32 s25;
	s25 =	smov.u32 s0  }
0x1ac: {  	v10 =	vadd.s32 v5, v8  }
.Ltmp30:
0x1ad: {  	(pc) =	sbr.rel @p1 .LBB2_39-.Ltmp30, $3  }
0x1ae: {  	_ =	sdelay $0x1  }
0x1af: {  	[tilespmem:v9+s17+$0x0] =	vst.idx.msk $0xffff, v7  }
0x1b0: {  	s0 =	sadd.s32 $0x1, s0;
	v8 =	vmov s25;
	v7 =	vld.idx.msk [tilespmem:v10+s19+$0x0], $0xffff  }
0x1b1: {  	v8 =	vshll.u32 v8, $0x7;
	v9 =	vor.u32 s23, v6  }
0x1b2: {  	v5 =	vadd.s32 v5, v8;
	_ =	sdelay $0x3  }
0x1b3: {  	[tilespmem:v9+s17+$0x0] =	vst.idx.msk $0xffff, v7  }
0x1b4: {  	v6 =	vor.u32 s25, v6;
	v5 =	vld.idx.msk [tilespmem:v5+s19+$0x0], $0xffff;
	_ =	sdelay $0x2  }
0x1b5: {  	s0 =	sshll.u32 s22, $0xD  }
0x1b6: {  	s0 =	sshra.s32 s0, $0x2  }
0x1b7: {  	s0 =	sadd.s32 $0x18A00, s0;
	[tilespmem:v6+s17+$0x0] =	vst.idx.msk $0xffff, v5  }
0x1b8: {  	[hbm4b:s6+s18] =	stream.indirect.scatter [tilespmem:s0], [sflag:$0x2], $0x80, s24, s18, $0xb8;
	[tilespmem:$0x1EE00] =	vst v63  }
0x1b9: {  	v5 =	vld [tilespmem:$0x18910]  }
0x1ba: {  	v6 =	vld [tilespmem:$0x18990]  }
.Ltmp31:
0x1bb: {  	_ = 	snop;
	(pc) =	sbr.rel .LBB2_41-.Ltmp31, $4  }
0x1bc: {  	_ = 	snop  }
0x1bd: {  	s21 =	sadd.s32 $0x1, s21  }
0x1be: {  	p1 =	slt.s32 s21, $0x8;
	[tilespmem:$0x18900] =	vst v5  }
0x1bf: {  	s21 =	simm.s32 @!p1 $0x8;
	[tilespmem:$0x18980] =	vst v6  }
.LBB2_47:
0x1c0: {  	s21 =	smov.u32 @p0 s21  }
.LBB2_41:
0x1c1: {  	p1 =	slt.s32 s21, $0x1  }
.Ltmp32:
0x1c2: {  	_ = 	snop;
	(pc) =	sbr.rel @p1 .LBB2_45-.Ltmp32, $1  }
0x1c3: {  	_ =	sdelay $0x3  }
0x1c4: {  	p1 =	sne.s32 s21, $0x1  }
.Ltmp33:
0x1c5: {  	_ = 	snop;
	(pc) =	sbr.rel @!p1 .LBB2_44-.Ltmp33, $3  }
0x1c6: {  	_ =	sdelay $0x1  }
0x1c7: {  	_ =	swait.ge [sflag:s20], $0x800  }
0x1c8: {  	s0 =	sadd.s32 $0xFFFFFFFF, s21;
	[sflag:s20] =	ssyncset.done $0x0  }
.LBB2_43:
0x1c9: {  	p1 =	sne.s32 s0, $0x1;
	s0 =	sadd.s32 $0xFFFFFFFF, s0;
	[sflag:s20] =	ssyncadd.s32 $0xFFFFF800  }
.Ltmp34:
0x1ca: {  	(pc) =	sbr.rel @p1 .LBB2_43-.Ltmp34, $3  }
0x1cb: {  	_ =	sdelay $0x1  }
0x1cc: {  	_ =	swait.ge [sflag:s20], $0x800  }
0x1cd: {  	[sflag:s20] =	ssyncset.done $0x0  }
.Ltmp35:
0x1ce: {  	_ = 	snop;
	(pc) =	sbr.rel .LBB2_44-.Ltmp35, $1  }
0x1cf: {  	_ =	sdelay $0x3  }
.LBB2_46:
0x1d0: {  	_ =	sfence.sel $0x180000  }
0x1d1: {  	[bflag:$0x0] =	sbarrier.arrive $0xFFFF  }
0x1d2: {  	_ =	strace $0x90000047  }
0x1d3: {  	[bflag:$0x2] =	sbarrier.arrive $0xFFFF  }
0x1d4: {  	p0 =	sne.s32 s3, $0x0;
	s0 =	rddreg [dreg:$0x4]  }
0x1d5: {  	s0 =	sadd.s32 @!p0 $0x100000, s0  }
0x1d6: {  	[sflag:s0] =	ssyncadd.tile.s32 @!p0 $0x1;
	_ =	shalt  }
.Lfunc_end2:
_tile_overlayer_lowered:
.L_overlay_start_2:
0x1d7: {  	(tag) =	ssettag $0x2  }
0x1d8: {  	s0 =	rddreg [dreg:$0x0];
	s2 =	stileid.u32  }
0x1d9: {  	s1 =	rddreg [dreg:$0x1];
	p0 =	sne.s32 s2, $0x0  }
0x1da: {  	s3 =	rddreg [dreg:$0x2];
	[bflag:$0x3] =	sbarrier.arrive $0xFFFF;
	s2 =	simm.s32 @!p0 $0x1C03  }
0x1db: {  	[timem:s3], [sflag:s2] =	dma.local @!p0 [hbm:s0], s1  }
0x1dc: {  	s0 =	simm.s32 @!p0 $0x3  }
0x1dd: {  	_ =	swait.ge @!p0 [sflag:s0], s1  }
0x1de: {  	s1 =	ssub.s32 @!p0 $0x0, s1;
	[sflag:s0] =	ssyncset.done @!p0 $0x0  }
0x1df: {  	[sflag:s0] =	ssyncadd.s32 @!p0 s1  }
0x1e0: {  	[bflag:$0x3] =	sbarrier.arrive $0xFFFF  }
0x1e1: {  	_ =	shalt  }

</sc_bundles>
